<compile_context>
chip_gen: v7x
topology: tpu7x:2x2x1
jax: 0.10.2.dev20260603
libtpu: 0.0.44.dev20260713+nightly
codegen_flags: <defaults>
</compile_context>

<pallas_src>
import functools

import jax
import jax.numpy as jnp
from jax import lax
from jax.experimental import pallas as pl
from jax.experimental.pallas import tpu as pltpu
from jax.experimental.pallas import tpu_sc as plsc

_LANES = 16
_C = 4
_G = 16


@functools.lru_cache(maxsize=None)
def _build_gmf(batch: int, dim: int):
    info = plsc.get_sparse_core_info()
    nc, ns = info.num_cores, info.num_subcores
    nw = nc * ns
    assert batch % (_G * nw) == 0 and dim == 32
    b_per_w = batch // nw
    n_groups = b_per_w // _G
    out_rows_w = b_per_w * dim // 128

    mesh = plsc.VectorSubcoreMesh(core_axis_name="c", subcore_axis_name="s")

    @functools.partial(
        pl.kernel,
        mesh=mesh,
        compiler_params=pltpu.CompilerParams(needs_layout_passes=False),
        out_type=jax.ShapeDtypeStruct((batch * dim // 128, 128), jnp.float32),
        scratch_types=[
            pltpu.VMEM((b_per_w,), jnp.int32),
            pltpu.VMEM((b_per_w,), jnp.int32),
            pltpu.VMEM((2 * _C, dim, 128), jnp.float32),
            pltpu.VMEM((2 * _C, dim, 128), jnp.float32),
            pltpu.VMEM((out_rows_w, 128), jnp.float32),
            pltpu.SemaphoreType.DMA,
            pltpu.SemaphoreType.DMA,
        ],
    )
    def gmf(uidx_hbm, iidx_hbm, utab_hbm, itab_hbm, out_hbm,
            uidx_v, iidx_v, stage0, stage1, outs, sem0, sem1):
        wid = lax.axis_index("s") * nc + lax.axis_index("c")
        base = wid * b_per_w
        pltpu.sync_copy(uidx_hbm.at[pl.ds(base, b_per_w)], uidx_v)
        pltpu.sync_copy(iidx_hbm.at[pl.ds(base, b_per_w)], iidx_v)

        f_lo = lax.iota(jnp.int32, _LANES)
        stages = [stage0, stage1]
        sems = [sem0, sem1]

        def issue(j, ucol, icol, stage, sem):
            for r in range(_C):
                col = pl.multiple_of(ucol[4 * j + r], 128)
                pltpu.async_copy(utab_hbm.at[:, pl.ds(col, 128)],
                                 stage.at[r], sem)
            for r in range(_C):
                col = pl.multiple_of(icol[4 * j + r], 128)
                pltpu.async_copy(itab_hbm.at[:, pl.ds(col, 128)],
                                 stage.at[_C + r], sem)

        def drain(stage, sem):
            for r in range(2 * _C):
                pltpu.make_async_copy(utab_hbm.at[:, pl.ds(0, 128)],
                                      stage.at[r], sem).wait()

        def consume(cbase, j, ulane, ilane, stage):
            for r in range(_C):
                k = 4 * j + r
                urow = jnp.full((_LANES,), r, dtype=jnp.int32)
                irow = jnp.full((_LANES,), _C + r, dtype=jnp.int32)
                ul = jnp.full((_LANES,), ulane[k], dtype=jnp.int32)
                il = jnp.full((_LANES,), ilane[k], dtype=jnp.int32)
                u_lo = plsc.load_gather(stage, [urow, f_lo, ul])
                u_hi = plsc.load_gather(stage, [urow, f_lo + _LANES, ul])
                i_lo = plsc.load_gather(stage, [irow, f_lo, il])
                i_hi = plsc.load_gather(stage, [irow, f_lo + _LANES, il])
                b = cbase + r
                orow = jnp.full((_LANES,), b // 4, dtype=jnp.int32)
                ocol = (b % 4) * 32 + f_lo
                plsc.store_scatter(outs, [orow, ocol], u_lo * i_lo)
                plsc.store_scatter(outs, [orow, ocol + _LANES], u_hi * i_hi)

        def vecs(g):
            uvec = uidx_v[pl.ds(g * _G, _G)]
            ivec = iidx_v[pl.ds(g * _G, _G)]
            return (uvec & jnp.int32(~127), uvec & jnp.int32(127),
                    ivec & jnp.int32(~127), ivec & jnp.int32(127))

        def group(g, carry):
            ulane_p, ilane_p = carry
            ucol, ulane, icol, ilane = vecs(g)
            for j in range(4):
                issue(j, ucol, icol, stages[j & 1], sems[j & 1])
                if j == 0:
                    @pl.when(g > 0)
                    def _():
                        drain(stages[1], sems[1])
                        consume(g * _G - _C, 3, ulane_p, ilane_p, stages[1])
                else:
                    drain(stages[(j - 1) & 1], sems[(j - 1) & 1])
                    consume(g * _G + _C * (j - 1), j - 1, ulane, ilane,
                            stages[(j - 1) & 1])
            return (ulane, ilane)

        zeros = jnp.zeros((_G,), jnp.int32)
        ulane_f, ilane_f = lax.fori_loop(0, n_groups, group, (zeros, zeros))
        drain(stages[1], sems[1])
        consume(b_per_w - _C, 3, ulane_f, ilane_f, stages[1])
        pltpu.sync_copy(outs, out_hbm.at[pl.ds(wid * out_rows_w, out_rows_w)])

    return gmf


def kernel(user_idx, item_idx, user_table, item_table):
    batch, = user_idx.shape
    _, dim = user_table.shape
    gmf = _build_gmf(batch, dim)
    out = gmf(user_idx.astype(jnp.int32), item_idx.astype(jnp.int32),
              user_table.T, item_table.T)
    return out.reshape(batch, dim)

# --- scband reference (transcript-rebuilt; emitter-appended) ---
"""Pipeline reference for scband-gmf-72361609003076 (READ-ONLY COPY).

The authoritative reference and input builder live on the scoring server;
editing this copy changes nothing except your own understanding.
"""

import jax, jax.numpy as jnp
import numpy as np

USER_LEN = 1000000
ITEM_LEN = 1000000
DIM = 32
BATCH = 16384

def setup_inputs(seed: int = 0) -> dict:
    key = jax.random.key(seed)
    k1, k2, k3, k4 = jax.random.split(key, 4)
    user_idx = jax.random.randint(k1, (BATCH,), 0, USER_LEN, dtype=jnp.int64) if jax.config.jax_enable_x64 else jax.random.randint(k1, (BATCH,), 0, USER_LEN).astype(jnp.int32)
    item_idx = jax.random.randint(k2, (BATCH,), 0, ITEM_LEN).astype(user_idx.dtype)
    user_table = jax.random.normal(k3, (USER_LEN, DIM), dtype=jnp.float32)
    item_table = jax.random.normal(k4, (ITEM_LEN, DIM), dtype=jnp.float32)
    return {"user_idx": user_idx, "item_idx": item_idx, "user_table": user_table, "item_table": item_table}

def reference(user_idx, item_idx, user_table, item_table):
    # GMF forward: elementwise product of user and item embeddings
    u = jnp.take(user_table, user_idx, axis=0)
    v = jnp.take(item_table, item_idx, axis=0)
    return u * v

if __name__ == "__main__":
    import jax
    _d = setup_inputs()
    print(jax.jit(kernel)(*tuple(_d.values())))

</pallas_src>

<mosaic_0001>
#map = affine_map<(d0, d1) -> (0)>
#map1 = affine_map<(d0, d1) -> (0, 0)>
module attributes {stable_mosaic.version = 14 : i64} {
  func.func @gmf(%arg0: i32, %arg1: i32, %arg2: memref<16384xi32, #tpu.memory_space<hbm>>, %arg3: memref<16384xi32, #tpu.memory_space<hbm>>, %arg4: memref<32x1000000xf32, #tpu.memory_space<hbm>>, %arg5: memref<32x1000000xf32, #tpu.memory_space<hbm>>, %arg6: memref<4096x128xf32, #tpu.memory_space<hbm>>, %arg7: memref<512xi32, #tpu.memory_space<vmem>>, %arg8: memref<512xi32, #tpu.memory_space<vmem>>, %arg9: memref<8x32x128xf32, #tpu.memory_space<vmem>>, %arg10: memref<8x32x128xf32, #tpu.memory_space<vmem>>, %arg11: memref<128x128xf32, #tpu.memory_space<vmem>>, %arg12: memref<!tpu.dma_semaphore, #tpu.memory_space<semaphore_mem>>, %arg13: memref<!tpu.dma_semaphore, #tpu.memory_space<semaphore_mem>>) attributes {dimension_semantics = [#tpu.dimension_semantics<core_parallel>, #tpu.dimension_semantics<subcore_parallel>], iteration_bounds = array<i64: 2, 16>, scalar_prefetch = 0 : i64, scratch_operands = 7 : i64, tpu.core_type = #tpu.core_type<sc_vector_subcore>, window_params = [{transform_indices = #map}, {transform_indices = #map}, {transform_indices = #map1}, {transform_indices = #map1}, {transform_indices = #map1}]} {
    %mul3A = arith.constant 2 : i32
    %mul3A_0 = arith.muli %arg1, %mul3A : i32
    %add3A = arith.addi %mul3A_0, %arg0 : i32
    %mul3A_1 = arith.constant 512 : i32
    %mul3A_2 = arith.muli %add3A, %mul3A_1 : i32
    "tpu.region"() ({
      %run_scoped3A = tpu.sem_alloc : memref<!tpu.dma_semaphore, #tpu.memory_space<semaphore_mem>>
      %dma_start3A = tpu.memref_slice %arg2[%mul3A_2] : memref<16384xi32, #tpu.memory_space<hbm>> -> memref<512xi32, #tpu.memory_space<hbm>>
      %dma_start3A_247 = tpu.memref_slice %arg2[%mul3A_2] : memref<16384xi32, #tpu.memory_space<hbm>> -> memref<512xi32, #tpu.memory_space<hbm>>
      tpu.enqueue_dma source(%dma_start3A_247 : memref<512xi32, #tpu.memory_space<hbm>>) target(%arg7 : memref<512xi32, #tpu.memory_space<vmem>>) target_semaphore(%run_scoped3A : memref<!tpu.dma_semaphore, #tpu.memory_space<semaphore_mem>>)
      %dma_wait3A_248 = tpu.memref_slice %arg2[%mul3A_2] : memref<16384xi32, #tpu.memory_space<hbm>> -> memref<512xi32, #tpu.memory_space<hbm>>
      %dma_wait3A_249 = tpu.memref_slice %arg2[%mul3A_2] : memref<16384xi32, #tpu.memory_space<hbm>> -> memref<512xi32, #tpu.memory_space<hbm>>
      tpu.wait_dma2 semaphore(%run_scoped3A : memref<!tpu.dma_semaphore, #tpu.memory_space<semaphore_mem>>) src(%dma_wait3A_249 : memref<512xi32, #tpu.memory_space<hbm>>) dst(%arg7 : memref<512xi32, #tpu.memory_space<vmem>>)
      tpu.yield
    }) : () -> ()
    "tpu.region"() ({
      %run_scoped3A = tpu.sem_alloc : memref<!tpu.dma_semaphore, #tpu.memory_space<semaphore_mem>>
      %dma_start3A = tpu.memref_slice %arg3[%mul3A_2] : memref<16384xi32, #tpu.memory_space<hbm>> -> memref<512xi32, #tpu.memory_space<hbm>>
      %dma_start3A_247 = tpu.memref_slice %arg3[%mul3A_2] : memref<16384xi32, #tpu.memory_space<hbm>> -> memref<512xi32, #tpu.memory_space<hbm>>
      tpu.enqueue_dma source(%dma_start3A_247 : memref<512xi32, #tpu.memory_space<hbm>>) target(%arg8 : memref<512xi32, #tpu.memory_space<vmem>>) target_semaphore(%run_scoped3A : memref<!tpu.dma_semaphore, #tpu.memory_space<semaphore_mem>>)
      %dma_wait3A_248 = tpu.memref_slice %arg3[%mul3A_2] : memref<16384xi32, #tpu.memory_space<hbm>> -> memref<512xi32, #tpu.memory_space<hbm>>
      %dma_wait3A_249 = tpu.memref_slice %arg3[%mul3A_2] : memref<16384xi32, #tpu.memory_space<hbm>> -> memref<512xi32, #tpu.memory_space<hbm>>
      tpu.wait_dma2 semaphore(%run_scoped3A : memref<!tpu.dma_semaphore, #tpu.memory_space<semaphore_mem>>) src(%dma_wait3A_249 : memref<512xi32, #tpu.memory_space<hbm>>) dst(%arg8 : memref<512xi32, #tpu.memory_space<vmem>>)
      tpu.yield
    }) : () -> ()
    %iota3A = tpu.iota {dimensions = array<i32: 0>} : vector<16xi32>
    %broadcast_in_dim3A = arith.constant 0 : i32
    %broadcast_in_dim3A_3 = vector.broadcast %broadcast_in_dim3A : i32 to vector<16xi32>
    %scan3A = arith.constant 0 : i32
    %scan3A_4 = arith.constant 32 : i32
    %scan3A_5 = arith.addi %scan3A, %scan3A_4 : i32
    %scan3A_6 = arith.constant 1 : i32
    %scan3A_7:2 = scf.for %scan3A_247 = %scan3A to %scan3A_5 step %scan3A_6 iter_args(%scan3A_248 = %broadcast_in_dim3A_3, %scan3A_249 = %broadcast_in_dim3A_3) -> (vector<16xi32>, vector<16xi32>)  : i32 {
      %mul3A_250 = arith.constant 16 : i32
      %mul3A_251 = arith.muli %scan3A_247, %mul3A_250 : i32
      %get3A = arith.index_cast %mul3A_251 : i32 to index
      %get3A_252 = tpu.vector_load %arg7[%get3A] {strides = array<i32>} : memref<512xi32, #tpu.memory_space<vmem>>, vector<16xi32>,
      %mul3A_253 = arith.constant 16 : i32
      %mul3A_254 = arith.muli %scan3A_247, %mul3A_253 : i32
      %get3A_255 = arith.index_cast %mul3A_254 : i32 to index
      %get3A_256 = tpu.vector_load %arg8[%get3A_255] {strides = array<i32>} : memref<512xi32, #tpu.memory_space<vmem>>, vector<16xi32>,
      %and3A = arith.constant -128 : i32
      %and3A_257 = vector.broadcast %and3A : i32 to vector<16xi32>
      %and3A_258 = arith.andi %get3A_252, %and3A_257 : vector<16xi32>
      %and3A_259 = arith.constant 127 : i32
      %and3A_260 = vector.broadcast %and3A_259 : i32 to vector<16xi32>
      %and3A_261 = arith.andi %get3A_252, %and3A_260 : vector<16xi32>
      %and3A_262 = arith.constant -128 : i32
      %and3A_263 = vector.broadcast %and3A_262 : i32 to vector<16xi32>
      %and3A_264 = arith.andi %get3A_256, %and3A_263 : vector<16xi32>
      %and3A_265 = arith.constant 127 : i32
      %and3A_266 = vector.broadcast %and3A_265 : i32 to vector<16xi32>
      %and3A_267 = arith.andi %get3A_256, %and3A_266 : vector<16xi32>
      %slice3A_268 = vector.extract_strided_slice %and3A_258 {offsets = [0], sizes = [1], strides = [1]} : vector<16xi32> to vector<1xi32>
      %squeeze3A_269 = vector.extract %slice3A_268[0] : i32 from vector<1xi32>
      %multiple_of3A = tpu.assume_multiple %squeeze3A_269, 128 : i32
      %dma_start3A = arith.constant 0 : i32
      %dma_start3A_270 = arith.constant 0 : i32
      %dma_start3A_271 = arith.constant 0 : i32
      %dma_start3A_272 = tpu.memref_slice %arg9[%dma_start3A, %dma_start3A_270, %dma_start3A_271] : memref<8x32x128xf32, #tpu.memory_space<vmem>> -> memref<1x32x128xf32, #tpu.memory_space<vmem>>
      %dma_start3A_273 = tpu.memref_squeeze %dma_start3A_272 : memref<1x32x128xf32, #tpu.memory_space<vmem>> -> memref<32x128xf32, #tpu.memory_space<vmem>>
      %dma_start3A_274 = arith.constant 0 : i32
      %dma_start3A_275 = tpu.memref_slice %arg4[%dma_start3A_274, %multiple_of3A] : memref<32x1000000xf32, #tpu.memory_space<hbm>> -> memref<32x128xf32, #tpu.memory_space<hbm>>
      %dma_start3A_276 = arith.constant 0 : i32
      %dma_start3A_277 = arith.constant 0 : i32
      %dma_start3A_278 = tpu.memref_slice %arg9[%dma_start3A, %dma_start3A_276, %dma_start3A_277] : memref<8x32x128xf32, #tpu.memory_space<vmem>> -> memref<1x32x128xf32, #tpu.memory_space<vmem>>
      %dma_start3A_279 = tpu.memref_squeeze %dma_start3A_278 : memref<1x32x128xf32, #tpu.memory_space<vmem>> -> memref<32x128xf32, #tpu.memory_space<vmem>>
      %dma_start3A_280 = arith.constant 0 : i32
      %dma_start3A_281 = tpu.memref_slice %arg4[%dma_start3A_280, %multiple_of3A] : memref<32x1000000xf32, #tpu.memory_space<hbm>> -> memref<32x128xf32, #tpu.memory_space<hbm>>
      tpu.enqueue_dma source(%dma_start3A_281 : memref<32x128xf32, #tpu.memory_space<hbm>>) target(%dma_start3A_279 : memref<32x128xf32, #tpu.memory_space<vmem>>) target_semaphore(%arg12 : memref<!tpu.dma_semaphore, #tpu.memory_space<semaphore_mem>>)
      %slice3A_282 = vector.extract_strided_slice %and3A_258 {offsets = [1], sizes = [1], strides = [1]} : vector<16xi32> to vector<1xi32>
      %squeeze3A_283 = vector.extract %slice3A_282[0] : i32 from vector<1xi32>
      %multiple_of3A_284 = tpu.assume_multiple %squeeze3A_283, 128 : i32
      %dma_start3A_285 = arith.constant 1 : i32
      %dma_start3A_286 = arith.constant 0 : i32
      %dma_start3A_287 = arith.constant 0 : i32
      %dma_start3A_288 = tpu.memref_slice %arg9[%dma_start3A_285, %dma_start3A_286, %dma_start3A_287] : memref<8x32x128xf32, #tpu.memory_space<vmem>> -> memref<1x32x128xf32, #tpu.memory_space<vmem>>
      %dma_start3A_289 = tpu.memref_squeeze %dma_start3A_288 : memref<1x32x128xf32, #tpu.memory_space<vmem>> -> memref<32x128xf32, #tpu.memory_space<vmem>>
      %dma_start3A_290 = arith.constant 0 : i32
      %dma_start3A_291 = tpu.memref_slice %arg4[%dma_start3A_290, %multiple_of3A_284] : memref<32x1000000xf32, #tpu.memory_space<hbm>> -> memref<32x128xf32, #tpu.memory_space<hbm>>
      %dma_start3A_292 = arith.constant 0 : i32
      %dma_start3A_293 = arith.constant 0 : i32
      %dma_start3A_294 = tpu.memref_slice %arg9[%dma_start3A_285, %dma_start3A_292, %dma_start3A_293] : memref<8x32x128xf32, #tpu.memory_space<vmem>> -> memref<1x32x128xf32, #tpu.memory_space<vmem>>
      %dma_start3A_295 = tpu.memref_squeeze %dma_start3A_294 : memref<1x32x128xf32, #tpu.memory_space<vmem>> -> memref<32x128xf32, #tpu.memory_space<vmem>>
      %dma_start3A_296 = arith.constant 0 : i32
      %dma_start3A_297 = tpu.memref_slice %arg4[%dma_start3A_296, %multiple_of3A_284] : memref<32x1000000xf32, #tpu.memory_space<hbm>> -> memref<32x128xf32, #tpu.memory_space<hbm>>
      tpu.enqueue_dma source(%dma_start3A_297 : memref<32x128xf32, #tpu.memory_space<hbm>>) target(%dma_start3A_295 : memref<32x128xf32, #tpu.memory_space<vmem>>) target_semaphore(%arg12 : memref<!tpu.dma_semaphore, #tpu.memory_space<semaphore_mem>>)
      %slice3A_298 = vector.extract_strided_slice %and3A_258 {offsets = [2], sizes = [1], strides = [1]} : vector<16xi32> to vector<1xi32>
      %squeeze3A_299 = vector.extract %slice3A_298[0] : i32 from vector<1xi32>
      %multiple_of3A_300 = tpu.assume_multiple %squeeze3A_299, 128 : i32
      %dma_start3A_301 = arith.constant 2 : i32
      %dma_start3A_302 = arith.constant 0 : i32
      %dma_start3A_303 = arith.constant 0 : i32
      %dma_start3A_304 = tpu.memref_slice %arg9[%dma_start3A_301, %dma_start3A_302, %dma_start3A_303] : memref<8x32x128xf32, #tpu.memory_space<vmem>> -> memref<1x32x128xf32, #tpu.memory_space<vmem>>
      %dma_start3A_305 = tpu.memref_squeeze %dma_start3A_304 : memref<1x32x128xf32, #tpu.memory_space<vmem>> -> memref<32x128xf32, #tpu.memory_space<vmem>>
      %dma_start3A_306 = arith.constant 0 : i32
      %dma_start3A_307 = tpu.memref_slice %arg4[%dma_start3A_306, %multiple_of3A_300] : memref<32x1000000xf32, #tpu.memory_space<hbm>> -> memref<32x128xf32, #tpu.memory_space<hbm>>
      %dma_start3A_308 = arith.constant 0 : i32
      %dma_start3A_309 = arith.constant 0 : i32
      %dma_start3A_310 = tpu.memref_slice %arg9[%dma_start3A_301, %dma_start3A_308, %dma_start3A_309] : memref<8x32x128xf32, #tpu.memory_space<vmem>> -> memref<1x32x128xf32, #tpu.memory_space<vmem>>
      %dma_start3A_311 = tpu.memref_squeeze %dma_start3A_310 : memref<1x32x128xf32, #tpu.memory_space<vmem>> -> memref<32x128xf32, #tpu.memory_space<vmem>>
      %dma_start3A_312 = arith.constant 0 : i32
      %dma_start3A_313 = tpu.memref_slice %arg4[%dma_start3A_312, %multiple_of3A_300] : memref<32x1000000xf32, #tpu.memory_space<hbm>> -> memref<32x128xf32, #tpu.memory_space<hbm>>
      tpu.enqueue_dma source(%dma_start3A_313 : memref<32x128xf32, #tpu.memory_space<hbm>>) target(%dma_start3A_311 : memref<32x128xf32, #tpu.memory_space<vmem>>) target_semaphore(%arg12 : memref<!tpu.dma_semaphore, #tpu.memory_space<semaphore_mem>>)
      %slice3A_314 = vector.extract_strided_slice %and3A_258 {offsets = [3], sizes = [1], strides = [1]} : vector<16xi32> to vector<1xi32>
      %squeeze3A_315 = vector.extract %slice3A_314[0] : i32 from vector<1xi32>
      %multiple_of3A_316 = tpu.assume_multiple %squeeze3A_315, 128 : i32
      %dma_start3A_317 = arith.constant 3 : i32
      %dma_start3A_318 = arith.constant 0 : i32
      %dma_start3A_319 = arith.constant 0 : i32
      %dma_start3A_320 = tpu.memref_slice %arg9[%dma_start3A_317, %dma_start3A_318, %dma_start3A_319] : memref<8x32x128xf32, #tpu.memory_space<vmem>> -> memref<1x32x128xf32, #tpu.memory_space<vmem>>
      %dma_start3A_321 = tpu.memref_squeeze %dma_start3A_320 : memref<1x32x128xf32, #tpu.memory_space<vmem>> -> memref<32x128xf32, #tpu.memory_space<vmem>>
      %dma_start3A_322 = arith.constant 0 : i32
      %dma_start3A_323 = tpu.memref_slice %arg4[%dma_start3A_322, %multiple_of3A_316] : memref<32x1000000xf32, #tpu.memory_space<hbm>> -> memref<32x128xf32, #tpu.memory_space<hbm>>
      %dma_start3A_324 = arith.constant 0 : i32
      %dma_start3A_325 = arith.constant 0 : i32
      %dma_start3A_326 = tpu.memref_slice %arg9[%dma_start3A_317, %dma_start3A_324, %dma_start3A_325] : memref<8x32x128xf32, #tpu.memory_space<vmem>> -> memref<1x32x128xf32, #tpu.memory_space<vmem>>
      %dma_start3A_327 = tpu.memref_squeeze %dma_start3A_326 : memref<1x32x128xf32, #tpu.memory_space<vmem>> -> memref<32x128xf32, #tpu.memory_space<vmem>>
      %dma_start3A_328 = arith.constant 0 : i32
      %dma_start3A_329 = tpu.memref_slice %arg4[%dma_start3A_328, %multiple_of3A_316] : memref<32x1000000xf32, #tpu.memory_space<hbm>> -> memref<32x128xf32, #tpu.memory_space<hbm>>
      tpu.enqueue_dma source(%dma_start3A_329 : memref<32x128xf32, #tpu.memory_space<hbm>>) target(%dma_start3A_327 : memref<32x128xf32, #tpu.memory_space<vmem>>) target_semaphore(%arg12 : memref<!tpu.dma_semaphore, #tpu.memory_space<semaphore_mem>>)
      %slice3A_330 = vector.extract_strided_slice %and3A_264 {offsets = [0], sizes = [1], strides = [1]} : vector<16xi32> to vector<1xi32>
      %squeeze3A_331 = vector.extract %slice3A_330[0] : i32 from vector<1xi32>
      %multiple_of3A_332 = tpu.assume_multiple %squeeze3A_331, 128 : i32
      %dma_start3A_333 = arith.constant 4 : i32
      %dma_start3A_334 = arith.constant 0 : i32
      %dma_start3A_335 = arith.constant 0 : i32
      %dma_start3A_336 = tpu.memref_slice %arg9[%dma_start3A_333, %dma_start3A_334, %dma_start3A_335] : memref<8x32x128xf32, #tpu.memory_space<vmem>> -> memref<1x32x128xf32, #tpu.memory_space<vmem>>
      %dma_start3A_337 = tpu.memref_squeeze %dma_start3A_336 : memref<1x32x128xf32, #tpu.memory_space<vmem>> -> memref<32x128xf32, #tpu.memory_space<vmem>>
      %dma_start3A_338 = arith.constant 0 : i32
      %dma_start3A_339 = tpu.memref_slice %arg5[%dma_start3A_338, %multiple_of3A_332] : memref<32x1000000xf32, #tpu.memory_space<hbm>> -> memref<32x128xf32, #tpu.memory_space<hbm>>
      %dma_start3A_340 = arith.constant 0 : i32
      %dma_start3A_341 = arith.constant 0 : i32
      %dma_start3A_342 = tpu.memref_slice %arg9[%dma_start3A_333, %dma_start3A_340, %dma_start3A_341] : memref<8x32x128xf32, #tpu.memory_space<vmem>> -> memref<1x32x128xf32, #tpu.memory_space<vmem>>
      %dma_start3A_343 = tpu.memref_squeeze %dma_start3A_342 : memref<1x32x128xf32, #tpu.memory_space<vmem>> -> memref<32x128xf32, #tpu.memory_space<vmem>>
      %dma_start3A_344 = arith.constant 0 : i32
      %dma_start3A_345 = tpu.memref_slice %arg5[%dma_start3A_344, %multiple_of3A_332] : memref<32x1000000xf32, #tpu.memory_space<hbm>> -> memref<32x128xf32, #tpu.memory_space<hbm>>
      tpu.enqueue_dma source(%dma_start3A_345 : memref<32x128xf32, #tpu.memory_space<hbm>>) target(%dma_start3A_343 : memref<32x128xf32, #tpu.memory_space<vmem>>) target_semaphore(%arg12 : memref<!tpu.dma_semaphore, #tpu.memory_space<semaphore_mem>>)
      %slice3A_346 = vector.extract_strided_slice %and3A_264 {offsets = [1], sizes = [1], strides = [1]} : vector<16xi32> to vector<1xi32>
      %squeeze3A_347 = vector.extract %slice3A_346[0] : i32 from vector<1xi32>
      %multiple_of3A_348 = tpu.assume_multiple %squeeze3A_347, 128 : i32
      %dma_start3A_349 = arith.constant 5 : i32
      %dma_start3A_350 = arith.constant 0 : i32
      %dma_start3A_351 = arith.constant 0 : i32
      %dma_start3A_352 = tpu.memref_slice %arg9[%dma_start3A_349, %dma_start3A_350, %dma_start3A_351] : memref<8x32x128xf32, #tpu.memory_space<vmem>> -> memref<1x32x128xf32, #tpu.memory_space<vmem>>
      %dma_start3A_353 = tpu.memref_squeeze %dma_start3A_352 : memref<1x32x128xf32, #tpu.memory_space<vmem>> -> memref<32x128xf32, #tpu.memory_space<vmem>>
      %dma_start3A_354 = arith.constant 0 : i32
      %dma_start3A_355 = tpu.memref_slice %arg5[%dma_start3A_354, %multiple_of3A_348] : memref<32x1000000xf32, #tpu.memory_space<hbm>> -> memref<32x128xf32, #tpu.memory_space<hbm>>
      %dma_start3A_356 = arith.constant 0 : i32
      %dma_start3A_357 = arith.constant 0 : i32
      %dma_start3A_358 = tpu.memref_slice %arg9[%dma_start3A_349, %dma_start3A_356, %dma_start3A_357] : memref<8x32x128xf32, #tpu.memory_space<vmem>> -> memref<1x32x128xf32, #tpu.memory_space<vmem>>
      %dma_start3A_359 = tpu.memref_squeeze %dma_start3A_358 : memref<1x32x128xf32, #tpu.memory_space<vmem>> -> memref<32x128xf32, #tpu.memory_space<vmem>>
      %dma_start3A_360 = arith.constant 0 : i32
      %dma_start3A_361 = tpu.memref_slice %arg5[%dma_start3A_360, %multiple_of3A_348] : memref<32x1000000xf32, #tpu.memory_space<hbm>> -> memref<32x128xf32, #tpu.memory_space<hbm>>
      tpu.enqueue_dma source(%dma_start3A_361 : memref<32x128xf32, #tpu.memory_space<hbm>>) target(%dma_start3A_359 : memref<32x128xf32, #tpu.memory_space<vmem>>) target_semaphore(%arg12 : memref<!tpu.dma_semaphore, #tpu.memory_space<semaphore_mem>>)
      %slice3A_362 = vector.extract_strided_slice %and3A_264 {offsets = [2], sizes = [1], strides = [1]} : vector<16xi32> to vector<1xi32>
      %squeeze3A_363 = vector.extract %slice3A_362[0] : i32 from vector<1xi32>
      %multiple_of3A_364 = tpu.assume_multiple %squeeze3A_363, 128 : i32
      %dma_start3A_365 = arith.constant 6 : i32
      %dma_start3A_366 = arith.constant 0 : i32
      %dma_start3A_367 = arith.constant 0 : i32
      %dma_start3A_368 = tpu.memref_slice %arg9[%dma_start3A_365, %dma_start3A_366, %dma_start3A_367] : memref<8x32x128xf32, #tpu.memory_space<vmem>> -> memref<1x32x128xf32, #tpu.memory_space<vmem>>
      %dma_start3A_369 = tpu.memref_squeeze %dma_start3A_368 : memref<1x32x128xf32, #tpu.memory_space<vmem>> -> memref<32x128xf32, #tpu.memory_space<vmem>>
      %dma_start3A_370 = arith.constant 0 : i32
      %dma_start3A_371 = tpu.memref_slice %arg5[%dma_start3A_370, %multiple_of3A_364] : memref<32x1000000xf32, #tpu.memory_space<hbm>> -> memref<32x128xf32, #tpu.memory_space<hbm>>
      %dma_start3A_372 = arith.constant 0 : i32
      %dma_start3A_373 = arith.constant 0 : i32
      %dma_start3A_374 = tpu.memref_slice %arg9[%dma_start3A_365, %dma_start3A_372, %dma_start3A_373] : memref<8x32x128xf32, #tpu.memory_space<vmem>> -> memref<1x32x128xf32, #tpu.memory_space<vmem>>
      %dma_start3A_375 = tpu.memref_squeeze %dma_start3A_374 : memref<1x32x128xf32, #tpu.memory_space<vmem>> -> memref<32x128xf32, #tpu.memory_space<vmem>>
      %dma_start3A_376 = arith.constant 0 : i32
      %dma_start3A_377 = tpu.memref_slice %arg5[%dma_start3A_376, %multiple_of3A_364] : memref<32x1000000xf32, #tpu.memory_space<hbm>> -> memref<32x128xf32, #tpu.memory_space<hbm>>
      tpu.enqueue_dma source(%dma_start3A_377 : memref<32x128xf32, #tpu.memory_space<hbm>>) target(%dma_start3A_375 : memref<32x128xf32, #tpu.memory_space<vmem>>) target_semaphore(%arg12 : memref<!tpu.dma_semaphore, #tpu.memory_space<semaphore_mem>>)
      %slice3A_378 = vector.extract_strided_slice %and3A_264 {offsets = [3], sizes = [1], strides = [1]} : vector<16xi32> to vector<1xi32>
      %squeeze3A_379 = vector.extract %slice3A_378[0] : i32 from vector<1xi32>
      %multiple_of3A_380 = tpu.assume_multiple %squeeze3A_379, 128 : i32
      %dma_start3A_381 = arith.constant 7 : i32
      %dma_start3A_382 = arith.constant 0 : i32
      %dma_start3A_383 = arith.constant 0 : i32
      %dma_start3A_384 = tpu.memref_slice %arg9[%dma_start3A_381, %dma_start3A_382, %dma_start3A_383] : memref<8x32x128xf32, #tpu.memory_space<vmem>> -> memref<1x32x128xf32, #tpu.memory_space<vmem>>
      %dma_start3A_385 = tpu.memref_squeeze %dma_start3A_384 : memref<1x32x128xf32, #tpu.memory_space<vmem>> -> memref<32x128xf32, #tpu.memory_space<vmem>>
      %dma_start3A_386 = arith.constant 0 : i32
      %dma_start3A_387 = tpu.memref_slice %arg5[%dma_start3A_386, %multiple_of3A_380] : memref<32x1000000xf32, #tpu.memory_space<hbm>> -> memref<32x128xf32, #tpu.memory_space<hbm>>
      %dma_start3A_388 = arith.constant 0 : i32
      %dma_start3A_389 = arith.constant 0 : i32
      %dma_start3A_390 = tpu.memref_slice %arg9[%dma_start3A_381, %dma_start3A_388, %dma_start3A_389] : memref<8x32x128xf32, #tpu.memory_space<vmem>> -> memref<1x32x128xf32, #tpu.memory_space<vmem>>
      %dma_start3A_391 = tpu.memref_squeeze %dma_start3A_390 : memref<1x32x128xf32, #tpu.memory_space<vmem>> -> memref<32x128xf32, #tpu.memory_space<vmem>>
      %dma_start3A_392 = arith.constant 0 : i32
      %dma_start3A_393 = tpu.memref_slice %arg5[%dma_start3A_392, %multiple_of3A_380] : memref<32x1000000xf32, #tpu.memory_space<hbm>> -> memref<32x128xf32, #tpu.memory_space<hbm>>
      tpu.enqueue_dma source(%dma_start3A_393 : memref<32x128xf32, #tpu.memory_space<hbm>>) target(%dma_start3A_391 : memref<32x128xf32, #tpu.memory_space<vmem>>) target_semaphore(%arg12 : memref<!tpu.dma_semaphore, #tpu.memory_space<semaphore_mem>>)
      %gt3A = arith.constant 0 : i32
      %gt3A_394 = arith.cmpi sgt, %scan3A_247, %gt3A : i32
      %convert_element_type3A = arith.extui %gt3A_394 : i1 to i32
      %cond3A = arith.constant 0 : i32
      %cond3A_395 = arith.cmpi ne, %convert_element_type3A, %cond3A : i32
      scf.if %cond3A_395 {
        %dma_wait3A_2007 = arith.constant 0 : i32
        %dma_wait3A_2008 = arith.constant 0 : i32
        %dma_wait3A_2009 = arith.constant 0 : i32
        %dma_wait3A_2010 = tpu.memref_slice %arg10[%dma_wait3A_2007, %dma_wait3A_2008, %dma_wait3A_2009] : memref<8x32x128xf32, #tpu.memory_space<vmem>> -> memref<1x32x128xf32, #tpu.memory_space<vmem>>
        %dma_wait3A_2011 = tpu.memref_squeeze %dma_wait3A_2010 : memref<1x32x128xf32, #tpu.memory_space<vmem>> -> memref<32x128xf32, #tpu.memory_space<vmem>>
        %dma_wait3A_2012 = arith.constant 0 : i32
        %dma_wait3A_2013 = arith.constant 0 : i32
        %dma_wait3A_2014 = tpu.memref_slice %arg4[%dma_wait3A_2012, %dma_wait3A_2013] : memref<32x1000000xf32, #tpu.memory_space<hbm>> -> memref<32x128xf32, #tpu.memory_space<hbm>>
        %dma_wait3A_2015 = arith.constant 0 : i32
        %dma_wait3A_2016 = arith.constant 0 : i32
        %dma_wait3A_2017 = tpu.memref_slice %arg10[%dma_wait3A_2007, %dma_wait3A_2015, %dma_wait3A_2016] : memref<8x32x128xf32, #tpu.memory_space<vmem>> -> memref<1x32x128xf32, #tpu.memory_space<vmem>>
        %dma_wait3A_2018 = tpu.memref_squeeze %dma_wait3A_2017 : memref<1x32x128xf32, #tpu.memory_space<vmem>> -> memref<32x128xf32, #tpu.memory_space<vmem>>
        %dma_wait3A_2019 = arith.constant 0 : i32
        %dma_wait3A_2020 = arith.constant 0 : i32
        %dma_wait3A_2021 = tpu.memref_slice %arg4[%dma_wait3A_2019, %dma_wait3A_2020] : memref<32x1000000xf32, #tpu.memory_space<hbm>> -> memref<32x128xf32, #tpu.memory_space<hbm>>
        tpu.wait_dma2 semaphore(%arg13 : memref<!tpu.dma_semaphore, #tpu.memory_space<semaphore_mem>>) src(%dma_wait3A_2021 : memref<32x128xf32, #tpu.memory_space<hbm>>) dst(%dma_wait3A_2018 : memref<32x128xf32, #tpu.memory_space<vmem>>)
        %dma_wait3A_2022 = arith.constant 1 : i32
        %dma_wait3A_2023 = arith.constant 0 : i32
        %dma_wait3A_2024 = arith.constant 0 : i32
        %dma_wait3A_2025 = tpu.memref_slice %arg10[%dma_wait3A_2022, %dma_wait3A_2023, %dma_wait3A_2024] : memref<8x32x128xf32, #tpu.memory_space<vmem>> -> memref<1x32x128xf32, #tpu.memory_space<vmem>>
        %dma_wait3A_2026 = tpu.memref_squeeze %dma_wait3A_2025 : memref<1x32x128xf32, #tpu.memory_space<vmem>> -> memref<32x128xf32, #tpu.memory_space<vmem>>
        %dma_wait3A_2027 = arith.constant 0 : i32
        %dma_wait3A_2028 = arith.constant 0 : i32
        %dma_wait3A_2029 = tpu.memref_slice %arg4[%dma_wait3A_2027, %dma_wait3A_2028] : memref<32x1000000xf32, #tpu.memory_space<hbm>> -> memref<32x128xf32, #tpu.memory_space<hbm>>
        %dma_wait3A_2030 = arith.constant 0 : i32
        %dma_wait3A_2031 = arith.constant 0 : i32
        %dma_wait3A_2032 = tpu.memref_slice %arg10[%dma_wait3A_2022, %dma_wait3A_2030, %dma_wait3A_2031] : memref<8x32x128xf32, #tpu.memory_space<vmem>> -> memref<1x32x128xf32, #tpu.memory_space<vmem>>
        %dma_wait3A_2033 = tpu.memref_squeeze %dma_wait3A_2032 : memref<1x32x128xf32, #tpu.memory_space<vmem>> -> memref<32x128xf32, #tpu.memory_space<vmem>>
        %dma_wait3A_2034 = arith.constant 0 : i32
        %dma_wait3A_2035 = arith.constant 0 : i32
        %dma_wait3A_2036 = tpu.memref_slice %arg4[%dma_wait3A_2034, %dma_wait3A_2035] : memref<32x1000000xf32, #tpu.memory_space<hbm>> -> memref<32x128xf32, #tpu.memory_space<hbm>>
        tpu.wait_dma2 semaphore(%arg13 : memref<!tpu.dma_semaphore, #tpu.memory_space<semaphore_mem>>) src(%dma_wait3A_2036 : memref<32x128xf32, #tpu.memory_space<hbm>>) dst(%dma_wait3A_2033 : memref<32x128xf32, #tpu.memory_space<vmem>>)
        %dma_wait3A_2037 = arith.constant 2 : i32
        %dma_wait3A_2038 = arith.constant 0 : i32
        %dma_wait3A_2039 = arith.constant 0 : i32
        %dma_wait3A_2040 = tpu.memref_slice %arg10[%dma_wait3A_2037, %dma_wait3A_2038, %dma_wait3A_2039] : memref<8x32x128xf32, #tpu.memory_space<vmem>> -> memref<1x32x128xf32, #tpu.memory_space<vmem>>
        %dma_wait3A_2041 = tpu.memref_squeeze %dma_wait3A_2040 : memref<1x32x128xf32, #tpu.memory_space<vmem>> -> memref<32x128xf32, #tpu.memory_space<vmem>>
        %dma_wait3A_2042 = arith.constant 0 : i32
        %dma_wait3A_2043 = arith.constant 0 : i32
        %dma_wait3A_2044 = tpu.memref_slice %arg4[%dma_wait3A_2042, %dma_wait3A_2043] : memref<32x1000000xf32, #tpu.memory_space<hbm>> -> memref<32x128xf32, #tpu.memory_space<hbm>>
        %dma_wait3A_2045 = arith.constant 0 : i32
        %dma_wait3A_2046 = arith.constant 0 : i32
        %dma_wait3A_2047 = tpu.memref_slice %arg10[%dma_wait3A_2037, %dma_wait3A_2045, %dma_wait3A_2046] : memref<8x32x128xf32, #tpu.memory_space<vmem>> -> memref<1x32x128xf32, #tpu.memory_space<vmem>>
        %dma_wait3A_2048 = tpu.memref_squeeze %dma_wait3A_2047 : memref<1x32x128xf32, #tpu.memory_space<vmem>> -> memref<32x128xf32, #tpu.memory_space<vmem>>
        %dma_wait3A_2049 = arith.constant 0 : i32
        %dma_wait3A_2050 = arith.constant 0 : i32
        %dma_wait3A_2051 = tpu.memref_slice %arg4[%dma_wait3A_2049, %dma_wait3A_2050] : memref<32x1000000xf32, #tpu.memory_space<hbm>> -> memref<32x128xf32, #tpu.memory_space<hbm>>
        tpu.wait_dma2 semaphore(%arg13 : memref<!tpu.dma_semaphore, #tpu.memory_space<semaphore_mem>>) src(%dma_wait3A_2051 : memref<32x128xf32, #tpu.memory_space<hbm>>) dst(%dma_wait3A_2048 : memref<32x128xf32, #tpu.memory_space<vmem>>)
        %dma_wait3A_2052 = arith.constant 3 : i32
        %dma_wait3A_2053 = arith.constant 0 : i32
        %dma_wait3A_2054 = arith.constant 0 : i32
        %dma_wait3A_2055 = tpu.memref_slice %arg10[%dma_wait3A_2052, %dma_wait3A_2053, %dma_wait3A_2054] : memref<8x32x128xf32, #tpu.memory_space<vmem>> -> memref<1x32x128xf32, #tpu.memory_space<vmem>>
        %dma_wait3A_2056 = tpu.memref_squeeze %dma_wait3A_2055 : memref<1x32x128xf32, #tpu.memory_space<vmem>> -> memref<32x128xf32, #tpu.memory_space<vmem>>
        %dma_wait3A_2057 = arith.constant 0 : i32
        %dma_wait3A_2058 = arith.constant 0 : i32
        %dma_wait3A_2059 = tpu.memref_slice %arg4[%dma_wait3A_2057, %dma_wait3A_2058] : memref<32x1000000xf32, #tpu.memory_space<hbm>> -> memref<32x128xf32, #tpu.memory_space<hbm>>
        %dma_wait3A_2060 = arith.constant 0 : i32
        %dma_wait3A_2061 = arith.constant 0 : i32
        %dma_wait3A_2062 = tpu.memref_slice %arg10[%dma_wait3A_2052, %dma_wait3A_2060, %dma_wait3A_2061] : memref<8x32x128xf32, #tpu.memory_space<vmem>> -> memref<1x32x128xf32, #tpu.memory_space<vmem>>
        %dma_wait3A_2063 = tpu.memref_squeeze %dma_wait3A_2062 : memref<1x32x128xf32, #tpu.memory_space<vmem>> -> memref<32x128xf32, #tpu.memory_space<vmem>>
        %dma_wait3A_2064 = arith.constant 0 : i32
        %dma_wait3A_2065 = arith.constant 0 : i32
        %dma_wait3A_2066 = tpu.memref_slice %arg4[%dma_wait3A_2064, %dma_wait3A_2065] : memref<32x1000000xf32, #tpu.memory_space<hbm>> -> memref<32x128xf32, #tpu.memory_space<hbm>>
        tpu.wait_dma2 semaphore(%arg13 : memref<!tpu.dma_semaphore, #tpu.memory_space<semaphore_mem>>) src(%dma_wait3A_2066 : memref<32x128xf32, #tpu.memory_space<hbm>>) dst(%dma_wait3A_2063 : memref<32x128xf32, #tpu.memory_space<vmem>>)
        %dma_wait3A_2067 = arith.constant 4 : i32
        %dma_wait3A_2068 = arith.constant 0 : i32
        %dma_wait3A_2069 = arith.constant 0 : i32
        %dma_wait3A_2070 = tpu.memref_slice %arg10[%dma_wait3A_2067, %dma_wait3A_2068, %dma_wait3A_2069] : memref<8x32x128xf32, #tpu.memory_space<vmem>> -> memref<1x32x128xf32, #tpu.memory_space<vmem>>
        %dma_wait3A_2071 = tpu.memref_squeeze %dma_wait3A_2070 : memref<1x32x128xf32, #tpu.memory_space<vmem>> -> memref<32x128xf32, #tpu.memory_space<vmem>>
        %dma_wait3A_2072 = arith.constant 0 : i32
        %dma_wait3A_2073 = arith.constant 0 : i32
        %dma_wait3A_2074 = tpu.memref_slice %arg4[%dma_wait3A_2072, %dma_wait3A_2073] : memref<32x1000000xf32, #tpu.memory_space<hbm>> -> memref<32x128xf32, #tpu.memory_space<hbm>>
        %dma_wait3A_2075 = arith.constant 0 : i32
        %dma_wait3A_2076 = arith.constant 0 : i32
        %dma_wait3A_2077 = tpu.memref_slice %arg10[%dma_wait3A_2067, %dma_wait3A_2075, %dma_wait3A_2076] : memref<8x32x128xf32, #tpu.memory_space<vmem>> -> memref<1x32x128xf32, #tpu.memory_space<vmem>>
        %dma_wait3A_2078 = tpu.memref_squeeze %dma_wait3A_2077 : memref<1x32x128xf32, #tpu.memory_space<vmem>> -> memref<32x128xf32, #tpu.memory_space<vmem>>
        %dma_wait3A_2079 = arith.constant 0 : i32
        %dma_wait3A_2080 = arith.constant 0 : i32
        %dma_wait3A_2081 = tpu.memref_slice %arg4[%dma_wait3A_2079, %dma_wait3A_2080] : memref<32x1000000xf32, #tpu.memory_space<hbm>> -> memref<32x128xf32, #tpu.memory_space<hbm>>
        tpu.wait_dma2 semaphore(%arg13 : memref<!tpu.dma_semaphore, #tpu.memory_space<semaphore_mem>>) src(%dma_wait3A_2081 : memref<32x128xf32, #tpu.memory_space<hbm>>) dst(%dma_wait3A_2078 : memref<32x128xf32, #tpu.memory_space<vmem>>)
        %dma_wait3A_2082 = arith.constant 5 : i32
        %dma_wait3A_2083 = arith.constant 0 : i32
        %dma_wait3A_2084 = arith.constant 0 : i32
        %dma_wait3A_2085 = tpu.memref_slice %arg10[%dma_wait3A_2082, %dma_wait3A_2083, %dma_wait3A_2084] : memref<8x32x128xf32, #tpu.memory_space<vmem>> -> memref<1x32x128xf32, #tpu.memory_space<vmem>>
        %dma_wait3A_2086 = tpu.memref_squeeze %dma_wait3A_2085 : memref<1x32x128xf32, #tpu.memory_space<vmem>> -> memref<32x128xf32, #tpu.memory_space<vmem>>
        %dma_wait3A_2087 = arith.constant 0 : i32
        %dma_wait3A_2088 = arith.constant 0 : i32
        %dma_wait3A_2089 = tpu.memref_slice %arg4[%dma_wait3A_2087, %dma_wait3A_2088] : memref<32x1000000xf32, #tpu.memory_space<hbm>> -> memref<32x128xf32, #tpu.memory_space<hbm>>
        %dma_wait3A_2090 = arith.constant 0 : i32
        %dma_wait3A_2091 = arith.constant 0 : i32
        %dma_wait3A_2092 = tpu.memref_slice %arg10[%dma_wait3A_2082, %dma_wait3A_2090, %dma_wait3A_2091] : memref<8x32x128xf32, #tpu.memory_space<vmem>> -> memref<1x32x128xf32, #tpu.memory_space<vmem>>
        %dma_wait3A_2093 = tpu.memref_squeeze %dma_wait3A_2092 : memref<1x32x128xf32, #tpu.memory_space<vmem>> -> memref<32x128xf32, #tpu.memory_space<vmem>>
        %dma_wait3A_2094 = arith.constant 0 : i32
        %dma_wait3A_2095 = arith.constant 0 : i32
        %dma_wait3A_2096 = tpu.memref_slice %arg4[%dma_wait3A_2094, %dma_wait3A_2095] : memref<32x1000000xf32, #tpu.memory_space<hbm>> -> memref<32x128xf32, #tpu.memory_space<hbm>>
        tpu.wait_dma2 semaphore(%arg13 : memref<!tpu.dma_semaphore, #tpu.memory_space<semaphore_mem>>) src(%dma_wait3A_2096 : memref<32x128xf32, #tpu.memory_space<hbm>>) dst(%dma_wait3A_2093 : memref<32x128xf32, #tpu.memory_space<vmem>>)
        %dma_wait3A_2097 = arith.constant 6 : i32
        %dma_wait3A_2098 = arith.constant 0 : i32
        %dma_wait3A_2099 = arith.constant 0 : i32
        %dma_wait3A_2100 = tpu.memref_slice %arg10[%dma_wait3A_2097, %dma_wait3A_2098, %dma_wait3A_2099] : memref<8x32x128xf32, #tpu.memory_space<vmem>> -> memref<1x32x128xf32, #tpu.memory_space<vmem>>
        %dma_wait3A_2101 = tpu.memref_squeeze %dma_wait3A_2100 : memref<1x32x128xf32, #tpu.memory_space<vmem>> -> memref<32x128xf32, #tpu.memory_space<vmem>>
        %dma_wait3A_2102 = arith.constant 0 : i32
        %dma_wait3A_2103 = arith.constant 0 : i32
        %dma_wait3A_2104 = tpu.memref_slice %arg4[%dma_wait3A_2102, %dma_wait3A_2103] : memref<32x1000000xf32, #tpu.memory_space<hbm>> -> memref<32x128xf32, #tpu.memory_space<hbm>>
        %dma_wait3A_2105 = arith.constant 0 : i32
        %dma_wait3A_2106 = arith.constant 0 : i32
        %dma_wait3A_2107 = tpu.memref_slice %arg10[%dma_wait3A_2097, %dma_wait3A_2105, %dma_wait3A_2106] : memref<8x32x128xf32, #tpu.memory_space<vmem>> -> memref<1x32x128xf32, #tpu.memory_space<vmem>>
        %dma_wait3A_2108 = tpu.memref_squeeze %dma_wait3A_2107 : memref<1x32x128xf32, #tpu.memory_space<vmem>> -> memref<32x128xf32, #tpu.memory_space<vmem>>
        %dma_wait3A_2109 = arith.constant 0 : i32
        %dma_wait3A_2110 = arith.constant 0 : i32
        %dma_wait3A_2111 = tpu.memref_slice %arg4[%dma_wait3A_2109, %dma_wait3A_2110] : memref<32x1000000xf32, #tpu.memory_space<hbm>> -> memref<32x128xf32, #tpu.memory_space<hbm>>
        tpu.wait_dma2 semaphore(%arg13 : memref<!tpu.dma_semaphore, #tpu.memory_space<semaphore_mem>>) src(%dma_wait3A_2111 : memref<32x128xf32, #tpu.memory_space<hbm>>) dst(%dma_wait3A_2108 : memref<32x128xf32, #tpu.memory_space<vmem>>)
        %dma_wait3A_2112 = arith.constant 7 : i32
        %dma_wait3A_2113 = arith.constant 0 : i32
        %dma_wait3A_2114 = arith.constant 0 : i32
        %dma_wait3A_2115 = tpu.memref_slice %arg10[%dma_wait3A_2112, %dma_wait3A_2113, %dma_wait3A_2114] : memref<8x32x128xf32, #tpu.memory_space<vmem>> -> memref<1x32x128xf32, #tpu.memory_space<vmem>>
        %dma_wait3A_2116 = tpu.memref_squeeze %dma_wait3A_2115 : memref<1x32x128xf32, #tpu.memory_space<vmem>> -> memref<32x128xf32, #tpu.memory_space<vmem>>
        %dma_wait3A_2117 = arith.constant 0 : i32
        %dma_wait3A_2118 = arith.constant 0 : i32
        %dma_wait3A_2119 = tpu.memref_slice %arg4[%dma_wait3A_2117, %dma_wait3A_2118] : memref<32x1000000xf32, #tpu.memory_space<hbm>> -> memref<32x128xf32, #tpu.memory_space<hbm>>
        %dma_wait3A_2120 = arith.constant 0 : i32
        %dma_wait3A_2121 = arith.constant 0 : i32
        %dma_wait3A_2122 = tpu.memref_slice %arg10[%dma_wait3A_2112, %dma_wait3A_2120, %dma_wait3A_2121] : memref<8x32x128xf32, #tpu.memory_space<vmem>> -> memref<1x32x128xf32, #tpu.memory_space<vmem>>
        %dma_wait3A_2123 = tpu.memref_squeeze %dma_wait3A_2122 : memref<1x32x128xf32, #tpu.memory_space<vmem>> -> memref<32x128xf32, #tpu.memory_space<vmem>>
        %dma_wait3A_2124 = arith.constant 0 : i32
        %dma_wait3A_2125 = arith.constant 0 : i32
        %dma_wait3A_2126 = tpu.memref_slice %arg4[%dma_wait3A_2124, %dma_wait3A_2125] : memref<32x1000000xf32, #tpu.memory_space<hbm>> -> memref<32x128xf32, #tpu.memory_space<hbm>>
        tpu.wait_dma2 semaphore(%arg13 : memref<!tpu.dma_semaphore, #tpu.memory_space<semaphore_mem>>) src(%dma_wait3A_2126 : memref<32x128xf32, #tpu.memory_space<hbm>>) dst(%dma_wait3A_2123 : memref<32x128xf32, #tpu.memory_space<vmem>>)
        %mul3A_2127 = arith.constant 16 : i32
        %mul3A_2128 = arith.muli %scan3A_247, %mul3A_2127 : i32
        %sub3A_2129 = arith.constant 4 : i32
        %sub3A_2130 = arith.subi %mul3A_2128, %sub3A_2129 : i32
        %broadcast_in_dim3A_2131 = arith.constant 0 : i32
        %broadcast_in_dim3A_2132 = vector.broadcast %broadcast_in_dim3A_2131 : i32 to vector<16xi32>
        %broadcast_in_dim3A_2133 = arith.constant 4 : i32
        %broadcast_in_dim3A_2134 = vector.broadcast %broadcast_in_dim3A_2133 : i32 to vector<16xi32>
        %slice3A_2135 = vector.extract_strided_slice %scan3A_248 {offsets = [12], sizes = [1], strides = [1]} : vector<16xi32> to vector<1xi32>
        %squeeze3A_2136 = vector.extract %slice3A_2135[0] : i32 from vector<1xi32>
        %broadcast_in_dim3A_2137 = vector.broadcast %squeeze3A_2136 : i32 to vector<16xi32>
        %slice3A_2138 = vector.extract_strided_slice %scan3A_249 {offsets = [12], sizes = [1], strides = [1]} : vector<16xi32> to vector<1xi32>
        %squeeze3A_2139 = vector.extract %slice3A_2138[0] : i32 from vector<1xi32>
        %broadcast_in_dim3A_2140 = vector.broadcast %squeeze3A_2139 : i32 to vector<16xi32>
        %gather3A_2141 = tpu.vector_load_idx %arg10[%broadcast_in_dim3A_2132, %iota3A, %broadcast_in_dim3A_2137] : memref<8x32x128xf32, #tpu.memory_space<vmem>>[vector<16xi32>, vector<16xi32>, vector<16xi32>], vector<16xf32>,
        %add3A_2142 = arith.constant 16 : i32
        %add3A_2143 = vector.broadcast %add3A_2142 : i32 to vector<16xi32>
        %add3A_2144 = arith.addi %iota3A, %add3A_2143 : vector<16xi32>
        %gather3A_2145 = tpu.vector_load_idx %arg10[%broadcast_in_dim3A_2132, %add3A_2144, %broadcast_in_dim3A_2137] : memref<8x32x128xf32, #tpu.memory_space<vmem>>[vector<16xi32>, vector<16xi32>, vector<16xi32>], vector<16xf32>,
        %gather3A_2146 = tpu.vector_load_idx %arg10[%broadcast_in_dim3A_2134, %iota3A, %broadcast_in_dim3A_2140] : memref<8x32x128xf32, #tpu.memory_space<vmem>>[vector<16xi32>, vector<16xi32>, vector<16xi32>], vector<16xf32>,
        %add3A_2147 = arith.constant 16 : i32
        %add3A_2148 = vector.broadcast %add3A_2147 : i32 to vector<16xi32>
        %add3A_2149 = arith.addi %iota3A, %add3A_2148 : vector<16xi32>
        %gather3A_2150 = tpu.vector_load_idx %arg10[%broadcast_in_dim3A_2134, %add3A_2149, %broadcast_in_dim3A_2140] : memref<8x32x128xf32, #tpu.memory_space<vmem>>[vector<16xi32>, vector<16xi32>, vector<16xi32>], vector<16xf32>,
        %add3A_2151 = arith.constant 0 : i32
        %add3A_2152 = arith.addi %sub3A_2130, %add3A_2151 : i32
        %jit3A_2153 = arith.constant 4 : i32
        %div3A_2154 = arith.divsi %add3A_2152, %jit3A_2153 : i32
        %sign3A_2155 = arith.constant 0 : i32
        %sign3A_2156 = arith.cmpi sgt, %add3A_2152, %sign3A_2155 : i32
        %sign3A_2157 = arith.extui %sign3A_2156 : i1 to i32
        %sign3A_2158 = arith.constant 0 : i32
        %sign3A_2159 = arith.cmpi slt, %add3A_2152, %sign3A_2158 : i32
        %sign3A_2160 = arith.extui %sign3A_2159 : i1 to i32
        %sign3A_2161 = arith.subi %sign3A_2157, %sign3A_2160 : i32
        %sign3A_2162 = arith.constant 0 : i32
        %sign3A_2163 = arith.cmpi sgt, %jit3A_2153, %sign3A_2162 : i32
        %sign3A_2164 = arith.extui %sign3A_2163 : i1 to i32
        %sign3A_2165 = arith.constant 0 : i32
        %sign3A_2166 = arith.cmpi slt, %jit3A_2153, %sign3A_2165 : i32
        %sign3A_2167 = arith.extui %sign3A_2166 : i1 to i32
        %sign3A_2168 = arith.subi %sign3A_2164, %sign3A_2167 : i32
        %ne3A_2169 = arith.cmpi ne, %sign3A_2161, %sign3A_2168 : i32
        %rem3A_2170 = arith.remsi %add3A_2152, %jit3A_2153 : i32
        %ne3A_2171 = arith.constant 0 : i32
        %ne3A_2172 = arith.cmpi ne, %rem3A_2170, %ne3A_2171 : i32
        %and3A_2173 = arith.andi %ne3A_2169, %ne3A_2172 : i1
        %sub3A_2174 = arith.constant 1 : i32
        %sub3A_2175 = arith.subi %div3A_2154, %sub3A_2174 : i32
        %select_n3A_2176 = arith.select %and3A_2173, %sub3A_2175, %div3A_2154 : i32
        %broadcast_in_dim3A_2177 = vector.broadcast %select_n3A_2176 : i32 to vector<16xi32>
        %jit3A_2178 = arith.constant 4 : i32
        %eq3A_2179 = arith.constant 0 : i32
        %eq3A_2180 = arith.cmpi eq, %jit3A_2178, %eq3A_2179 : i32
        %jit3A_2181 = arith.constant 1 : i32
        %select_n3A_2182 = arith.select %eq3A_2180, %jit3A_2181, %jit3A_2178 : i32
        %rem3A_2183 = arith.remsi %add3A_2152, %select_n3A_2182 : i32
        %ne3A_2184 = arith.constant 0 : i32
        %ne3A_2185 = arith.cmpi ne, %rem3A_2183, %ne3A_2184 : i32
        %lt3A_2186 = arith.constant 0 : i32
        %lt3A_2187 = arith.cmpi slt, %rem3A_2183, %lt3A_2186 : i32
        %lt3A_2188 = arith.constant 0 : i32
        %lt3A_2189 = arith.cmpi slt, %select_n3A_2182, %lt3A_2188 : i32
        %ne3A_2190 = arith.xori %lt3A_2187, %lt3A_2189 : i1
        %and3A_2191 = arith.andi %ne3A_2190, %ne3A_2185 : i1
        %add3A_2192 = arith.addi %rem3A_2183, %select_n3A_2182 : i32
        %select_n3A_2193 = arith.select %and3A_2191, %add3A_2192, %rem3A_2183 : i32
        %mul3A_2194 = arith.constant 32 : i32
        %mul3A_2195 = arith.muli %select_n3A_2193, %mul3A_2194 : i32
        %add3A_2196 = vector.broadcast %mul3A_2195 : i32 to vector<16xi32>
        %add3A_2197 = arith.addi %add3A_2196, %iota3A : vector<16xi32>
        %mul3A_2198 = arith.mulf %gather3A_2141, %gather3A_2146 : vector<16xf32>
        tpu.vector_store_idx %arg11[%broadcast_in_dim3A_2177, %add3A_2197], %mul3A_2198 : memref<128x128xf32, #tpu.memory_space<vmem>>[vector<16xi32>, vector<16xi32>], vector<16xf32>,
        %add3A_2199 = arith.constant 16 : i32
        %add3A_2200 = vector.broadcast %add3A_2199 : i32 to vector<16xi32>
        %add3A_2201 = arith.addi %add3A_2197, %add3A_2200 : vector<16xi32>
        %mul3A_2202 = arith.mulf %gather3A_2145, %gather3A_2150 : vector<16xf32>
        tpu.vector_store_idx %arg11[%broadcast_in_dim3A_2177, %add3A_2201], %mul3A_2202 : memref<128x128xf32, #tpu.memory_space<vmem>>[vector<16xi32>, vector<16xi32>], vector<16xf32>,
        %broadcast_in_dim3A_2203 = arith.constant 1 : i32
        %broadcast_in_dim3A_2204 = vector.broadcast %broadcast_in_dim3A_2203 : i32 to vector<16xi32>
        %broadcast_in_dim3A_2205 = arith.constant 5 : i32
        %broadcast_in_dim3A_2206 = vector.broadcast %broadcast_in_dim3A_2205 : i32 to vector<16xi32>
        %slice3A_2207 = vector.extract_strided_slice %scan3A_248 {offsets = [13], sizes = [1], strides = [1]} : vector<16xi32> to vector<1xi32>
        %squeeze3A_2208 = vector.extract %slice3A_2207[0] : i32 from vector<1xi32>
        %broadcast_in_dim3A_2209 = vector.broadcast %squeeze3A_2208 : i32 to vector<16xi32>
        %slice3A_2210 = vector.extract_strided_slice %scan3A_249 {offsets = [13], sizes = [1], strides = [1]} : vector<16xi32> to vector<1xi32>
        %squeeze3A_2211 = vector.extract %slice3A_2210[0] : i32 from vector<1xi32>
        %broadcast_in_dim3A_2212 = vector.broadcast %squeeze3A_2211 : i32 to vector<16xi32>
        %gather3A_2213 = tpu.vector_load_idx %arg10[%broadcast_in_dim3A_2204, %iota3A, %broadcast_in_dim3A_2209] : memref<8x32x128xf32, #tpu.memory_space<vmem>>[vector<16xi32>, vector<16xi32>, vector<16xi32>], vector<16xf32>,
        %add3A_2214 = arith.constant 16 : i32
        %add3A_2215 = vector.broadcast %add3A_2214 : i32 to vector<16xi32>
        %add3A_2216 = arith.addi %iota3A, %add3A_2215 : vector<16xi32>
        %gather3A_2217 = tpu.vector_load_idx %arg10[%broadcast_in_dim3A_2204, %add3A_2216, %broadcast_in_dim3A_2209] : memref<8x32x128xf32, #tpu.memory_space<vmem>>[vector<16xi32>, vector<16xi32>, vector<16xi32>], vector<16xf32>,
        %gather3A_2218 = tpu.vector_load_idx %arg10[%broadcast_in_dim3A_2206, %iota3A, %broadcast_in_dim3A_2212] : memref<8x32x128xf32, #tpu.memory_space<vmem>>[vector<16xi32>, vector<16xi32>, vector<16xi32>], vector<16xf32>,
        %add3A_2219 = arith.constant 16 : i32
        %add3A_2220 = vector.broadcast %add3A_2219 : i32 to vector<16xi32>
        %add3A_2221 = arith.addi %iota3A, %add3A_2220 : vector<16xi32>
        %gather3A_2222 = tpu.vector_load_idx %arg10[%broadcast_in_dim3A_2206, %add3A_2221, %broadcast_in_dim3A_2212] : memref<8x32x128xf32, #tpu.memory_space<vmem>>[vector<16xi32>, vector<16xi32>, vector<16xi32>], vector<16xf32>,
        %add3A_2223 = arith.constant 1 : i32
        %add3A_2224 = arith.addi %sub3A_2130, %add3A_2223 : i32
        %jit3A_2225 = arith.constant 4 : i32
        %div3A_2226 = arith.divsi %add3A_2224, %jit3A_2225 : i32
        %sign3A_2227 = arith.constant 0 : i32
        %sign3A_2228 = arith.cmpi sgt, %add3A_2224, %sign3A_2227 : i32
        %sign3A_2229 = arith.extui %sign3A_2228 : i1 to i32
        %sign3A_2230 = arith.constant 0 : i32
        %sign3A_2231 = arith.cmpi slt, %add3A_2224, %sign3A_2230 : i32
        %sign3A_2232 = arith.extui %sign3A_2231 : i1 to i32
        %sign3A_2233 = arith.subi %sign3A_2229, %sign3A_2232 : i32
        %sign3A_2234 = arith.constant 0 : i32
        %sign3A_2235 = arith.cmpi sgt, %jit3A_2225, %sign3A_2234 : i32
        %sign3A_2236 = arith.extui %sign3A_2235 : i1 to i32
        %sign3A_2237 = arith.constant 0 : i32
        %sign3A_2238 = arith.cmpi slt, %jit3A_2225, %sign3A_2237 : i32
        %sign3A_2239 = arith.extui %sign3A_2238 : i1 to i32
        %sign3A_2240 = arith.subi %sign3A_2236, %sign3A_2239 : i32
        %ne3A_2241 = arith.cmpi ne, %sign3A_2233, %sign3A_2240 : i32
        %rem3A_2242 = arith.remsi %add3A_2224, %jit3A_2225 : i32
        %ne3A_2243 = arith.constant 0 : i32
        %ne3A_2244 = arith.cmpi ne, %rem3A_2242, %ne3A_2243 : i32
        %and3A_2245 = arith.andi %ne3A_2241, %ne3A_2244 : i1
        %sub3A_2246 = arith.constant 1 : i32
        %sub3A_2247 = arith.subi %div3A_2226, %sub3A_2246 : i32
        %select_n3A_2248 = arith.select %and3A_2245, %sub3A_2247, %div3A_2226 : i32
        %broadcast_in_dim3A_2249 = vector.broadcast %select_n3A_2248 : i32 to vector<16xi32>
        %jit3A_2250 = arith.constant 4 : i32
        %eq3A_2251 = arith.constant 0 : i32
        %eq3A_2252 = arith.cmpi eq, %jit3A_2250, %eq3A_2251 : i32
        %jit3A_2253 = arith.constant 1 : i32
        %select_n3A_2254 = arith.select %eq3A_2252, %jit3A_2253, %jit3A_2250 : i32
        %rem3A_2255 = arith.remsi %add3A_2224, %select_n3A_2254 : i32
        %ne3A_2256 = arith.constant 0 : i32
        %ne3A_2257 = arith.cmpi ne, %rem3A_2255, %ne3A_2256 : i32
        %lt3A_2258 = arith.constant 0 : i32
        %lt3A_2259 = arith.cmpi slt, %rem3A_2255, %lt3A_2258 : i32
        %lt3A_2260 = arith.constant 0 : i32
        %lt3A_2261 = arith.cmpi slt, %select_n3A_2254, %lt3A_2260 : i32
        %ne3A_2262 = arith.xori %lt3A_2259, %lt3A_2261 : i1
        %and3A_2263 = arith.andi %ne3A_2262, %ne3A_2257 : i1
        %add3A_2264 = arith.addi %rem3A_2255, %select_n3A_2254 : i32
        %select_n3A_2265 = arith.select %and3A_2263, %add3A_2264, %rem3A_2255 : i32
        %mul3A_2266 = arith.constant 32 : i32
        %mul3A_2267 = arith.muli %select_n3A_2265, %mul3A_2266 : i32
        %add3A_2268 = vector.broadcast %mul3A_2267 : i32 to vector<16xi32>
        %add3A_2269 = arith.addi %add3A_2268, %iota3A : vector<16xi32>
        %mul3A_2270 = arith.mulf %gather3A_2213, %gather3A_2218 : vector<16xf32>
        tpu.vector_store_idx %arg11[%broadcast_in_dim3A_2249, %add3A_2269], %mul3A_2270 : memref<128x128xf32, #tpu.memory_space<vmem>>[vector<16xi32>, vector<16xi32>], vector<16xf32>,
        %add3A_2271 = arith.constant 16 : i32
        %add3A_2272 = vector.broadcast %add3A_2271 : i32 to vector<16xi32>
        %add3A_2273 = arith.addi %add3A_2269, %add3A_2272 : vector<16xi32>
        %mul3A_2274 = arith.mulf %gather3A_2217, %gather3A_2222 : vector<16xf32>
        tpu.vector_store_idx %arg11[%broadcast_in_dim3A_2249, %add3A_2273], %mul3A_2274 : memref<128x128xf32, #tpu.memory_space<vmem>>[vector<16xi32>, vector<16xi32>], vector<16xf32>,
        %broadcast_in_dim3A_2275 = arith.constant 2 : i32
        %broadcast_in_dim3A_2276 = vector.broadcast %broadcast_in_dim3A_2275 : i32 to vector<16xi32>
        %broadcast_in_dim3A_2277 = arith.constant 6 : i32
        %broadcast_in_dim3A_2278 = vector.broadcast %broadcast_in_dim3A_2277 : i32 to vector<16xi32>
        %slice3A_2279 = vector.extract_strided_slice %scan3A_248 {offsets = [14], sizes = [1], strides = [1]} : vector<16xi32> to vector<1xi32>
        %squeeze3A_2280 = vector.extract %slice3A_2279[0] : i32 from vector<1xi32>
        %broadcast_in_dim3A_2281 = vector.broadcast %squeeze3A_2280 : i32 to vector<16xi32>
        %slice3A_2282 = vector.extract_strided_slice %scan3A_249 {offsets = [14], sizes = [1], strides = [1]} : vector<16xi32> to vector<1xi32>
        %squeeze3A_2283 = vector.extract %slice3A_2282[0] : i32 from vector<1xi32>
        %broadcast_in_dim3A_2284 = vector.broadcast %squeeze3A_2283 : i32 to vector<16xi32>
        %gather3A_2285 = tpu.vector_load_idx %arg10[%broadcast_in_dim3A_2276, %iota3A, %broadcast_in_dim3A_2281] : memref<8x32x128xf32, #tpu.memory_space<vmem>>[vector<16xi32>, vector<16xi32>, vector<16xi32>], vector<16xf32>,
        %add3A_2286 = arith.constant 16 : i32
        %add3A_2287 = vector.broadcast %add3A_2286 : i32 to vector<16xi32>
        %add3A_2288 = arith.addi %iota3A, %add3A_2287 : vector<16xi32>
        %gather3A_2289 = tpu.vector_load_idx %arg10[%broadcast_in_dim3A_2276, %add3A_2288, %broadcast_in_dim3A_2281] : memref<8x32x128xf32, #tpu.memory_space<vmem>>[vector<16xi32>, vector<16xi32>, vector<16xi32>], vector<16xf32>,
        %gather3A_2290 = tpu.vector_load_idx %arg10[%broadcast_in_dim3A_2278, %iota3A, %broadcast_in_dim3A_2284] : memref<8x32x128xf32, #tpu.memory_space<vmem>>[vector<16xi32>, vector<16xi32>, vector<16xi32>], vector<16xf32>,
        %add3A_2291 = arith.constant 16 : i32
        %add3A_2292 = vector.broadcast %add3A_2291 : i32 to vector<16xi32>
        %add3A_2293 = arith.addi %iota3A, %add3A_2292 : vector<16xi32>
        %gather3A_2294 = tpu.vector_load_idx %arg10[%broadcast_in_dim3A_2278, %add3A_2293, %broadcast_in_dim3A_2284] : memref<8x32x128xf32, #tpu.memory_space<vmem>>[vector<16xi32>, vector<16xi32>, vector<16xi32>], vector<16xf32>,
        %add3A_2295 = arith.constant 2 : i32
        %add3A_2296 = arith.addi %sub3A_2130, %add3A_2295 : i32
        %jit3A_2297 = arith.constant 4 : i32
        %div3A_2298 = arith.divsi %add3A_2296, %jit3A_2297 : i32
        %sign3A_2299 = arith.constant 0 : i32
        %sign3A_2300 = arith.cmpi sgt, %add3A_2296, %sign3A_2299 : i32
        %sign3A_2301 = arith.extui %sign3A_2300 : i1 to i32
        %sign3A_2302 = arith.constant 0 : i32
        %sign3A_2303 = arith.cmpi slt, %add3A_2296, %sign3A_2302 : i32
        %sign3A_2304 = arith.extui %sign3A_2303 : i1 to i32
        %sign3A_2305 = arith.subi %sign3A_2301, %sign3A_2304 : i32
        %sign3A_2306 = arith.constant 0 : i32
        %sign3A_2307 = arith.cmpi sgt, %jit3A_2297, %sign3A_2306 : i32
        %sign3A_2308 = arith.extui %sign3A_2307 : i1 to i32
        %sign3A_2309 = arith.constant 0 : i32
        %sign3A_2310 = arith.cmpi slt, %jit3A_2297, %sign3A_2309 : i32
        %sign3A_2311 = arith.extui %sign3A_2310 : i1 to i32
        %sign3A_2312 = arith.subi %sign3A_2308, %sign3A_2311 : i32
        %ne3A_2313 = arith.cmpi ne, %sign3A_2305, %sign3A_2312 : i32
        %rem3A_2314 = arith.remsi %add3A_2296, %jit3A_2297 : i32
        %ne3A_2315 = arith.constant 0 : i32
        %ne3A_2316 = arith.cmpi ne, %rem3A_2314, %ne3A_2315 : i32
        %and3A_2317 = arith.andi %ne3A_2313, %ne3A_2316 : i1
        %sub3A_2318 = arith.constant 1 : i32
        %sub3A_2319 = arith.subi %div3A_2298, %sub3A_2318 : i32
        %select_n3A_2320 = arith.select %and3A_2317, %sub3A_2319, %div3A_2298 : i32
        %broadcast_in_dim3A_2321 = vector.broadcast %select_n3A_2320 : i32 to vector<16xi32>
        %jit3A_2322 = arith.constant 4 : i32
        %eq3A_2323 = arith.constant 0 : i32
        %eq3A_2324 = arith.cmpi eq, %jit3A_2322, %eq3A_2323 : i32
        %jit3A_2325 = arith.constant 1 : i32
        %select_n3A_2326 = arith.select %eq3A_2324, %jit3A_2325, %jit3A_2322 : i32
        %rem3A_2327 = arith.remsi %add3A_2296, %select_n3A_2326 : i32
        %ne3A_2328 = arith.constant 0 : i32
        %ne3A_2329 = arith.cmpi ne, %rem3A_2327, %ne3A_2328 : i32
        %lt3A_2330 = arith.constant 0 : i32
        %lt3A_2331 = arith.cmpi slt, %rem3A_2327, %lt3A_2330 : i32
        %lt3A_2332 = arith.constant 0 : i32
        %lt3A_2333 = arith.cmpi slt, %select_n3A_2326, %lt3A_2332 : i32
        %ne3A_2334 = arith.xori %lt3A_2331, %lt3A_2333 : i1
        %and3A_2335 = arith.andi %ne3A_2334, %ne3A_2329 : i1
        %add3A_2336 = arith.addi %rem3A_2327, %select_n3A_2326 : i32
        %select_n3A_2337 = arith.select %and3A_2335, %add3A_2336, %rem3A_2327 : i32
        %mul3A_2338 = arith.constant 32 : i32
        %mul3A_2339 = arith.muli %select_n3A_2337, %mul3A_2338 : i32
        %add3A_2340 = vector.broadcast %mul3A_2339 : i32 to vector<16xi32>
        %add3A_2341 = arith.addi %add3A_2340, %iota3A : vector<16xi32>
        %mul3A_2342 = arith.mulf %gather3A_2285, %gather3A_2290 : vector<16xf32>
        tpu.vector_store_idx %arg11[%broadcast_in_dim3A_2321, %add3A_2341], %mul3A_2342 : memref<128x128xf32, #tpu.memory_space<vmem>>[vector<16xi32>, vector<16xi32>], vector<16xf32>,
        %add3A_2343 = arith.constant 16 : i32
        %add3A_2344 = vector.broadcast %add3A_2343 : i32 to vector<16xi32>
        %add3A_2345 = arith.addi %add3A_2341, %add3A_2344 : vector<16xi32>
        %mul3A_2346 = arith.mulf %gather3A_2289, %gather3A_2294 : vector<16xf32>
        tpu.vector_store_idx %arg11[%broadcast_in_dim3A_2321, %add3A_2345], %mul3A_2346 : memref<128x128xf32, #tpu.memory_space<vmem>>[vector<16xi32>, vector<16xi32>], vector<16xf32>,
        %broadcast_in_dim3A_2347 = arith.constant 3 : i32
        %broadcast_in_dim3A_2348 = vector.broadcast %broadcast_in_dim3A_2347 : i32 to vector<16xi32>
        %broadcast_in_dim3A_2349 = arith.constant 7 : i32
        %broadcast_in_dim3A_2350 = vector.broadcast %broadcast_in_dim3A_2349 : i32 to vector<16xi32>
        %slice3A_2351 = vector.extract_strided_slice %scan3A_248 {offsets = [15], sizes = [1], strides = [1]} : vector<16xi32> to vector<1xi32>
        %squeeze3A_2352 = vector.extract %slice3A_2351[0] : i32 from vector<1xi32>
        %broadcast_in_dim3A_2353 = vector.broadcast %squeeze3A_2352 : i32 to vector<16xi32>
        %slice3A_2354 = vector.extract_strided_slice %scan3A_249 {offsets = [15], sizes = [1], strides = [1]} : vector<16xi32> to vector<1xi32>
        %squeeze3A_2355 = vector.extract %slice3A_2354[0] : i32 from vector<1xi32>
        %broadcast_in_dim3A_2356 = vector.broadcast %squeeze3A_2355 : i32 to vector<16xi32>
        %gather3A_2357 = tpu.vector_load_idx %arg10[%broadcast_in_dim3A_2348, %iota3A, %broadcast_in_dim3A_2353] : memref<8x32x128xf32, #tpu.memory_space<vmem>>[vector<16xi32>, vector<16xi32>, vector<16xi32>], vector<16xf32>,
        %add3A_2358 = arith.constant 16 : i32
        %add3A_2359 = vector.broadcast %add3A_2358 : i32 to vector<16xi32>
        %add3A_2360 = arith.addi %iota3A, %add3A_2359 : vector<16xi32>
        %gather3A_2361 = tpu.vector_load_idx %arg10[%broadcast_in_dim3A_2348, %add3A_2360, %broadcast_in_dim3A_2353] : memref<8x32x128xf32, #tpu.memory_space<vmem>>[vector<16xi32>, vector<16xi32>, vector<16xi32>], vector<16xf32>,
        %gather3A_2362 = tpu.vector_load_idx %arg10[%broadcast_in_dim3A_2350, %iota3A, %broadcast_in_dim3A_2356] : memref<8x32x128xf32, #tpu.memory_space<vmem>>[vector<16xi32>, vector<16xi32>, vector<16xi32>], vector<16xf32>,
        %add3A_2363 = arith.constant 16 : i32
        %add3A_2364 = vector.broadcast %add3A_2363 : i32 to vector<16xi32>
        %add3A_2365 = arith.addi %iota3A, %add3A_2364 : vector<16xi32>
        %gather3A_2366 = tpu.vector_load_idx %arg10[%broadcast_in_dim3A_2350, %add3A_2365, %broadcast_in_dim3A_2356] : memref<8x32x128xf32, #tpu.memory_space<vmem>>[vector<16xi32>, vector<16xi32>, vector<16xi32>], vector<16xf32>,
        %add3A_2367 = arith.constant 3 : i32
        %add3A_2368 = arith.addi %sub3A_2130, %add3A_2367 : i32
        %jit3A_2369 = arith.constant 4 : i32
        %div3A_2370 = arith.divsi %add3A_2368, %jit3A_2369 : i32
        %sign3A_2371 = arith.constant 0 : i32
        %sign3A_2372 = arith.cmpi sgt, %add3A_2368, %sign3A_2371 : i32
        %sign3A_2373 = arith.extui %sign3A_2372 : i1 to i32
        %sign3A_2374 = arith.constant 0 : i32
        %sign3A_2375 = arith.cmpi slt, %add3A_2368, %sign3A_2374 : i32
        %sign3A_2376 = arith.extui %sign3A_2375 : i1 to i32
        %sign3A_2377 = arith.subi %sign3A_2373, %sign3A_2376 : i32
        %sign3A_2378 = arith.constant 0 : i32
        %sign3A_2379 = arith.cmpi sgt, %jit3A_2369, %sign3A_2378 : i32
        %sign3A_2380 = arith.extui %sign3A_2379 : i1 to i32
        %sign3A_2381 = arith.constant 0 : i32
        %sign3A_2382 = arith.cmpi slt, %jit3A_2369, %sign3A_2381 : i32
        %sign3A_2383 = arith.extui %sign3A_2382 : i1 to i32
        %sign3A_2384 = arith.subi %sign3A_2380, %sign3A_2383 : i32
        %ne3A_2385 = arith.cmpi ne, %sign3A_2377, %sign3A_2384 : i32
        %rem3A_2386 = arith.remsi %add3A_2368, %jit3A_2369 : i32
        %ne3A_2387 = arith.constant 0 : i32
        %ne3A_2388 = arith.cmpi ne, %rem3A_2386, %ne3A_2387 : i32
        %and3A_2389 = arith.andi %ne3A_2385, %ne3A_2388 : i1
        %sub3A_2390 = arith.constant 1 : i32
        %sub3A_2391 = arith.subi %div3A_2370, %sub3A_2390 : i32
        %select_n3A_2392 = arith.select %and3A_2389, %sub3A_2391, %div3A_2370 : i32
        %broadcast_in_dim3A_2393 = vector.broadcast %select_n3A_2392 : i32 to vector<16xi32>
        %jit3A_2394 = arith.constant 4 : i32
        %eq3A_2395 = arith.constant 0 : i32
        %eq3A_2396 = arith.cmpi eq, %jit3A_2394, %eq3A_2395 : i32
        %jit3A_2397 = arith.constant 1 : i32
        %select_n3A_2398 = arith.select %eq3A_2396, %jit3A_2397, %jit3A_2394 : i32
        %rem3A_2399 = arith.remsi %add3A_2368, %select_n3A_2398 : i32
        %ne3A_2400 = arith.constant 0 : i32
        %ne3A_2401 = arith.cmpi ne, %rem3A_2399, %ne3A_2400 : i32
        %lt3A_2402 = arith.constant 0 : i32
        %lt3A_2403 = arith.cmpi slt, %rem3A_2399, %lt3A_2402 : i32
        %lt3A_2404 = arith.constant 0 : i32
        %lt3A_2405 = arith.cmpi slt, %select_n3A_2398, %lt3A_2404 : i32
        %ne3A_2406 = arith.xori %lt3A_2403, %lt3A_2405 : i1
        %and3A_2407 = arith.andi %ne3A_2406, %ne3A_2401 : i1
        %add3A_2408 = arith.addi %rem3A_2399, %select_n3A_2398 : i32
        %select_n3A_2409 = arith.select %and3A_2407, %add3A_2408, %rem3A_2399 : i32
        %mul3A_2410 = arith.constant 32 : i32
        %mul3A_2411 = arith.muli %select_n3A_2409, %mul3A_2410 : i32
        %add3A_2412 = vector.broadcast %mul3A_2411 : i32 to vector<16xi32>
        %add3A_2413 = arith.addi %add3A_2412, %iota3A : vector<16xi32>
        %mul3A_2414 = arith.mulf %gather3A_2357, %gather3A_2362 : vector<16xf32>
        tpu.vector_store_idx %arg11[%broadcast_in_dim3A_2393, %add3A_2413], %mul3A_2414 : memref<128x128xf32, #tpu.memory_space<vmem>>[vector<16xi32>, vector<16xi32>], vector<16xf32>,
        %add3A_2415 = arith.constant 16 : i32
        %add3A_2416 = vector.broadcast %add3A_2415 : i32 to vector<16xi32>
        %add3A_2417 = arith.addi %add3A_2413, %add3A_2416 : vector<16xi32>
        %mul3A_2418 = arith.mulf %gather3A_2361, %gather3A_2366 : vector<16xf32>
        tpu.vector_store_idx %arg11[%broadcast_in_dim3A_2393, %add3A_2417], %mul3A_2418 : memref<128x128xf32, #tpu.memory_space<vmem>>[vector<16xi32>, vector<16xi32>], vector<16xf32>,
      } else {
      }
      %slice3A_396 = vector.extract_strided_slice %and3A_258 {offsets = [4], sizes = [1], strides = [1]} : vector<16xi32> to vector<1xi32>
      %squeeze3A_397 = vector.extract %slice3A_396[0] : i32 from vector<1xi32>
      %multiple_of3A_398 = tpu.assume_multiple %squeeze3A_397, 128 : i32
      %dma_start3A_399 = arith.constant 0 : i32
      %dma_start3A_400 = arith.constant 0 : i32
      %dma_start3A_401 = arith.constant 0 : i32
      %dma_start3A_402 = tpu.memref_slice %arg10[%dma_start3A_399, %dma_start3A_400, %dma_start3A_401] : memref<8x32x128xf32, #tpu.memory_space<vmem>> -> memref<1x32x128xf32, #tpu.memory_space<vmem>>
      %dma_start3A_403 = tpu.memref_squeeze %dma_start3A_402 : memref<1x32x128xf32, #tpu.memory_space<vmem>> -> memref<32x128xf32, #tpu.memory_space<vmem>>
      %dma_start3A_404 = arith.constant 0 : i32
      %dma_start3A_405 = tpu.memref_slice %arg4[%dma_start3A_404, %multiple_of3A_398] : memref<32x1000000xf32, #tpu.memory_space<hbm>> -> memref<32x128xf32, #tpu.memory_space<hbm>>
      %dma_start3A_406 = arith.constant 0 : i32
      %dma_start3A_407 = arith.constant 0 : i32
      %dma_start3A_408 = tpu.memref_slice %arg10[%dma_start3A_399, %dma_start3A_406, %dma_start3A_407] : memref<8x32x128xf32, #tpu.memory_space<vmem>> -> memref<1x32x128xf32, #tpu.memory_space<vmem>>
      %dma_start3A_409 = tpu.memref_squeeze %dma_start3A_408 : memref<1x32x128xf32, #tpu.memory_space<vmem>> -> memref<32x128xf32, #tpu.memory_space<vmem>>
      %dma_start3A_410 = arith.constant 0 : i32
      %dma_start3A_411 = tpu.memref_slice %arg4[%dma_start3A_410, %multiple_of3A_398] : memref<32x1000000xf32, #tpu.memory_space<hbm>> -> memref<32x128xf32, #tpu.memory_space<hbm>>
      tpu.enqueue_dma source(%dma_start3A_411 : memref<32x128xf32, #tpu.memory_space<hbm>>) target(%dma_start3A_409 : memref<32x128xf32, #tpu.memory_space<vmem>>) target_semaphore(%arg13 : memref<!tpu.dma_semaphore, #tpu.memory_space<semaphore_mem>>)
      %slice3A_412 = vector.extract_strided_slice %and3A_258 {offsets = [5], sizes = [1], strides = [1]} : vector<16xi32> to vector<1xi32>
      %squeeze3A_413 = vector.extract %slice3A_412[0] : i32 from vector<1xi32>
      %multiple_of3A_414 = tpu.assume_multiple %squeeze3A_413, 128 : i32
      %dma_start3A_415 = arith.constant 1 : i32
      %dma_start3A_416 = arith.constant 0 : i32
      %dma_start3A_417 = arith.constant 0 : i32
      %dma_start3A_418 = tpu.memref_slice %arg10[%dma_start3A_415, %dma_start3A_416, %dma_start3A_417] : memref<8x32x128xf32, #tpu.memory_space<vmem>> -> memref<1x32x128xf32, #tpu.memory_space<vmem>>
      %dma_start3A_419 = tpu.memref_squeeze %dma_start3A_418 : memref<1x32x128xf32, #tpu.memory_space<vmem>> -> memref<32x128xf32, #tpu.memory_space<vmem>>
      %dma_start3A_420 = arith.constant 0 : i32
      %dma_start3A_421 = tpu.memref_slice %arg4[%dma_start3A_420, %multiple_of3A_414] : memref<32x1000000xf32, #tpu.memory_space<hbm>> -> memref<32x128xf32, #tpu.memory_space<hbm>>
      %dma_start3A_422 = arith.constant 0 : i32
      %dma_start3A_423 = arith.constant 0 : i32
      %dma_start3A_424 = tpu.memref_slice %arg10[%dma_start3A_415, %dma_start3A_422, %dma_start3A_423] : memref<8x32x128xf32, #tpu.memory_space<vmem>> -> memref<1x32x128xf32, #tpu.memory_space<vmem>>
      %dma_start3A_425 = tpu.memref_squeeze %dma_start3A_424 : memref<1x32x128xf32, #tpu.memory_space<vmem>> -> memref<32x128xf32, #tpu.memory_space<vmem>>
      %dma_start3A_426 = arith.constant 0 : i32
      %dma_start3A_427 = tpu.memref_slice %arg4[%dma_start3A_426, %multiple_of3A_414] : memref<32x1000000xf32, #tpu.memory_space<hbm>> -> memref<32x128xf32, #tpu.memory_space<hbm>>
      tpu.enqueue_dma source(%dma_start3A_427 : memref<32x128xf32, #tpu.memory_space<hbm>>) target(%dma_start3A_425 : memref<32x128xf32, #tpu.memory_space<vmem>>) target_semaphore(%arg13 : memref<!tpu.dma_semaphore, #tpu.memory_space<semaphore_mem>>)
      %slice3A_428 = vector.extract_strided_slice %and3A_258 {offsets = [6], sizes = [1], strides = [1]} : vector<16xi32> to vector<1xi32>
      %squeeze3A_429 = vector.extract %slice3A_428[0] : i32 from vector<1xi32>
      %multiple_of3A_430 = tpu.assume_multiple %squeeze3A_429, 128 : i32
      %dma_start3A_431 = arith.constant 2 : i32
      %dma_start3A_432 = arith.constant 0 : i32
      %dma_start3A_433 = arith.constant 0 : i32
      %dma_start3A_434 = tpu.memref_slice %arg10[%dma_start3A_431, %dma_start3A_432, %dma_start3A_433] : memref<8x32x128xf32, #tpu.memory_space<vmem>> -> memref<1x32x128xf32, #tpu.memory_space<vmem>>
      %dma_start3A_435 = tpu.memref_squeeze %dma_start3A_434 : memref<1x32x128xf32, #tpu.memory_space<vmem>> -> memref<32x128xf32, #tpu.memory_space<vmem>>
      %dma_start3A_436 = arith.constant 0 : i32
      %dma_start3A_437 = tpu.memref_slice %arg4[%dma_start3A_436, %multiple_of3A_430] : memref<32x1000000xf32, #tpu.memory_space<hbm>> -> memref<32x128xf32, #tpu.memory_space<hbm>>
      %dma_start3A_438 = arith.constant 0 : i32
      %dma_start3A_439 = arith.constant 0 : i32
      %dma_start3A_440 = tpu.memref_slice %arg10[%dma_start3A_431, %dma_start3A_438, %dma_start3A_439] : memref<8x32x128xf32, #tpu.memory_space<vmem>> -> memref<1x32x128xf32, #tpu.memory_space<vmem>>
      %dma_start3A_441 = tpu.memref_squeeze %dma_start3A_440 : memref<1x32x128xf32, #tpu.memory_space<vmem>> -> memref<32x128xf32, #tpu.memory_space<vmem>>
      %dma_start3A_442 = arith.constant 0 : i32
      %dma_start3A_443 = tpu.memref_slice %arg4[%dma_start3A_442, %multiple_of3A_430] : memref<32x1000000xf32, #tpu.memory_space<hbm>> -> memref<32x128xf32, #tpu.memory_space<hbm>>
      tpu.enqueue_dma source(%dma_start3A_443 : memref<32x128xf32, #tpu.memory_space<hbm>>) target(%dma_start3A_441 : memref<32x128xf32, #tpu.memory_space<vmem>>) target_semaphore(%arg13 : memref<!tpu.dma_semaphore, #tpu.memory_space<semaphore_mem>>)
      %slice3A_444 = vector.extract_strided_slice %and3A_258 {offsets = [7], sizes = [1], strides = [1]} : vector<16xi32> to vector<1xi32>
      %squeeze3A_445 = vector.extract %slice3A_444[0] : i32 from vector<1xi32>
      %multiple_of3A_446 = tpu.assume_multiple %squeeze3A_445, 128 : i32
      %dma_start3A_447 = arith.constant 3 : i32
      %dma_start3A_448 = arith.constant 0 : i32
      %dma_start3A_449 = arith.constant 0 : i32
      %dma_start3A_450 = tpu.memref_slice %arg10[%dma_start3A_447, %dma_start3A_448, %dma_start3A_449] : memref<8x32x128xf32, #tpu.memory_space<vmem>> -> memref<1x32x128xf32, #tpu.memory_space<vmem>>
      %dma_start3A_451 = tpu.memref_squeeze %dma_start3A_450 : memref<1x32x128xf32, #tpu.memory_space<vmem>> -> memref<32x128xf32, #tpu.memory_space<vmem>>
      %dma_start3A_452 = arith.constant 0 : i32
      %dma_start3A_453 = tpu.memref_slice %arg4[%dma_start3A_452, %multiple_of3A_446] : memref<32x1000000xf32, #tpu.memory_space<hbm>> -> memref<32x128xf32, #tpu.memory_space<hbm>>
      %dma_start3A_454 = arith.constant 0 : i32
      %dma_start3A_455 = arith.constant 0 : i32
      %dma_start3A_456 = tpu.memref_slice %arg10[%dma_start3A_447, %dma_start3A_454, %dma_start3A_455] : memref<8x32x128xf32, #tpu.memory_space<vmem>> -> memref<1x32x128xf32, #tpu.memory_space<vmem>>
      %dma_start3A_457 = tpu.memref_squeeze %dma_start3A_456 : memref<1x32x128xf32, #tpu.memory_space<vmem>> -> memref<32x128xf32, #tpu.memory_space<vmem>>
      %dma_start3A_458 = arith.constant 0 : i32
      %dma_start3A_459 = tpu.memref_slice %arg4[%dma_start3A_458, %multiple_of3A_446] : memref<32x1000000xf32, #tpu.memory_space<hbm>> -> memref<32x128xf32, #tpu.memory_space<hbm>>
      tpu.enqueue_dma source(%dma_start3A_459 : memref<32x128xf32, #tpu.memory_space<hbm>>) target(%dma_start3A_457 : memref<32x128xf32, #tpu.memory_space<vmem>>) target_semaphore(%arg13 : memref<!tpu.dma_semaphore, #tpu.memory_space<semaphore_mem>>)
      %slice3A_460 = vector.extract_strided_slice %and3A_264 {offsets = [4], sizes = [1], strides = [1]} : vector<16xi32> to vector<1xi32>
      %squeeze3A_461 = vector.extract %slice3A_460[0] : i32 from vector<1xi32>
      %multiple_of3A_462 = tpu.assume_multiple %squeeze3A_461, 128 : i32
      %dma_start3A_463 = arith.constant 4 : i32
      %dma_start3A_464 = arith.constant 0 : i32
      %dma_start3A_465 = arith.constant 0 : i32
      %dma_start3A_466 = tpu.memref_slice %arg10[%dma_start3A_463, %dma_start3A_464, %dma_start3A_465] : memref<8x32x128xf32, #tpu.memory_space<vmem>> -> memref<1x32x128xf32, #tpu.memory_space<vmem>>
      %dma_start3A_467 = tpu.memref_squeeze %dma_start3A_466 : memref<1x32x128xf32, #tpu.memory_space<vmem>> -> memref<32x128xf32, #tpu.memory_space<vmem>>
      %dma_start3A_468 = arith.constant 0 : i32
      %dma_start3A_469 = tpu.memref_slice %arg5[%dma_start3A_468, %multiple_of3A_462] : memref<32x1000000xf32, #tpu.memory_space<hbm>> -> memref<32x128xf32, #tpu.memory_space<hbm>>
      %dma_start3A_470 = arith.constant 0 : i32
      %dma_start3A_471 = arith.constant 0 : i32
      %dma_start3A_472 = tpu.memref_slice %arg10[%dma_start3A_463, %dma_start3A_470, %dma_start3A_471] : memref<8x32x128xf32, #tpu.memory_space<vmem>> -> memref<1x32x128xf32, #tpu.memory_space<vmem>>
      %dma_start3A_473 = tpu.memref_squeeze %dma_start3A_472 : memref<1x32x128xf32, #tpu.memory_space<vmem>> -> memref<32x128xf32, #tpu.memory_space<vmem>>
      %dma_start3A_474 = arith.constant 0 : i32
      %dma_start3A_475 = tpu.memref_slice %arg5[%dma_start3A_474, %multiple_of3A_462] : memref<32x1000000xf32, #tpu.memory_space<hbm>> -> memref<32x128xf32, #tpu.memory_space<hbm>>
      tpu.enqueue_dma source(%dma_start3A_475 : memref<32x128xf32, #tpu.memory_space<hbm>>) target(%dma_start3A_473 : memref<32x128xf32, #tpu.memory_space<vmem>>) target_semaphore(%arg13 : memref<!tpu.dma_semaphore, #tpu.memory_space<semaphore_mem>>)
      %slice3A_476 = vector.extract_strided_slice %and3A_264 {offsets = [5], sizes = [1], strides = [1]} : vector<16xi32> to vector<1xi32>
      %squeeze3A_477 = vector.extract %slice3A_476[0] : i32 from vector<1xi32>
      %multiple_of3A_478 = tpu.assume_multiple %squeeze3A_477, 128 : i32
      %dma_start3A_479 = arith.constant 5 : i32
      %dma_start3A_480 = arith.constant 0 : i32
      %dma_start3A_481 = arith.constant 0 : i32
      %dma_start3A_482 = tpu.memref_slice %arg10[%dma_start3A_479, %dma_start3A_480, %dma_start3A_481] : memref<8x32x128xf32, #tpu.memory_space<vmem>> -> memref<1x32x128xf32, #tpu.memory_space<vmem>>
      %dma_start3A_483 = tpu.memref_squeeze %dma_start3A_482 : memref<1x32x128xf32, #tpu.memory_space<vmem>> -> memref<32x128xf32, #tpu.memory_space<vmem>>
      %dma_start3A_484 = arith.constant 0 : i32
      %dma_start3A_485 = tpu.memref_slice %arg5[%dma_start3A_484, %multiple_of3A_478] : memref<32x1000000xf32, #tpu.memory_space<hbm>> -> memref<32x128xf32, #tpu.memory_space<hbm>>
      %dma_start3A_486 = arith.constant 0 : i32
      %dma_start3A_487 = arith.constant 0 : i32
      %dma_start3A_488 = tpu.memref_slice %arg10[%dma_start3A_479, %dma_start3A_486, %dma_start3A_487] : memref<8x32x128xf32, #tpu.memory_space<vmem>> -> memref<1x32x128xf32, #tpu.memory_space<vmem>>
      %dma_start3A_489 = tpu.memref_squeeze %dma_start3A_488 : memref<1x32x128xf32, #tpu.memory_space<vmem>> -> memref<32x128xf32, #tpu.memory_space<vmem>>
      %dma_start3A_490 = arith.constant 0 : i32
      %dma_start3A_491 = tpu.memref_slice %arg5[%dma_start3A_490, %multiple_of3A_478] : memref<32x1000000xf32, #tpu.memory_space<hbm>> -> memref<32x128xf32, #tpu.memory_space<hbm>>
      tpu.enqueue_dma source(%dma_start3A_491 : memref<32x128xf32, #tpu.memory_space<hbm>>) target(%dma_start3A_489 : memref<32x128xf32, #tpu.memory_space<vmem>>) target_semaphore(%arg13 : memref<!tpu.dma_semaphore, #tpu.memory_space<semaphore_mem>>)
      %slice3A_492 = vector.extract_strided_slice %and3A_264 {offsets = [6], sizes = [1], strides = [1]} : vector<16xi32> to vector<1xi32>
      %squeeze3A_493 = vector.extract %slice3A_492[0] : i32 from vector<1xi32>
      %multiple_of3A_494 = tpu.assume_multiple %squeeze3A_493, 128 : i32
      %dma_start3A_495 = arith.constant 6 : i32
      %dma_start3A_496 = arith.constant 0 : i32
      %dma_start3A_497 = arith.constant 0 : i32
      %dma_start3A_498 = tpu.memref_slice %arg10[%dma_start3A_495, %dma_start3A_496, %dma_start3A_497] : memref<8x32x128xf32, #tpu.memory_space<vmem>> -> memref<1x32x128xf32, #tpu.memory_space<vmem>>
      %dma_start3A_499 = tpu.memref_squeeze %dma_start3A_498 : memref<1x32x128xf32, #tpu.memory_space<vmem>> -> memref<32x128xf32, #tpu.memory_space<vmem>>
      %dma_start3A_500 = arith.constant 0 : i32
      %dma_start3A_501 = tpu.memref_slice %arg5[%dma_start3A_500, %multiple_of3A_494] : memref<32x1000000xf32, #tpu.memory_space<hbm>> -> memref<32x128xf32, #tpu.memory_space<hbm>>
      %dma_start3A_502 = arith.constant 0 : i32
      %dma_start3A_503 = arith.constant 0 : i32
      %dma_start3A_504 = tpu.memref_slice %arg10[%dma_start3A_495, %dma_start3A_502, %dma_start3A_503] : memref<8x32x128xf32, #tpu.memory_space<vmem>> -> memref<1x32x128xf32, #tpu.memory_space<vmem>>
      %dma_start3A_505 = tpu.memref_squeeze %dma_start3A_504 : memref<1x32x128xf32, #tpu.memory_space<vmem>> -> memref<32x128xf32, #tpu.memory_space<vmem>>
      %dma_start3A_506 = arith.constant 0 : i32
      %dma_start3A_507 = tpu.memref_slice %arg5[%dma_start3A_506, %multiple_of3A_494] : memref<32x1000000xf32, #tpu.memory_space<hbm>> -> memref<32x128xf32, #tpu.memory_space<hbm>>
      tpu.enqueue_dma source(%dma_start3A_507 : memref<32x128xf32, #tpu.memory_space<hbm>>) target(%dma_start3A_505 : memref<32x128xf32, #tpu.memory_space<vmem>>) target_semaphore(%arg13 : memref<!tpu.dma_semaphore, #tpu.memory_space<semaphore_mem>>)
      %slice3A_508 = vector.extract_strided_slice %and3A_264 {offsets = [7], sizes = [1], strides = [1]} : vector<16xi32> to vector<1xi32>
      %squeeze3A_509 = vector.extract %slice3A_508[0] : i32 from vector<1xi32>
      %multiple_of3A_510 = tpu.assume_multiple %squeeze3A_509, 128 : i32
      %dma_start3A_511 = arith.constant 7 : i32
      %dma_start3A_512 = arith.constant 0 : i32
      %dma_start3A_513 = arith.constant 0 : i32
      %dma_start3A_514 = tpu.memref_slice %arg10[%dma_start3A_511, %dma_start3A_512, %dma_start3A_513] : memref<8x32x128xf32, #tpu.memory_space<vmem>> -> memref<1x32x128xf32, #tpu.memory_space<vmem>>
      %dma_start3A_515 = tpu.memref_squeeze %dma_start3A_514 : memref<1x32x128xf32, #tpu.memory_space<vmem>> -> memref<32x128xf32, #tpu.memory_space<vmem>>
      %dma_start3A_516 = arith.constant 0 : i32
      %dma_start3A_517 = tpu.memref_slice %arg5[%dma_start3A_516, %multiple_of3A_510] : memref<32x1000000xf32, #tpu.memory_space<hbm>> -> memref<32x128xf32, #tpu.memory_space<hbm>>
      %dma_start3A_518 = arith.constant 0 : i32
      %dma_start3A_519 = arith.constant 0 : i32
      %dma_start3A_520 = tpu.memref_slice %arg10[%dma_start3A_511, %dma_start3A_518, %dma_start3A_519] : memref<8x32x128xf32, #tpu.memory_space<vmem>> -> memref<1x32x128xf32, #tpu.memory_space<vmem>>
      %dma_start3A_521 = tpu.memref_squeeze %dma_start3A_520 : memref<1x32x128xf32, #tpu.memory_space<vmem>> -> memref<32x128xf32, #tpu.memory_space<vmem>>
      %dma_start3A_522 = arith.constant 0 : i32
      %dma_start3A_523 = tpu.memref_slice %arg5[%dma_start3A_522, %multiple_of3A_510] : memref<32x1000000xf32, #tpu.memory_space<hbm>> -> memref<32x128xf32, #tpu.memory_space<hbm>>
      tpu.enqueue_dma source(%dma_start3A_523 : memref<32x128xf32, #tpu.memory_space<hbm>>) target(%dma_start3A_521 : memref<32x128xf32, #tpu.memory_space<vmem>>) target_semaphore(%arg13 : memref<!tpu.dma_semaphore, #tpu.memory_space<semaphore_mem>>)
      %dma_wait3A_524 = arith.constant 0 : i32
      %dma_wait3A_525 = arith.constant 0 : i32
      %dma_wait3A_526 = arith.constant 0 : i32
      %dma_wait3A_527 = tpu.memref_slice %arg9[%dma_wait3A_524, %dma_wait3A_525, %dma_wait3A_526] : memref<8x32x128xf32, #tpu.memory_space<vmem>> -> memref<1x32x128xf32, #tpu.memory_space<vmem>>
      %dma_wait3A_528 = tpu.memref_squeeze %dma_wait3A_527 : memref<1x32x128xf32, #tpu.memory_space<vmem>> -> memref<32x128xf32, #tpu.memory_space<vmem>>
      %dma_wait3A_529 = arith.constant 0 : i32
      %dma_wait3A_530 = arith.constant 0 : i32
      %dma_wait3A_531 = tpu.memref_slice %arg4[%dma_wait3A_529, %dma_wait3A_530] : memref<32x1000000xf32, #tpu.memory_space<hbm>> -> memref<32x128xf32, #tpu.memory_space<hbm>>
      %dma_wait3A_532 = arith.constant 0 : i32
      %dma_wait3A_533 = arith.constant 0 : i32
      %dma_wait3A_534 = tpu.memref_slice %arg9[%dma_wait3A_524, %dma_wait3A_532, %dma_wait3A_533] : memref<8x32x128xf32, #tpu.memory_space<vmem>> -> memref<1x32x128xf32, #tpu.memory_space<vmem>>
      %dma_wait3A_535 = tpu.memref_squeeze %dma_wait3A_534 : memref<1x32x128xf32, #tpu.memory_space<vmem>> -> memref<32x128xf32, #tpu.memory_space<vmem>>
      %dma_wait3A_536 = arith.constant 0 : i32
      %dma_wait3A_537 = arith.constant 0 : i32
      %dma_wait3A_538 = tpu.memref_slice %arg4[%dma_wait3A_536, %dma_wait3A_537] : memref<32x1000000xf32, #tpu.memory_space<hbm>> -> memref<32x128xf32, #tpu.memory_space<hbm>>
      tpu.wait_dma2 semaphore(%arg12 : memref<!tpu.dma_semaphore, #tpu.memory_space<semaphore_mem>>) src(%dma_wait3A_538 : memref<32x128xf32, #tpu.memory_space<hbm>>) dst(%dma_wait3A_535 : memref<32x128xf32, #tpu.memory_space<vmem>>)
      %dma_wait3A_539 = arith.constant 1 : i32
      %dma_wait3A_540 = arith.constant 0 : i32
      %dma_wait3A_541 = arith.constant 0 : i32
      %dma_wait3A_542 = tpu.memref_slice %arg9[%dma_wait3A_539, %dma_wait3A_540, %dma_wait3A_541] : memref<8x32x128xf32, #tpu.memory_space<vmem>> -> memref<1x32x128xf32, #tpu.memory_space<vmem>>
      %dma_wait3A_543 = tpu.memref_squeeze %dma_wait3A_542 : memref<1x32x128xf32, #tpu.memory_space<vmem>> -> memref<32x128xf32, #tpu.memory_space<vmem>>
      %dma_wait3A_544 = arith.constant 0 : i32
      %dma_wait3A_545 = arith.constant 0 : i32
      %dma_wait3A_546 = tpu.memref_slice %arg4[%dma_wait3A_544, %dma_wait3A_545] : memref<32x1000000xf32, #tpu.memory_space<hbm>> -> memref<32x128xf32, #tpu.memory_space<hbm>>
      %dma_wait3A_547 = arith.constant 0 : i32
      %dma_wait3A_548 = arith.constant 0 : i32
      %dma_wait3A_549 = tpu.memref_slice %arg9[%dma_wait3A_539, %dma_wait3A_547, %dma_wait3A_548] : memref<8x32x128xf32, #tpu.memory_space<vmem>> -> memref<1x32x128xf32, #tpu.memory_space<vmem>>
      %dma_wait3A_550 = tpu.memref_squeeze %dma_wait3A_549 : memref<1x32x128xf32, #tpu.memory_space<vmem>> -> memref<32x128xf32, #tpu.memory_space<vmem>>
      %dma_wait3A_551 = arith.constant 0 : i32
      %dma_wait3A_552 = arith.constant 0 : i32
      %dma_wait3A_553 = tpu.memref_slice %arg4[%dma_wait3A_551, %dma_wait3A_552] : memref<32x1000000xf32, #tpu.memory_space<hbm>> -> memref<32x128xf32, #tpu.memory_space<hbm>>
      tpu.wait_dma2 semaphore(%arg12 : memref<!tpu.dma_semaphore, #tpu.memory_space<semaphore_mem>>) src(%dma_wait3A_553 : memref<32x128xf32, #tpu.memory_space<hbm>>) dst(%dma_wait3A_550 : memref<32x128xf32, #tpu.memory_space<vmem>>)
      %dma_wait3A_554 = arith.constant 2 : i32
      %dma_wait3A_555 = arith.constant 0 : i32
      %dma_wait3A_556 = arith.constant 0 : i32
      %dma_wait3A_557 = tpu.memref_slice %arg9[%dma_wait3A_554, %dma_wait3A_555, %dma_wait3A_556] : memref<8x32x128xf32, #tpu.memory_space<vmem>> -> memref<1x32x128xf32, #tpu.memory_space<vmem>>
      %dma_wait3A_558 = tpu.memref_squeeze %dma_wait3A_557 : memref<1x32x128xf32, #tpu.memory_space<vmem>> -> memref<32x128xf32, #tpu.memory_space<vmem>>
      %dma_wait3A_559 = arith.constant 0 : i32
      %dma_wait3A_560 = arith.constant 0 : i32
      %dma_wait3A_561 = tpu.memref_slice %arg4[%dma_wait3A_559, %dma_wait3A_560] : memref<32x1000000xf32, #tpu.memory_space<hbm>> -> memref<32x128xf32, #tpu.memory_space<hbm>>
      %dma_wait3A_562 = arith.constant 0 : i32
      %dma_wait3A_563 = arith.constant 0 : i32
      %dma_wait3A_564 = tpu.memref_slice %arg9[%dma_wait3A_554, %dma_wait3A_562, %dma_wait3A_563] : memref<8x32x128xf32, #tpu.memory_space<vmem>> -> memref<1x32x128xf32, #tpu.memory_space<vmem>>
      %dma_wait3A_565 = tpu.memref_squeeze %dma_wait3A_564 : memref<1x32x128xf32, #tpu.memory_space<vmem>> -> memref<32x128xf32, #tpu.memory_space<vmem>>
      %dma_wait3A_566 = arith.constant 0 : i32
      %dma_wait3A_567 = arith.constant 0 : i32
      %dma_wait3A_568 = tpu.memref_slice %arg4[%dma_wait3A_566, %dma_wait3A_567] : memref<32x1000000xf32, #tpu.memory_space<hbm>> -> memref<32x128xf32, #tpu.memory_space<hbm>>
      tpu.wait_dma2 semaphore(%arg12 : memref<!tpu.dma_semaphore, #tpu.memory_space<semaphore_mem>>) src(%dma_wait3A_568 : memref<32x128xf32, #tpu.memory_space<hbm>>) dst(%dma_wait3A_565 : memref<32x128xf32, #tpu.memory_space<vmem>>)
      %dma_wait3A_569 = arith.constant 3 : i32
      %dma_wait3A_570 = arith.constant 0 : i32
      %dma_wait3A_571 = arith.constant 0 : i32
      %dma_wait3A_572 = tpu.memref_slice %arg9[%dma_wait3A_569, %dma_wait3A_570, %dma_wait3A_571] : memref<8x32x128xf32, #tpu.memory_space<vmem>> -> memref<1x32x128xf32, #tpu.memory_space<vmem>>
      %dma_wait3A_573 = tpu.memref_squeeze %dma_wait3A_572 : memref<1x32x128xf32, #tpu.memory_space<vmem>> -> memref<32x128xf32, #tpu.memory_space<vmem>>
      %dma_wait3A_574 = arith.constant 0 : i32
      %dma_wait3A_575 = arith.constant 0 : i32
      %dma_wait3A_576 = tpu.memref_slice %arg4[%dma_wait3A_574, %dma_wait3A_575] : memref<32x1000000xf32, #tpu.memory_space<hbm>> -> memref<32x128xf32, #tpu.memory_space<hbm>>
      %dma_wait3A_577 = arith.constant 0 : i32
      %dma_wait3A_578 = arith.constant 0 : i32
      %dma_wait3A_579 = tpu.memref_slice %arg9[%dma_wait3A_569, %dma_wait3A_577, %dma_wait3A_578] : memref<8x32x128xf32, #tpu.memory_space<vmem>> -> memref<1x32x128xf32, #tpu.memory_space<vmem>>
      %dma_wait3A_580 = tpu.memref_squeeze %dma_wait3A_579 : memref<1x32x128xf32, #tpu.memory_space<vmem>> -> memref<32x128xf32, #tpu.memory_space<vmem>>
      %dma_wait3A_581 = arith.constant 0 : i32
      %dma_wait3A_582 = arith.constant 0 : i32
      %dma_wait3A_583 = tpu.memref_slice %arg4[%dma_wait3A_581, %dma_wait3A_582] : memref<32x1000000xf32, #tpu.memory_space<hbm>> -> memref<32x128xf32, #tpu.memory_space<hbm>>
      tpu.wait_dma2 semaphore(%arg12 : memref<!tpu.dma_semaphore, #tpu.memory_space<semaphore_mem>>) src(%dma_wait3A_583 : memref<32x128xf32, #tpu.memory_space<hbm>>) dst(%dma_wait3A_580 : memref<32x128xf32, #tpu.memory_space<vmem>>)
      %dma_wait3A_584 = arith.constant 4 : i32
      %dma_wait3A_585 = arith.constant 0 : i32
      %dma_wait3A_586 = arith.constant 0 : i32
      %dma_wait3A_587 = tpu.memref_slice %arg9[%dma_wait3A_584, %dma_wait3A_585, %dma_wait3A_586] : memref<8x32x128xf32, #tpu.memory_space<vmem>> -> memref<1x32x128xf32, #tpu.memory_space<vmem>>
      %dma_wait3A_588 = tpu.memref_squeeze %dma_wait3A_587 : memref<1x32x128xf32, #tpu.memory_space<vmem>> -> memref<32x128xf32, #tpu.memory_space<vmem>>
      %dma_wait3A_589 = arith.constant 0 : i32
      %dma_wait3A_590 = arith.constant 0 : i32
      %dma_wait3A_591 = tpu.memref_slice %arg4[%dma_wait3A_589, %dma_wait3A_590] : memref<32x1000000xf32, #tpu.memory_space<hbm>> -> memref<32x128xf32, #tpu.memory_space<hbm>>
      %dma_wait3A_592 = arith.constant 0 : i32
      %dma_wait3A_593 = arith.constant 0 : i32
      %dma_wait3A_594 = tpu.memref_slice %arg9[%dma_wait3A_584, %dma_wait3A_592, %dma_wait3A_593] : memref<8x32x128xf32, #tpu.memory_space<vmem>> -> memref<1x32x128xf32, #tpu.memory_space<vmem>>
      %dma_wait3A_595 = tpu.memref_squeeze %dma_wait3A_594 : memref<1x32x128xf32, #tpu.memory_space<vmem>> -> memref<32x128xf32, #tpu.memory_space<vmem>>
      %dma_wait3A_596 = arith.constant 0 : i32
      %dma_wait3A_597 = arith.constant 0 : i32
      %dma_wait3A_598 = tpu.memref_slice %arg4[%dma_wait3A_596, %dma_wait3A_597] : memref<32x1000000xf32, #tpu.memory_space<hbm>> -> memref<32x128xf32, #tpu.memory_space<hbm>>
      tpu.wait_dma2 semaphore(%arg12 : memref<!tpu.dma_semaphore, #tpu.memory_space<semaphore_mem>>) src(%dma_wait3A_598 : memref<32x128xf32, #tpu.memory_space<hbm>>) dst(%dma_wait3A_595 : memref<32x128xf32, #tpu.memory_space<vmem>>)
      %dma_wait3A_599 = arith.constant 5 : i32
      %dma_wait3A_600 = arith.constant 0 : i32
      %dma_wait3A_601 = arith.constant 0 : i32
      %dma_wait3A_602 = tpu.memref_slice %arg9[%dma_wait3A_599, %dma_wait3A_600, %dma_wait3A_601] : memref<8x32x128xf32, #tpu.memory_space<vmem>> -> memref<1x32x128xf32, #tpu.memory_space<vmem>>
      %dma_wait3A_603 = tpu.memref_squeeze %dma_wait3A_602 : memref<1x32x128xf32, #tpu.memory_space<vmem>> -> memref<32x128xf32, #tpu.memory_space<vmem>>
      %dma_wait3A_604 = arith.constant 0 : i32
      %dma_wait3A_605 = arith.constant 0 : i32
      %dma_wait3A_606 = tpu.memref_slice %arg4[%dma_wait3A_604, %dma_wait3A_605] : memref<32x1000000xf32, #tpu.memory_space<hbm>> -> memref<32x128xf32, #tpu.memory_space<hbm>>
      %dma_wait3A_607 = arith.constant 0 : i32
      %dma_wait3A_608 = arith.constant 0 : i32
      %dma_wait3A_609 = tpu.memref_slice %arg9[%dma_wait3A_599, %dma_wait3A_607, %dma_wait3A_608] : memref<8x32x128xf32, #tpu.memory_space<vmem>> -> memref<1x32x128xf32, #tpu.memory_space<vmem>>
      %dma_wait3A_610 = tpu.memref_squeeze %dma_wait3A_609 : memref<1x32x128xf32, #tpu.memory_space<vmem>> -> memref<32x128xf32, #tpu.memory_space<vmem>>
      %dma_wait3A_611 = arith.constant 0 : i32
      %dma_wait3A_612 = arith.constant 0 : i32
      %dma_wait3A_613 = tpu.memref_slice %arg4[%dma_wait3A_611, %dma_wait3A_612] : memref<32x1000000xf32, #tpu.memory_space<hbm>> -> memref<32x128xf32, #tpu.memory_space<hbm>>
      tpu.wait_dma2 semaphore(%arg12 : memref<!tpu.dma_semaphore, #tpu.memory_space<semaphore_mem>>) src(%dma_wait3A_613 : memref<32x128xf32, #tpu.memory_space<hbm>>) dst(%dma_wait3A_610 : memref<32x128xf32, #tpu.memory_space<vmem>>)
      %dma_wait3A_614 = arith.constant 6 : i32
      %dma_wait3A_615 = arith.constant 0 : i32
      %dma_wait3A_616 = arith.constant 0 : i32
      %dma_wait3A_617 = tpu.memref_slice %arg9[%dma_wait3A_614, %dma_wait3A_615, %dma_wait3A_616] : memref<8x32x128xf32, #tpu.memory_space<vmem>> -> memref<1x32x128xf32, #tpu.memory_space<vmem>>
      %dma_wait3A_618 = tpu.memref_squeeze %dma_wait3A_617 : memref<1x32x128xf32, #tpu.memory_space<vmem>> -> memref<32x128xf32, #tpu.memory_space<vmem>>
      %dma_wait3A_619 = arith.constant 0 : i32
      %dma_wait3A_620 = arith.constant 0 : i32
      %dma_wait3A_621 = tpu.memref_slice %arg4[%dma_wait3A_619, %dma_wait3A_620] : memref<32x1000000xf32, #tpu.memory_space<hbm>> -> memref<32x128xf32, #tpu.memory_space<hbm>>
      %dma_wait3A_622 = arith.constant 0 : i32
      %dma_wait3A_623 = arith.constant 0 : i32
      %dma_wait3A_624 = tpu.memref_slice %arg9[%dma_wait3A_614, %dma_wait3A_622, %dma_wait3A_623] : memref<8x32x128xf32, #tpu.memory_space<vmem>> -> memref<1x32x128xf32, #tpu.memory_space<vmem>>
      %dma_wait3A_625 = tpu.memref_squeeze %dma_wait3A_624 : memref<1x32x128xf32, #tpu.memory_space<vmem>> -> memref<32x128xf32, #tpu.memory_space<vmem>>
      %dma_wait3A_626 = arith.constant 0 : i32
      %dma_wait3A_627 = arith.constant 0 : i32
      %dma_wait3A_628 = tpu.memref_slice %arg4[%dma_wait3A_626, %dma_wait3A_627] : memref<32x1000000xf32, #tpu.memory_space<hbm>> -> memref<32x128xf32, #tpu.memory_space<hbm>>
      tpu.wait_dma2 semaphore(%arg12 : memref<!tpu.dma_semaphore, #tpu.memory_space<semaphore_mem>>) src(%dma_wait3A_628 : memref<32x128xf32, #tpu.memory_space<hbm>>) dst(%dma_wait3A_625 : memref<32x128xf32, #tpu.memory_space<vmem>>)
      %dma_wait3A_629 = arith.constant 7 : i32
      %dma_wait3A_630 = arith.constant 0 : i32
      %dma_wait3A_631 = arith.constant 0 : i32
      %dma_wait3A_632 = tpu.memref_slice %arg9[%dma_wait3A_629, %dma_wait3A_630, %dma_wait3A_631] : memref<8x32x128xf32, #tpu.memory_space<vmem>> -> memref<1x32x128xf32, #tpu.memory_space<vmem>>
      %dma_wait3A_633 = tpu.memref_squeeze %dma_wait3A_632 : memref<1x32x128xf32, #tpu.memory_space<vmem>> -> memref<32x128xf32, #tpu.memory_space<vmem>>
      %dma_wait3A_634 = arith.constant 0 : i32
      %dma_wait3A_635 = arith.constant 0 : i32
      %dma_wait3A_636 = tpu.memref_slice %arg4[%dma_wait3A_634, %dma_wait3A_635] : memref<32x1000000xf32, #tpu.memory_space<hbm>> -> memref<32x128xf32, #tpu.memory_space<hbm>>
      %dma_wait3A_637 = arith.constant 0 : i32
      %dma_wait3A_638 = arith.constant 0 : i32
      %dma_wait3A_639 = tpu.memref_slice %arg9[%dma_wait3A_629, %dma_wait3A_637, %dma_wait3A_638] : memref<8x32x128xf32, #tpu.memory_space<vmem>> -> memref<1x32x128xf32, #tpu.memory_space<vmem>>
      %dma_wait3A_640 = tpu.memref_squeeze %dma_wait3A_639 : memref<1x32x128xf32, #tpu.memory_space<vmem>> -> memref<32x128xf32, #tpu.memory_space<vmem>>
      %dma_wait3A_641 = arith.constant 0 : i32
      %dma_wait3A_642 = arith.constant 0 : i32
      %dma_wait3A_643 = tpu.memref_slice %arg4[%dma_wait3A_641, %dma_wait3A_642] : memref<32x1000000xf32, #tpu.memory_space<hbm>> -> memref<32x128xf32, #tpu.memory_space<hbm>>
      tpu.wait_dma2 semaphore(%arg12 : memref<!tpu.dma_semaphore, #tpu.memory_space<semaphore_mem>>) src(%dma_wait3A_643 : memref<32x128xf32, #tpu.memory_space<hbm>>) dst(%dma_wait3A_640 : memref<32x128xf32, #tpu.memory_space<vmem>>)
      %mul3A_644 = arith.constant 16 : i32
      %mul3A_645 = arith.muli %scan3A_247, %mul3A_644 : i32
      %add3A_646 = arith.constant 0 : i32
      %add3A_647 = arith.addi %mul3A_645, %add3A_646 : i32
      %broadcast_in_dim3A_648 = arith.constant 0 : i32
      %broadcast_in_dim3A_649 = vector.broadcast %broadcast_in_dim3A_648 : i32 to vector<16xi32>
      %broadcast_in_dim3A_650 = arith.constant 4 : i32
      %broadcast_in_dim3A_651 = vector.broadcast %broadcast_in_dim3A_650 : i32 to vector<16xi32>
      %slice3A_652 = vector.extract_strided_slice %and3A_261 {offsets = [0], sizes = [1], strides = [1]} : vector<16xi32> to vector<1xi32>
      %squeeze3A_653 = vector.extract %slice3A_652[0] : i32 from vector<1xi32>
      %broadcast_in_dim3A_654 = vector.broadcast %squeeze3A_653 : i32 to vector<16xi32>
      %slice3A_655 = vector.extract_strided_slice %and3A_267 {offsets = [0], sizes = [1], strides = [1]} : vector<16xi32> to vector<1xi32>
      %squeeze3A_656 = vector.extract %slice3A_655[0] : i32 from vector<1xi32>
      %broadcast_in_dim3A_657 = vector.broadcast %squeeze3A_656 : i32 to vector<16xi32>
      %gather3A_658 = tpu.vector_load_idx %arg9[%broadcast_in_dim3A_649, %iota3A, %broadcast_in_dim3A_654] : memref<8x32x128xf32, #tpu.memory_space<vmem>>[vector<16xi32>, vector<16xi32>, vector<16xi32>], vector<16xf32>,
      %add3A_659 = arith.constant 16 : i32
      %add3A_660 = vector.broadcast %add3A_659 : i32 to vector<16xi32>
      %add3A_661 = arith.addi %iota3A, %add3A_660 : vector<16xi32>
      %gather3A_662 = tpu.vector_load_idx %arg9[%broadcast_in_dim3A_649, %add3A_661, %broadcast_in_dim3A_654] : memref<8x32x128xf32, #tpu.memory_space<vmem>>[vector<16xi32>, vector<16xi32>, vector<16xi32>], vector<16xf32>,
      %gather3A_663 = tpu.vector_load_idx %arg9[%broadcast_in_dim3A_651, %iota3A, %broadcast_in_dim3A_657] : memref<8x32x128xf32, #tpu.memory_space<vmem>>[vector<16xi32>, vector<16xi32>, vector<16xi32>], vector<16xf32>,
      %add3A_664 = arith.constant 16 : i32
      %add3A_665 = vector.broadcast %add3A_664 : i32 to vector<16xi32>
      %add3A_666 = arith.addi %iota3A, %add3A_665 : vector<16xi32>
      %gather3A_667 = tpu.vector_load_idx %arg9[%broadcast_in_dim3A_651, %add3A_666, %broadcast_in_dim3A_657] : memref<8x32x128xf32, #tpu.memory_space<vmem>>[vector<16xi32>, vector<16xi32>, vector<16xi32>], vector<16xf32>,
      %add3A_668 = arith.constant 0 : i32
      %add3A_669 = arith.addi %add3A_647, %add3A_668 : i32
      %jit3A = arith.constant 4 : i32
      %div3A = arith.divsi %add3A_669, %jit3A : i32
      %sign3A = arith.constant 0 : i32
      %sign3A_670 = arith.cmpi sgt, %add3A_669, %sign3A : i32
      %sign3A_671 = arith.extui %sign3A_670 : i1 to i32
      %sign3A_672 = arith.constant 0 : i32
      %sign3A_673 = arith.cmpi slt, %add3A_669, %sign3A_672 : i32
      %sign3A_674 = arith.extui %sign3A_673 : i1 to i32
      %sign3A_675 = arith.subi %sign3A_671, %sign3A_674 : i32
      %sign3A_676 = arith.constant 0 : i32
      %sign3A_677 = arith.cmpi sgt, %jit3A, %sign3A_676 : i32
      %sign3A_678 = arith.extui %sign3A_677 : i1 to i32
      %sign3A_679 = arith.constant 0 : i32
      %sign3A_680 = arith.cmpi slt, %jit3A, %sign3A_679 : i32
      %sign3A_681 = arith.extui %sign3A_680 : i1 to i32
      %sign3A_682 = arith.subi %sign3A_678, %sign3A_681 : i32
      %ne3A = arith.cmpi ne, %sign3A_675, %sign3A_682 : i32
      %rem3A = arith.remsi %add3A_669, %jit3A : i32
      %ne3A_683 = arith.constant 0 : i32
      %ne3A_684 = arith.cmpi ne, %rem3A, %ne3A_683 : i32
      %and3A_685 = arith.andi %ne3A, %ne3A_684 : i1
      %sub3A = arith.constant 1 : i32
      %sub3A_686 = arith.subi %div3A, %sub3A : i32
      %select_n3A = arith.select %and3A_685, %sub3A_686, %div3A : i32
      %broadcast_in_dim3A_687 = vector.broadcast %select_n3A : i32 to vector<16xi32>
      %jit3A_688 = arith.constant 4 : i32
      %eq3A = arith.constant 0 : i32
      %eq3A_689 = arith.cmpi eq, %jit3A_688, %eq3A : i32
      %jit3A_690 = arith.constant 1 : i32
      %select_n3A_691 = arith.select %eq3A_689, %jit3A_690, %jit3A_688 : i32
      %rem3A_692 = arith.remsi %add3A_669, %select_n3A_691 : i32
      %ne3A_693 = arith.constant 0 : i32
      %ne3A_694 = arith.cmpi ne, %rem3A_692, %ne3A_693 : i32
      %lt3A = arith.constant 0 : i32
      %lt3A_695 = arith.cmpi slt, %rem3A_692, %lt3A : i32
      %lt3A_696 = arith.constant 0 : i32
      %lt3A_697 = arith.cmpi slt, %select_n3A_691, %lt3A_696 : i32
      %ne3A_698 = arith.xori %lt3A_695, %lt3A_697 : i1
      %and3A_699 = arith.andi %ne3A_698, %ne3A_694 : i1
      %add3A_700 = arith.addi %rem3A_692, %select_n3A_691 : i32
      %select_n3A_701 = arith.select %and3A_699, %add3A_700, %rem3A_692 : i32
      %mul3A_702 = arith.constant 32 : i32
      %mul3A_703 = arith.muli %select_n3A_701, %mul3A_702 : i32
      %add3A_704 = vector.broadcast %mul3A_703 : i32 to vector<16xi32>
      %add3A_705 = arith.addi %add3A_704, %iota3A : vector<16xi32>
      %mul3A_706 = arith.mulf %gather3A_658, %gather3A_663 : vector<16xf32>
      tpu.vector_store_idx %arg11[%broadcast_in_dim3A_687, %add3A_705], %mul3A_706 : memref<128x128xf32, #tpu.memory_space<vmem>>[vector<16xi32>, vector<16xi32>], vector<16xf32>,
      %add3A_707 = arith.constant 16 : i32
      %add3A_708 = vector.broadcast %add3A_707 : i32 to vector<16xi32>
      %add3A_709 = arith.addi %add3A_705, %add3A_708 : vector<16xi32>
      %mul3A_710 = arith.mulf %gather3A_662, %gather3A_667 : vector<16xf32>
      tpu.vector_store_idx %arg11[%broadcast_in_dim3A_687, %add3A_709], %mul3A_710 : memref<128x128xf32, #tpu.memory_space<vmem>>[vector<16xi32>, vector<16xi32>], vector<16xf32>,
      %broadcast_in_dim3A_711 = arith.constant 1 : i32
      %broadcast_in_dim3A_712 = vector.broadcast %broadcast_in_dim3A_711 : i32 to vector<16xi32>
      %broadcast_in_dim3A_713 = arith.constant 5 : i32
      %broadcast_in_dim3A_714 = vector.broadcast %broadcast_in_dim3A_713 : i32 to vector<16xi32>
      %slice3A_715 = vector.extract_strided_slice %and3A_261 {offsets = [1], sizes = [1], strides = [1]} : vector<16xi32> to vector<1xi32>
      %squeeze3A_716 = vector.extract %slice3A_715[0] : i32 from vector<1xi32>
      %broadcast_in_dim3A_717 = vector.broadcast %squeeze3A_716 : i32 to vector<16xi32>
      %slice3A_718 = vector.extract_strided_slice %and3A_267 {offsets = [1], sizes = [1], strides = [1]} : vector<16xi32> to vector<1xi32>
      %squeeze3A_719 = vector.extract %slice3A_718[0] : i32 from vector<1xi32>
      %broadcast_in_dim3A_720 = vector.broadcast %squeeze3A_719 : i32 to vector<16xi32>
      %gather3A_721 = tpu.vector_load_idx %arg9[%broadcast_in_dim3A_712, %iota3A, %broadcast_in_dim3A_717] : memref<8x32x128xf32, #tpu.memory_space<vmem>>[vector<16xi32>, vector<16xi32>, vector<16xi32>], vector<16xf32>,
      %add3A_722 = arith.constant 16 : i32
      %add3A_723 = vector.broadcast %add3A_722 : i32 to vector<16xi32>
      %add3A_724 = arith.addi %iota3A, %add3A_723 : vector<16xi32>
      %gather3A_725 = tpu.vector_load_idx %arg9[%broadcast_in_dim3A_712, %add3A_724, %broadcast_in_dim3A_717] : memref<8x32x128xf32, #tpu.memory_space<vmem>>[vector<16xi32>, vector<16xi32>, vector<16xi32>], vector<16xf32>,
      %gather3A_726 = tpu.vector_load_idx %arg9[%broadcast_in_dim3A_714, %iota3A, %broadcast_in_dim3A_720] : memref<8x32x128xf32, #tpu.memory_space<vmem>>[vector<16xi32>, vector<16xi32>, vector<16xi32>], vector<16xf32>,
      %add3A_727 = arith.constant 16 : i32
      %add3A_728 = vector.broadcast %add3A_727 : i32 to vector<16xi32>
      %add3A_729 = arith.addi %iota3A, %add3A_728 : vector<16xi32>
      %gather3A_730 = tpu.vector_load_idx %arg9[%broadcast_in_dim3A_714, %add3A_729, %broadcast_in_dim3A_720] : memref<8x32x128xf32, #tpu.memory_space<vmem>>[vector<16xi32>, vector<16xi32>, vector<16xi32>], vector<16xf32>,
      %add3A_731 = arith.constant 1 : i32
      %add3A_732 = arith.addi %add3A_647, %add3A_731 : i32
      %jit3A_733 = arith.constant 4 : i32
      %div3A_734 = arith.divsi %add3A_732, %jit3A_733 : i32
      %sign3A_735 = arith.constant 0 : i32
      %sign3A_736 = arith.cmpi sgt, %add3A_732, %sign3A_735 : i32
      %sign3A_737 = arith.extui %sign3A_736 : i1 to i32
      %sign3A_738 = arith.constant 0 : i32
      %sign3A_739 = arith.cmpi slt, %add3A_732, %sign3A_738 : i32
      %sign3A_740 = arith.extui %sign3A_739 : i1 to i32
      %sign3A_741 = arith.subi %sign3A_737, %sign3A_740 : i32
      %sign3A_742 = arith.constant 0 : i32
      %sign3A_743 = arith.cmpi sgt, %jit3A_733, %sign3A_742 : i32
      %sign3A_744 = arith.extui %sign3A_743 : i1 to i32
      %sign3A_745 = arith.constant 0 : i32
      %sign3A_746 = arith.cmpi slt, %jit3A_733, %sign3A_745 : i32
      %sign3A_747 = arith.extui %sign3A_746 : i1 to i32
      %sign3A_748 = arith.subi %sign3A_744, %sign3A_747 : i32
      %ne3A_749 = arith.cmpi ne, %sign3A_741, %sign3A_748 : i32
      %rem3A_750 = arith.remsi %add3A_732, %jit3A_733 : i32
      %ne3A_751 = arith.constant 0 : i32
      %ne3A_752 = arith.cmpi ne, %rem3A_750, %ne3A_751 : i32
      %and3A_753 = arith.andi %ne3A_749, %ne3A_752 : i1
      %sub3A_754 = arith.constant 1 : i32
      %sub3A_755 = arith.subi %div3A_734, %sub3A_754 : i32
      %select_n3A_756 = arith.select %and3A_753, %sub3A_755, %div3A_734 : i32
      %broadcast_in_dim3A_757 = vector.broadcast %select_n3A_756 : i32 to vector<16xi32>
      %jit3A_758 = arith.constant 4 : i32
      %eq3A_759 = arith.constant 0 : i32
      %eq3A_760 = arith.cmpi eq, %jit3A_758, %eq3A_759 : i32
      %jit3A_761 = arith.constant 1 : i32
      %select_n3A_762 = arith.select %eq3A_760, %jit3A_761, %jit3A_758 : i32
      %rem3A_763 = arith.remsi %add3A_732, %select_n3A_762 : i32
      %ne3A_764 = arith.constant 0 : i32
      %ne3A_765 = arith.cmpi ne, %rem3A_763, %ne3A_764 : i32
      %lt3A_766 = arith.constant 0 : i32
      %lt3A_767 = arith.cmpi slt, %rem3A_763, %lt3A_766 : i32
      %lt3A_768 = arith.constant 0 : i32
      %lt3A_769 = arith.cmpi slt, %select_n3A_762, %lt3A_768 : i32
      %ne3A_770 = arith.xori %lt3A_767, %lt3A_769 : i1
      %and3A_771 = arith.andi %ne3A_770, %ne3A_765 : i1
      %add3A_772 = arith.addi %rem3A_763, %select_n3A_762 : i32
      %select_n3A_773 = arith.select %and3A_771, %add3A_772, %rem3A_763 : i32
      %mul3A_774 = arith.constant 32 : i32
      %mul3A_775 = arith.muli %select_n3A_773, %mul3A_774 : i32
      %add3A_776 = vector.broadcast %mul3A_775 : i32 to vector<16xi32>
      %add3A_777 = arith.addi %add3A_776, %iota3A : vector<16xi32>
      %mul3A_778 = arith.mulf %gather3A_721, %gather3A_726 : vector<16xf32>
      tpu.vector_store_idx %arg11[%broadcast_in_dim3A_757, %add3A_777], %mul3A_778 : memref<128x128xf32, #tpu.memory_space<vmem>>[vector<16xi32>, vector<16xi32>], vector<16xf32>,
      %add3A_779 = arith.constant 16 : i32
      %add3A_780 = vector.broadcast %add3A_779 : i32 to vector<16xi32>
      %add3A_781 = arith.addi %add3A_777, %add3A_780 : vector<16xi32>
      %mul3A_782 = arith.mulf %gather3A_725, %gather3A_730 : vector<16xf32>
      tpu.vector_store_idx %arg11[%broadcast_in_dim3A_757, %add3A_781], %mul3A_782 : memref<128x128xf32, #tpu.memory_space<vmem>>[vector<16xi32>, vector<16xi32>], vector<16xf32>,
      %broadcast_in_dim3A_783 = arith.constant 2 : i32
      %broadcast_in_dim3A_784 = vector.broadcast %broadcast_in_dim3A_783 : i32 to vector<16xi32>
      %broadcast_in_dim3A_785 = arith.constant 6 : i32
      %broadcast_in_dim3A_786 = vector.broadcast %broadcast_in_dim3A_785 : i32 to vector<16xi32>
      %slice3A_787 = vector.extract_strided_slice %and3A_261 {offsets = [2], sizes = [1], strides = [1]} : vector<16xi32> to vector<1xi32>
      %squeeze3A_788 = vector.extract %slice3A_787[0] : i32 from vector<1xi32>
      %broadcast_in_dim3A_789 = vector.broadcast %squeeze3A_788 : i32 to vector<16xi32>
      %slice3A_790 = vector.extract_strided_slice %and3A_267 {offsets = [2], sizes = [1], strides = [1]} : vector<16xi32> to vector<1xi32>
      %squeeze3A_791 = vector.extract %slice3A_790[0] : i32 from vector<1xi32>
      %broadcast_in_dim3A_792 = vector.broadcast %squeeze3A_791 : i32 to vector<16xi32>
      %gather3A_793 = tpu.vector_load_idx %arg9[%broadcast_in_dim3A_784, %iota3A, %broadcast_in_dim3A_789] : memref<8x32x128xf32, #tpu.memory_space<vmem>>[vector<16xi32>, vector<16xi32>, vector<16xi32>], vector<16xf32>,
      %add3A_794 = arith.constant 16 : i32
      %add3A_795 = vector.broadcast %add3A_794 : i32 to vector<16xi32>
      %add3A_796 = arith.addi %iota3A, %add3A_795 : vector<16xi32>
      %gather3A_797 = tpu.vector_load_idx %arg9[%broadcast_in_dim3A_784, %add3A_796, %broadcast_in_dim3A_789] : memref<8x32x128xf32, #tpu.memory_space<vmem>>[vector<16xi32>, vector<16xi32>, vector<16xi32>], vector<16xf32>,
      %gather3A_798 = tpu.vector_load_idx %arg9[%broadcast_in_dim3A_786, %iota3A, %broadcast_in_dim3A_792] : memref<8x32x128xf32, #tpu.memory_space<vmem>>[vector<16xi32>, vector<16xi32>, vector<16xi32>], vector<16xf32>,
      %add3A_799 = arith.constant 16 : i32
      %add3A_800 = vector.broadcast %add3A_799 : i32 to vector<16xi32>
      %add3A_801 = arith.addi %iota3A, %add3A_800 : vector<16xi32>
      %gather3A_802 = tpu.vector_load_idx %arg9[%broadcast_in_dim3A_786, %add3A_801, %broadcast_in_dim3A_792] : memref<8x32x128xf32, #tpu.memory_space<vmem>>[vector<16xi32>, vector<16xi32>, vector<16xi32>], vector<16xf32>,
      %add3A_803 = arith.constant 2 : i32
      %add3A_804 = arith.addi %add3A_647, %add3A_803 : i32
      %jit3A_805 = arith.constant 4 : i32
      %div3A_806 = arith.divsi %add3A_804, %jit3A_805 : i32
      %sign3A_807 = arith.constant 0 : i32
      %sign3A_808 = arith.cmpi sgt, %add3A_804, %sign3A_807 : i32
      %sign3A_809 = arith.extui %sign3A_808 : i1 to i32
      %sign3A_810 = arith.constant 0 : i32
      %sign3A_811 = arith.cmpi slt, %add3A_804, %sign3A_810 : i32
      %sign3A_812 = arith.extui %sign3A_811 : i1 to i32
      %sign3A_813 = arith.subi %sign3A_809, %sign3A_812 : i32
      %sign3A_814 = arith.constant 0 : i32
      %sign3A_815 = arith.cmpi sgt, %jit3A_805, %sign3A_814 : i32
      %sign3A_816 = arith.extui %sign3A_815 : i1 to i32
      %sign3A_817 = arith.constant 0 : i32
      %sign3A_818 = arith.cmpi slt, %jit3A_805, %sign3A_817 : i32
      %sign3A_819 = arith.extui %sign3A_818 : i1 to i32
      %sign3A_820 = arith.subi %sign3A_816, %sign3A_819 : i32
      %ne3A_821 = arith.cmpi ne, %sign3A_813, %sign3A_820 : i32
      %rem3A_822 = arith.remsi %add3A_804, %jit3A_805 : i32
      %ne3A_823 = arith.constant 0 : i32
      %ne3A_824 = arith.cmpi ne, %rem3A_822, %ne3A_823 : i32
      %and3A_825 = arith.andi %ne3A_821, %ne3A_824 : i1
      %sub3A_826 = arith.constant 1 : i32
      %sub3A_827 = arith.subi %div3A_806, %sub3A_826 : i32
      %select_n3A_828 = arith.select %and3A_825, %sub3A_827, %div3A_806 : i32
      %broadcast_in_dim3A_829 = vector.broadcast %select_n3A_828 : i32 to vector<16xi32>
      %jit3A_830 = arith.constant 4 : i32
      %eq3A_831 = arith.constant 0 : i32
      %eq3A_832 = arith.cmpi eq, %jit3A_830, %eq3A_831 : i32
      %jit3A_833 = arith.constant 1 : i32
      %select_n3A_834 = arith.select %eq3A_832, %jit3A_833, %jit3A_830 : i32
      %rem3A_835 = arith.remsi %add3A_804, %select_n3A_834 : i32
      %ne3A_836 = arith.constant 0 : i32
      %ne3A_837 = arith.cmpi ne, %rem3A_835, %ne3A_836 : i32
      %lt3A_838 = arith.constant 0 : i32
      %lt3A_839 = arith.cmpi slt, %rem3A_835, %lt3A_838 : i32
      %lt3A_840 = arith.constant 0 : i32
      %lt3A_841 = arith.cmpi slt, %select_n3A_834, %lt3A_840 : i32
      %ne3A_842 = arith.xori %lt3A_839, %lt3A_841 : i1
      %and3A_843 = arith.andi %ne3A_842, %ne3A_837 : i1
      %add3A_844 = arith.addi %rem3A_835, %select_n3A_834 : i32
      %select_n3A_845 = arith.select %and3A_843, %add3A_844, %rem3A_835 : i32
      %mul3A_846 = arith.constant 32 : i32
      %mul3A_847 = arith.muli %select_n3A_845, %mul3A_846 : i32
      %add3A_848 = vector.broadcast %mul3A_847 : i32 to vector<16xi32>
      %add3A_849 = arith.addi %add3A_848, %iota3A : vector<16xi32>
      %mul3A_850 = arith.mulf %gather3A_793, %gather3A_798 : vector<16xf32>
      tpu.vector_store_idx %arg11[%broadcast_in_dim3A_829, %add3A_849], %mul3A_850 : memref<128x128xf32, #tpu.memory_space<vmem>>[vector<16xi32>, vector<16xi32>], vector<16xf32>,
      %add3A_851 = arith.constant 16 : i32
      %add3A_852 = vector.broadcast %add3A_851 : i32 to vector<16xi32>
      %add3A_853 = arith.addi %add3A_849, %add3A_852 : vector<16xi32>
      %mul3A_854 = arith.mulf %gather3A_797, %gather3A_802 : vector<16xf32>
      tpu.vector_store_idx %arg11[%broadcast_in_dim3A_829, %add3A_853], %mul3A_854 : memref<128x128xf32, #tpu.memory_space<vmem>>[vector<16xi32>, vector<16xi32>], vector<16xf32>,
      %broadcast_in_dim3A_855 = arith.constant 3 : i32
      %broadcast_in_dim3A_856 = vector.broadcast %broadcast_in_dim3A_855 : i32 to vector<16xi32>
      %broadcast_in_dim3A_857 = arith.constant 7 : i32
      %broadcast_in_dim3A_858 = vector.broadcast %broadcast_in_dim3A_857 : i32 to vector<16xi32>
      %slice3A_859 = vector.extract_strided_slice %and3A_261 {offsets = [3], sizes = [1], strides = [1]} : vector<16xi32> to vector<1xi32>
      %squeeze3A_860 = vector.extract %slice3A_859[0] : i32 from vector<1xi32>
      %broadcast_in_dim3A_861 = vector.broadcast %squeeze3A_860 : i32 to vector<16xi32>
      %slice3A_862 = vector.extract_strided_slice %and3A_267 {offsets = [3], sizes = [1], strides = [1]} : vector<16xi32> to vector<1xi32>
      %squeeze3A_863 = vector.extract %slice3A_862[0] : i32 from vector<1xi32>
      %broadcast_in_dim3A_864 = vector.broadcast %squeeze3A_863 : i32 to vector<16xi32>
      %gather3A_865 = tpu.vector_load_idx %arg9[%broadcast_in_dim3A_856, %iota3A, %broadcast_in_dim3A_861] : memref<8x32x128xf32, #tpu.memory_space<vmem>>[vector<16xi32>, vector<16xi32>, vector<16xi32>], vector<16xf32>,
      %add3A_866 = arith.constant 16 : i32
      %add3A_867 = vector.broadcast %add3A_866 : i32 to vector<16xi32>
      %add3A_868 = arith.addi %iota3A, %add3A_867 : vector<16xi32>
      %gather3A_869 = tpu.vector_load_idx %arg9[%broadcast_in_dim3A_856, %add3A_868, %broadcast_in_dim3A_861] : memref<8x32x128xf32, #tpu.memory_space<vmem>>[vector<16xi32>, vector<16xi32>, vector<16xi32>], vector<16xf32>,
      %gather3A_870 = tpu.vector_load_idx %arg9[%broadcast_in_dim3A_858, %iota3A, %broadcast_in_dim3A_864] : memref<8x32x128xf32, #tpu.memory_space<vmem>>[vector<16xi32>, vector<16xi32>, vector<16xi32>], vector<16xf32>,
      %add3A_871 = arith.constant 16 : i32
      %add3A_872 = vector.broadcast %add3A_871 : i32 to vector<16xi32>
      %add3A_873 = arith.addi %iota3A, %add3A_872 : vector<16xi32>
      %gather3A_874 = tpu.vector_load_idx %arg9[%broadcast_in_dim3A_858, %add3A_873, %broadcast_in_dim3A_864] : memref<8x32x128xf32, #tpu.memory_space<vmem>>[vector<16xi32>, vector<16xi32>, vector<16xi32>], vector<16xf32>,
      %add3A_875 = arith.constant 3 : i32
      %add3A_876 = arith.addi %add3A_647, %add3A_875 : i32
      %jit3A_877 = arith.constant 4 : i32
      %div3A_878 = arith.divsi %add3A_876, %jit3A_877 : i32
      %sign3A_879 = arith.constant 0 : i32
      %sign3A_880 = arith.cmpi sgt, %add3A_876, %sign3A_879 : i32
      %sign3A_881 = arith.extui %sign3A_880 : i1 to i32
      %sign3A_882 = arith.constant 0 : i32
      %sign3A_883 = arith.cmpi slt, %add3A_876, %sign3A_882 : i32
      %sign3A_884 = arith.extui %sign3A_883 : i1 to i32
      %sign3A_885 = arith.subi %sign3A_881, %sign3A_884 : i32
      %sign3A_886 = arith.constant 0 : i32
      %sign3A_887 = arith.cmpi sgt, %jit3A_877, %sign3A_886 : i32
      %sign3A_888 = arith.extui %sign3A_887 : i1 to i32
      %sign3A_889 = arith.constant 0 : i32
      %sign3A_890 = arith.cmpi slt, %jit3A_877, %sign3A_889 : i32
      %sign3A_891 = arith.extui %sign3A_890 : i1 to i32
      %sign3A_892 = arith.subi %sign3A_888, %sign3A_891 : i32
      %ne3A_893 = arith.cmpi ne, %sign3A_885, %sign3A_892 : i32
      %rem3A_894 = arith.remsi %add3A_876, %jit3A_877 : i32
      %ne3A_895 = arith.constant 0 : i32
      %ne3A_896 = arith.cmpi ne, %rem3A_894, %ne3A_895 : i32
      %and3A_897 = arith.andi %ne3A_893, %ne3A_896 : i1
      %sub3A_898 = arith.constant 1 : i32
      %sub3A_899 = arith.subi %div3A_878, %sub3A_898 : i32
      %select_n3A_900 = arith.select %and3A_897, %sub3A_899, %div3A_878 : i32
      %broadcast_in_dim3A_901 = vector.broadcast %select_n3A_900 : i32 to vector<16xi32>
      %jit3A_902 = arith.constant 4 : i32
      %eq3A_903 = arith.constant 0 : i32
      %eq3A_904 = arith.cmpi eq, %jit3A_902, %eq3A_903 : i32
      %jit3A_905 = arith.constant 1 : i32
      %select_n3A_906 = arith.select %eq3A_904, %jit3A_905, %jit3A_902 : i32
      %rem3A_907 = arith.remsi %add3A_876, %select_n3A_906 : i32
      %ne3A_908 = arith.constant 0 : i32
      %ne3A_909 = arith.cmpi ne, %rem3A_907, %ne3A_908 : i32
      %lt3A_910 = arith.constant 0 : i32
      %lt3A_911 = arith.cmpi slt, %rem3A_907, %lt3A_910 : i32
      %lt3A_912 = arith.constant 0 : i32
      %lt3A_913 = arith.cmpi slt, %select_n3A_906, %lt3A_912 : i32
      %ne3A_914 = arith.xori %lt3A_911, %lt3A_913 : i1
      %and3A_915 = arith.andi %ne3A_914, %ne3A_909 : i1
      %add3A_916 = arith.addi %rem3A_907, %select_n3A_906 : i32
      %select_n3A_917 = arith.select %and3A_915, %add3A_916, %rem3A_907 : i32
      %mul3A_918 = arith.constant 32 : i32
      %mul3A_919 = arith.muli %select_n3A_917, %mul3A_918 : i32
      %add3A_920 = vector.broadcast %mul3A_919 : i32 to vector<16xi32>
      %add3A_921 = arith.addi %add3A_920, %iota3A : vector<16xi32>
      %mul3A_922 = arith.mulf %gather3A_865, %gather3A_870 : vector<16xf32>
      tpu.vector_store_idx %arg11[%broadcast_in_dim3A_901, %add3A_921], %mul3A_922 : memref<128x128xf32, #tpu.memory_space<vmem>>[vector<16xi32>, vector<16xi32>], vector<16xf32>,
      %add3A_923 = arith.constant 16 : i32
      %add3A_924 = vector.broadcast %add3A_923 : i32 to vector<16xi32>
      %add3A_925 = arith.addi %add3A_921, %add3A_924 : vector<16xi32>
      %mul3A_926 = arith.mulf %gather3A_869, %gather3A_874 : vector<16xf32>
      tpu.vector_store_idx %arg11[%broadcast_in_dim3A_901, %add3A_925], %mul3A_926 : memref<128x128xf32, #tpu.memory_space<vmem>>[vector<16xi32>, vector<16xi32>], vector<16xf32>,
      %slice3A_927 = vector.extract_strided_slice %and3A_258 {offsets = [8], sizes = [1], strides = [1]} : vector<16xi32> to vector<1xi32>
      %squeeze3A_928 = vector.extract %slice3A_927[0] : i32 from vector<1xi32>
      %multiple_of3A_929 = tpu.assume_multiple %squeeze3A_928, 128 : i32
      %dma_start3A_930 = arith.constant 0 : i32
      %dma_start3A_931 = arith.constant 0 : i32
      %dma_start3A_932 = arith.constant 0 : i32
      %dma_start3A_933 = tpu.memref_slice %arg9[%dma_start3A_930, %dma_start3A_931, %dma_start3A_932] : memref<8x32x128xf32, #tpu.memory_space<vmem>> -> memref<1x32x128xf32, #tpu.memory_space<vmem>>
      %dma_start3A_934 = tpu.memref_squeeze %dma_start3A_933 : memref<1x32x128xf32, #tpu.memory_space<vmem>> -> memref<32x128xf32, #tpu.memory_space<vmem>>
      %dma_start3A_935 = arith.constant 0 : i32
      %dma_start3A_936 = tpu.memref_slice %arg4[%dma_start3A_935, %multiple_of3A_929] : memref<32x1000000xf32, #tpu.memory_space<hbm>> -> memref<32x128xf32, #tpu.memory_space<hbm>>
      %dma_start3A_937 = arith.constant 0 : i32
      %dma_start3A_938 = arith.constant 0 : i32
      %dma_start3A_939 = tpu.memref_slice %arg9[%dma_start3A_930, %dma_start3A_937, %dma_start3A_938] : memref<8x32x128xf32, #tpu.memory_space<vmem>> -> memref<1x32x128xf32, #tpu.memory_space<vmem>>
      %dma_start3A_940 = tpu.memref_squeeze %dma_start3A_939 : memref<1x32x128xf32, #tpu.memory_space<vmem>> -> memref<32x128xf32, #tpu.memory_space<vmem>>
      %dma_start3A_941 = arith.constant 0 : i32
      %dma_start3A_942 = tpu.memref_slice %arg4[%dma_start3A_941, %multiple_of3A_929] : memref<32x1000000xf32, #tpu.memory_space<hbm>> -> memref<32x128xf32, #tpu.memory_space<hbm>>
      tpu.enqueue_dma source(%dma_start3A_942 : memref<32x128xf32, #tpu.memory_space<hbm>>) target(%dma_start3A_940 : memref<32x128xf32, #tpu.memory_space<vmem>>) target_semaphore(%arg12 : memref<!tpu.dma_semaphore, #tpu.memory_space<semaphore_mem>>)
      %slice3A_943 = vector.extract_strided_slice %and3A_258 {offsets = [9], sizes = [1], strides = [1]} : vector<16xi32> to vector<1xi32>
      %squeeze3A_944 = vector.extract %slice3A_943[0] : i32 from vector<1xi32>
      %multiple_of3A_945 = tpu.assume_multiple %squeeze3A_944, 128 : i32
      %dma_start3A_946 = arith.constant 1 : i32
      %dma_start3A_947 = arith.constant 0 : i32
      %dma_start3A_948 = arith.constant 0 : i32
      %dma_start3A_949 = tpu.memref_slice %arg9[%dma_start3A_946, %dma_start3A_947, %dma_start3A_948] : memref<8x32x128xf32, #tpu.memory_space<vmem>> -> memref<1x32x128xf32, #tpu.memory_space<vmem>>
      %dma_start3A_950 = tpu.memref_squeeze %dma_start3A_949 : memref<1x32x128xf32, #tpu.memory_space<vmem>> -> memref<32x128xf32, #tpu.memory_space<vmem>>
      %dma_start3A_951 = arith.constant 0 : i32
      %dma_start3A_952 = tpu.memref_slice %arg4[%dma_start3A_951, %multiple_of3A_945] : memref<32x1000000xf32, #tpu.memory_space<hbm>> -> memref<32x128xf32, #tpu.memory_space<hbm>>
      %dma_start3A_953 = arith.constant 0 : i32
      %dma_start3A_954 = arith.constant 0 : i32
      %dma_start3A_955 = tpu.memref_slice %arg9[%dma_start3A_946, %dma_start3A_953, %dma_start3A_954] : memref<8x32x128xf32, #tpu.memory_space<vmem>> -> memref<1x32x128xf32, #tpu.memory_space<vmem>>
      %dma_start3A_956 = tpu.memref_squeeze %dma_start3A_955 : memref<1x32x128xf32, #tpu.memory_space<vmem>> -> memref<32x128xf32, #tpu.memory_space<vmem>>
      %dma_start3A_957 = arith.constant 0 : i32
      %dma_start3A_958 = tpu.memref_slice %arg4[%dma_start3A_957, %multiple_of3A_945] : memref<32x1000000xf32, #tpu.memory_space<hbm>> -> memref<32x128xf32, #tpu.memory_space<hbm>>
      tpu.enqueue_dma source(%dma_start3A_958 : memref<32x128xf32, #tpu.memory_space<hbm>>) target(%dma_start3A_956 : memref<32x128xf32, #tpu.memory_space<vmem>>) target_semaphore(%arg12 : memref<!tpu.dma_semaphore, #tpu.memory_space<semaphore_mem>>)
      %slice3A_959 = vector.extract_strided_slice %and3A_258 {offsets = [10], sizes = [1], strides = [1]} : vector<16xi32> to vector<1xi32>
      %squeeze3A_960 = vector.extract %slice3A_959[0] : i32 from vector<1xi32>
      %multiple_of3A_961 = tpu.assume_multiple %squeeze3A_960, 128 : i32
      %dma_start3A_962 = arith.constant 2 : i32
      %dma_start3A_963 = arith.constant 0 : i32
      %dma_start3A_964 = arith.constant 0 : i32
      %dma_start3A_965 = tpu.memref_slice %arg9[%dma_start3A_962, %dma_start3A_963, %dma_start3A_964] : memref<8x32x128xf32, #tpu.memory_space<vmem>> -> memref<1x32x128xf32, #tpu.memory_space<vmem>>
      %dma_start3A_966 = tpu.memref_squeeze %dma_start3A_965 : memref<1x32x128xf32, #tpu.memory_space<vmem>> -> memref<32x128xf32, #tpu.memory_space<vmem>>
      %dma_start3A_967 = arith.constant 0 : i32
      %dma_start3A_968 = tpu.memref_slice %arg4[%dma_start3A_967, %multiple_of3A_961] : memref<32x1000000xf32, #tpu.memory_space<hbm>> -> memref<32x128xf32, #tpu.memory_space<hbm>>
      %dma_start3A_969 = arith.constant 0 : i32
      %dma_start3A_970 = arith.constant 0 : i32
      %dma_start3A_971 = tpu.memref_slice %arg9[%dma_start3A_962, %dma_start3A_969, %dma_start3A_970] : memref<8x32x128xf32, #tpu.memory_space<vmem>> -> memref<1x32x128xf32, #tpu.memory_space<vmem>>
      %dma_start3A_972 = tpu.memref_squeeze %dma_start3A_971 : memref<1x32x128xf32, #tpu.memory_space<vmem>> -> memref<32x128xf32, #tpu.memory_space<vmem>>
      %dma_start3A_973 = arith.constant 0 : i32
      %dma_start3A_974 = tpu.memref_slice %arg4[%dma_start3A_973, %multiple_of3A_961] : memref<32x1000000xf32, #tpu.memory_space<hbm>> -> memref<32x128xf32, #tpu.memory_space<hbm>>
      tpu.enqueue_dma source(%dma_start3A_974 : memref<32x128xf32, #tpu.memory_space<hbm>>) target(%dma_start3A_972 : memref<32x128xf32, #tpu.memory_space<vmem>>) target_semaphore(%arg12 : memref<!tpu.dma_semaphore, #tpu.memory_space<semaphore_mem>>)
      %slice3A_975 = vector.extract_strided_slice %and3A_258 {offsets = [11], sizes = [1], strides = [1]} : vector<16xi32> to vector<1xi32>
      %squeeze3A_976 = vector.extract %slice3A_975[0] : i32 from vector<1xi32>
      %multiple_of3A_977 = tpu.assume_multiple %squeeze3A_976, 128 : i32
      %dma_start3A_978 = arith.constant 3 : i32
      %dma_start3A_979 = arith.constant 0 : i32
      %dma_start3A_980 = arith.constant 0 : i32
      %dma_start3A_981 = tpu.memref_slice %arg9[%dma_start3A_978, %dma_start3A_979, %dma_start3A_980] : memref<8x32x128xf32, #tpu.memory_space<vmem>> -> memref<1x32x128xf32, #tpu.memory_space<vmem>>
      %dma_start3A_982 = tpu.memref_squeeze %dma_start3A_981 : memref<1x32x128xf32, #tpu.memory_space<vmem>> -> memref<32x128xf32, #tpu.memory_space<vmem>>
      %dma_start3A_983 = arith.constant 0 : i32
      %dma_start3A_984 = tpu.memref_slice %arg4[%dma_start3A_983, %multiple_of3A_977] : memref<32x1000000xf32, #tpu.memory_space<hbm>> -> memref<32x128xf32, #tpu.memory_space<hbm>>
      %dma_start3A_985 = arith.constant 0 : i32
      %dma_start3A_986 = arith.constant 0 : i32
      %dma_start3A_987 = tpu.memref_slice %arg9[%dma_start3A_978, %dma_start3A_985, %dma_start3A_986] : memref<8x32x128xf32, #tpu.memory_space<vmem>> -> memref<1x32x128xf32, #tpu.memory_space<vmem>>
      %dma_start3A_988 = tpu.memref_squeeze %dma_start3A_987 : memref<1x32x128xf32, #tpu.memory_space<vmem>> -> memref<32x128xf32, #tpu.memory_space<vmem>>
      %dma_start3A_989 = arith.constant 0 : i32
      %dma_start3A_990 = tpu.memref_slice %arg4[%dma_start3A_989, %multiple_of3A_977] : memref<32x1000000xf32, #tpu.memory_space<hbm>> -> memref<32x128xf32, #tpu.memory_space<hbm>>
      tpu.enqueue_dma source(%dma_start3A_990 : memref<32x128xf32, #tpu.memory_space<hbm>>) target(%dma_start3A_988 : memref<32x128xf32, #tpu.memory_space<vmem>>) target_semaphore(%arg12 : memref<!tpu.dma_semaphore, #tpu.memory_space<semaphore_mem>>)
      %slice3A_991 = vector.extract_strided_slice %and3A_264 {offsets = [8], sizes = [1], strides = [1]} : vector<16xi32> to vector<1xi32>
      %squeeze3A_992 = vector.extract %slice3A_991[0] : i32 from vector<1xi32>
      %multiple_of3A_993 = tpu.assume_multiple %squeeze3A_992, 128 : i32
      %dma_start3A_994 = arith.constant 4 : i32
      %dma_start3A_995 = arith.constant 0 : i32
      %dma_start3A_996 = arith.constant 0 : i32
      %dma_start3A_997 = tpu.memref_slice %arg9[%dma_start3A_994, %dma_start3A_995, %dma_start3A_996] : memref<8x32x128xf32, #tpu.memory_space<vmem>> -> memref<1x32x128xf32, #tpu.memory_space<vmem>>
      %dma_start3A_998 = tpu.memref_squeeze %dma_start3A_997 : memref<1x32x128xf32, #tpu.memory_space<vmem>> -> memref<32x128xf32, #tpu.memory_space<vmem>>
      %dma_start3A_999 = arith.constant 0 : i32
      %dma_start3A_1000 = tpu.memref_slice %arg5[%dma_start3A_999, %multiple_of3A_993] : memref<32x1000000xf32, #tpu.memory_space<hbm>> -> memref<32x128xf32, #tpu.memory_space<hbm>>
      %dma_start3A_1001 = arith.constant 0 : i32
      %dma_start3A_1002 = arith.constant 0 : i32
      %dma_start3A_1003 = tpu.memref_slice %arg9[%dma_start3A_994, %dma_start3A_1001, %dma_start3A_1002] : memref<8x32x128xf32, #tpu.memory_space<vmem>> -> memref<1x32x128xf32, #tpu.memory_space<vmem>>
      %dma_start3A_1004 = tpu.memref_squeeze %dma_start3A_1003 : memref<1x32x128xf32, #tpu.memory_space<vmem>> -> memref<32x128xf32, #tpu.memory_space<vmem>>
      %dma_start3A_1005 = arith.constant 0 : i32
      %dma_start3A_1006 = tpu.memref_slice %arg5[%dma_start3A_1005, %multiple_of3A_993] : memref<32x1000000xf32, #tpu.memory_space<hbm>> -> memref<32x128xf32, #tpu.memory_space<hbm>>
      tpu.enqueue_dma source(%dma_start3A_1006 : memref<32x128xf32, #tpu.memory_space<hbm>>) target(%dma_start3A_1004 : memref<32x128xf32, #tpu.memory_space<vmem>>) target_semaphore(%arg12 : memref<!tpu.dma_semaphore, #tpu.memory_space<semaphore_mem>>)
      %slice3A_1007 = vector.extract_strided_slice %and3A_264 {offsets = [9], sizes = [1], strides = [1]} : vector<16xi32> to vector<1xi32>
      %squeeze3A_1008 = vector.extract %slice3A_1007[0] : i32 from vector<1xi32>
      %multiple_of3A_1009 = tpu.assume_multiple %squeeze3A_1008, 128 : i32
      %dma_start3A_1010 = arith.constant 5 : i32
      %dma_start3A_1011 = arith.constant 0 : i32
      %dma_start3A_1012 = arith.constant 0 : i32
      %dma_start3A_1013 = tpu.memref_slice %arg9[%dma_start3A_1010, %dma_start3A_1011, %dma_start3A_1012] : memref<8x32x128xf32, #tpu.memory_space<vmem>> -> memref<1x32x128xf32, #tpu.memory_space<vmem>>
      %dma_start3A_1014 = tpu.memref_squeeze %dma_start3A_1013 : memref<1x32x128xf32, #tpu.memory_space<vmem>> -> memref<32x128xf32, #tpu.memory_space<vmem>>
      %dma_start3A_1015 = arith.constant 0 : i32
      %dma_start3A_1016 = tpu.memref_slice %arg5[%dma_start3A_1015, %multiple_of3A_1009] : memref<32x1000000xf32, #tpu.memory_space<hbm>> -> memref<32x128xf32, #tpu.memory_space<hbm>>
      %dma_start3A_1017 = arith.constant 0 : i32
      %dma_start3A_1018 = arith.constant 0 : i32
      %dma_start3A_1019 = tpu.memref_slice %arg9[%dma_start3A_1010, %dma_start3A_1017, %dma_start3A_1018] : memref<8x32x128xf32, #tpu.memory_space<vmem>> -> memref<1x32x128xf32, #tpu.memory_space<vmem>>
      %dma_start3A_1020 = tpu.memref_squeeze %dma_start3A_1019 : memref<1x32x128xf32, #tpu.memory_space<vmem>> -> memref<32x128xf32, #tpu.memory_space<vmem>>
      %dma_start3A_1021 = arith.constant 0 : i32
      %dma_start3A_1022 = tpu.memref_slice %arg5[%dma_start3A_1021, %multiple_of3A_1009] : memref<32x1000000xf32, #tpu.memory_space<hbm>> -> memref<32x128xf32, #tpu.memory_space<hbm>>
      tpu.enqueue_dma source(%dma_start3A_1022 : memref<32x128xf32, #tpu.memory_space<hbm>>) target(%dma_start3A_1020 : memref<32x128xf32, #tpu.memory_space<vmem>>) target_semaphore(%arg12 : memref<!tpu.dma_semaphore, #tpu.memory_space<semaphore_mem>>)
      %slice3A_1023 = vector.extract_strided_slice %and3A_264 {offsets = [10], sizes = [1], strides = [1]} : vector<16xi32> to vector<1xi32>
      %squeeze3A_1024 = vector.extract %slice3A_1023[0] : i32 from vector<1xi32>
      %multiple_of3A_1025 = tpu.assume_multiple %squeeze3A_1024, 128 : i32
      %dma_start3A_1026 = arith.constant 6 : i32
      %dma_start3A_1027 = arith.constant 0 : i32
      %dma_start3A_1028 = arith.constant 0 : i32
      %dma_start3A_1029 = tpu.memref_slice %arg9[%dma_start3A_1026, %dma_start3A_1027, %dma_start3A_1028] : memref<8x32x128xf32, #tpu.memory_space<vmem>> -> memref<1x32x128xf32, #tpu.memory_space<vmem>>
      %dma_start3A_1030 = tpu.memref_squeeze %dma_start3A_1029 : memref<1x32x128xf32, #tpu.memory_space<vmem>> -> memref<32x128xf32, #tpu.memory_space<vmem>>
      %dma_start3A_1031 = arith.constant 0 : i32
      %dma_start3A_1032 = tpu.memref_slice %arg5[%dma_start3A_1031, %multiple_of3A_1025] : memref<32x1000000xf32, #tpu.memory_space<hbm>> -> memref<32x128xf32, #tpu.memory_space<hbm>>
      %dma_start3A_1033 = arith.constant 0 : i32
      %dma_start3A_1034 = arith.constant 0 : i32
      %dma_start3A_1035 = tpu.memref_slice %arg9[%dma_start3A_1026, %dma_start3A_1033, %dma_start3A_1034] : memref<8x32x128xf32, #tpu.memory_space<vmem>> -> memref<1x32x128xf32, #tpu.memory_space<vmem>>
      %dma_start3A_1036 = tpu.memref_squeeze %dma_start3A_1035 : memref<1x32x128xf32, #tpu.memory_space<vmem>> -> memref<32x128xf32, #tpu.memory_space<vmem>>
      %dma_start3A_1037 = arith.constant 0 : i32
      %dma_start3A_1038 = tpu.memref_slice %arg5[%dma_start3A_1037, %multiple_of3A_1025] : memref<32x1000000xf32, #tpu.memory_space<hbm>> -> memref<32x128xf32, #tpu.memory_space<hbm>>
      tpu.enqueue_dma source(%dma_start3A_1038 : memref<32x128xf32, #tpu.memory_space<hbm>>) target(%dma_start3A_1036 : memref<32x128xf32, #tpu.memory_space<vmem>>) target_semaphore(%arg12 : memref<!tpu.dma_semaphore, #tpu.memory_space<semaphore_mem>>)
      %slice3A_1039 = vector.extract_strided_slice %and3A_264 {offsets = [11], sizes = [1], strides = [1]} : vector<16xi32> to vector<1xi32>
      %squeeze3A_1040 = vector.extract %slice3A_1039[0] : i32 from vector<1xi32>
      %multiple_of3A_1041 = tpu.assume_multiple %squeeze3A_1040, 128 : i32
      %dma_start3A_1042 = arith.constant 7 : i32
      %dma_start3A_1043 = arith.constant 0 : i32
      %dma_start3A_1044 = arith.constant 0 : i32
      %dma_start3A_1045 = tpu.memref_slice %arg9[%dma_start3A_1042, %dma_start3A_1043, %dma_start3A_1044] : memref<8x32x128xf32, #tpu.memory_space<vmem>> -> memref<1x32x128xf32, #tpu.memory_space<vmem>>
      %dma_start3A_1046 = tpu.memref_squeeze %dma_start3A_1045 : memref<1x32x128xf32, #tpu.memory_space<vmem>> -> memref<32x128xf32, #tpu.memory_space<vmem>>
      %dma_start3A_1047 = arith.constant 0 : i32
      %dma_start3A_1048 = tpu.memref_slice %arg5[%dma_start3A_1047, %multiple_of3A_1041] : memref<32x1000000xf32, #tpu.memory_space<hbm>> -> memref<32x128xf32, #tpu.memory_space<hbm>>
      %dma_start3A_1049 = arith.constant 0 : i32
      %dma_start3A_1050 = arith.constant 0 : i32
      %dma_start3A_1051 = tpu.memref_slice %arg9[%dma_start3A_1042, %dma_start3A_1049, %dma_start3A_1050] : memref<8x32x128xf32, #tpu.memory_space<vmem>> -> memref<1x32x128xf32, #tpu.memory_space<vmem>>
      %dma_start3A_1052 = tpu.memref_squeeze %dma_start3A_1051 : memref<1x32x128xf32, #tpu.memory_space<vmem>> -> memref<32x128xf32, #tpu.memory_space<vmem>>
      %dma_start3A_1053 = arith.constant 0 : i32
      %dma_start3A_1054 = tpu.memref_slice %arg5[%dma_start3A_1053, %multiple_of3A_1041] : memref<32x1000000xf32, #tpu.memory_space<hbm>> -> memref<32x128xf32, #tpu.memory_space<hbm>>
      tpu.enqueue_dma source(%dma_start3A_1054 : memref<32x128xf32, #tpu.memory_space<hbm>>) target(%dma_start3A_1052 : memref<32x128xf32, #tpu.memory_space<vmem>>) target_semaphore(%arg12 : memref<!tpu.dma_semaphore, #tpu.memory_space<semaphore_mem>>)
      %dma_wait3A_1055 = arith.constant 0 : i32
      %dma_wait3A_1056 = arith.constant 0 : i32
      %dma_wait3A_1057 = arith.constant 0 : i32
      %dma_wait3A_1058 = tpu.memref_slice %arg10[%dma_wait3A_1055, %dma_wait3A_1056, %dma_wait3A_1057] : memref<8x32x128xf32, #tpu.memory_space<vmem>> -> memref<1x32x128xf32, #tpu.memory_space<vmem>>
      %dma_wait3A_1059 = tpu.memref_squeeze %dma_wait3A_1058 : memref<1x32x128xf32, #tpu.memory_space<vmem>> -> memref<32x128xf32, #tpu.memory_space<vmem>>
      %dma_wait3A_1060 = arith.constant 0 : i32
      %dma_wait3A_1061 = arith.constant 0 : i32
      %dma_wait3A_1062 = tpu.memref_slice %arg4[%dma_wait3A_1060, %dma_wait3A_1061] : memref<32x1000000xf32, #tpu.memory_space<hbm>> -> memref<32x128xf32, #tpu.memory_space<hbm>>
      %dma_wait3A_1063 = arith.constant 0 : i32
      %dma_wait3A_1064 = arith.constant 0 : i32
      %dma_wait3A_1065 = tpu.memref_slice %arg10[%dma_wait3A_1055, %dma_wait3A_1063, %dma_wait3A_1064] : memref<8x32x128xf32, #tpu.memory_space<vmem>> -> memref<1x32x128xf32, #tpu.memory_space<vmem>>
      %dma_wait3A_1066 = tpu.memref_squeeze %dma_wait3A_1065 : memref<1x32x128xf32, #tpu.memory_space<vmem>> -> memref<32x128xf32, #tpu.memory_space<vmem>>
      %dma_wait3A_1067 = arith.constant 0 : i32
      %dma_wait3A_1068 = arith.constant 0 : i32
      %dma_wait3A_1069 = tpu.memref_slice %arg4[%dma_wait3A_1067, %dma_wait3A_1068] : memref<32x1000000xf32, #tpu.memory_space<hbm>> -> memref<32x128xf32, #tpu.memory_space<hbm>>
      tpu.wait_dma2 semaphore(%arg13 : memref<!tpu.dma_semaphore, #tpu.memory_space<semaphore_mem>>) src(%dma_wait3A_1069 : memref<32x128xf32, #tpu.memory_space<hbm>>) dst(%dma_wait3A_1066 : memref<32x128xf32, #tpu.memory_space<vmem>>)
      %dma_wait3A_1070 = arith.constant 1 : i32
      %dma_wait3A_1071 = arith.constant 0 : i32
      %dma_wait3A_1072 = arith.constant 0 : i32
      %dma_wait3A_1073 = tpu.memref_slice %arg10[%dma_wait3A_1070, %dma_wait3A_1071, %dma_wait3A_1072] : memref<8x32x128xf32, #tpu.memory_space<vmem>> -> memref<1x32x128xf32, #tpu.memory_space<vmem>>
      %dma_wait3A_1074 = tpu.memref_squeeze %dma_wait3A_1073 : memref<1x32x128xf32, #tpu.memory_space<vmem>> -> memref<32x128xf32, #tpu.memory_space<vmem>>
      %dma_wait3A_1075 = arith.constant 0 : i32
      %dma_wait3A_1076 = arith.constant 0 : i32
      %dma_wait3A_1077 = tpu.memref_slice %arg4[%dma_wait3A_1075, %dma_wait3A_1076] : memref<32x1000000xf32, #tpu.memory_space<hbm>> -> memref<32x128xf32, #tpu.memory_space<hbm>>
      %dma_wait3A_1078 = arith.constant 0 : i32
      %dma_wait3A_1079 = arith.constant 0 : i32
      %dma_wait3A_1080 = tpu.memref_slice %arg10[%dma_wait3A_1070, %dma_wait3A_1078, %dma_wait3A_1079] : memref<8x32x128xf32, #tpu.memory_space<vmem>> -> memref<1x32x128xf32, #tpu.memory_space<vmem>>
      %dma_wait3A_1081 = tpu.memref_squeeze %dma_wait3A_1080 : memref<1x32x128xf32, #tpu.memory_space<vmem>> -> memref<32x128xf32, #tpu.memory_space<vmem>>
      %dma_wait3A_1082 = arith.constant 0 : i32
      %dma_wait3A_1083 = arith.constant 0 : i32
      %dma_wait3A_1084 = tpu.memref_slice %arg4[%dma_wait3A_1082, %dma_wait3A_1083] : memref<32x1000000xf32, #tpu.memory_space<hbm>> -> memref<32x128xf32, #tpu.memory_space<hbm>>
      tpu.wait_dma2 semaphore(%arg13 : memref<!tpu.dma_semaphore, #tpu.memory_space<semaphore_mem>>) src(%dma_wait3A_1084 : memref<32x128xf32, #tpu.memory_space<hbm>>) dst(%dma_wait3A_1081 : memref<32x128xf32, #tpu.memory_space<vmem>>)
      %dma_wait3A_1085 = arith.constant 2 : i32
      %dma_wait3A_1086 = arith.constant 0 : i32
      %dma_wait3A_1087 = arith.constant 0 : i32
      %dma_wait3A_1088 = tpu.memref_slice %arg10[%dma_wait3A_1085, %dma_wait3A_1086, %dma_wait3A_1087] : memref<8x32x128xf32, #tpu.memory_space<vmem>> -> memref<1x32x128xf32, #tpu.memory_space<vmem>>
      %dma_wait3A_1089 = tpu.memref_squeeze %dma_wait3A_1088 : memref<1x32x128xf32, #tpu.memory_space<vmem>> -> memref<32x128xf32, #tpu.memory_space<vmem>>
      %dma_wait3A_1090 = arith.constant 0 : i32
      %dma_wait3A_1091 = arith.constant 0 : i32
      %dma_wait3A_1092 = tpu.memref_slice %arg4[%dma_wait3A_1090, %dma_wait3A_1091] : memref<32x1000000xf32, #tpu.memory_space<hbm>> -> memref<32x128xf32, #tpu.memory_space<hbm>>
      %dma_wait3A_1093 = arith.constant 0 : i32
      %dma_wait3A_1094 = arith.constant 0 : i32
      %dma_wait3A_1095 = tpu.memref_slice %arg10[%dma_wait3A_1085, %dma_wait3A_1093, %dma_wait3A_1094] : memref<8x32x128xf32, #tpu.memory_space<vmem>> -> memref<1x32x128xf32, #tpu.memory_space<vmem>>
      %dma_wait3A_1096 = tpu.memref_squeeze %dma_wait3A_1095 : memref<1x32x128xf32, #tpu.memory_space<vmem>> -> memref<32x128xf32, #tpu.memory_space<vmem>>
      %dma_wait3A_1097 = arith.constant 0 : i32
      %dma_wait3A_1098 = arith.constant 0 : i32
      %dma_wait3A_1099 = tpu.memref_slice %arg4[%dma_wait3A_1097, %dma_wait3A_1098] : memref<32x1000000xf32, #tpu.memory_space<hbm>> -> memref<32x128xf32, #tpu.memory_space<hbm>>
      tpu.wait_dma2 semaphore(%arg13 : memref<!tpu.dma_semaphore, #tpu.memory_space<semaphore_mem>>) src(%dma_wait3A_1099 : memref<32x128xf32, #tpu.memory_space<hbm>>) dst(%dma_wait3A_1096 : memref<32x128xf32, #tpu.memory_space<vmem>>)
      %dma_wait3A_1100 = arith.constant 3 : i32
      %dma_wait3A_1101 = arith.constant 0 : i32
      %dma_wait3A_1102 = arith.constant 0 : i32
      %dma_wait3A_1103 = tpu.memref_slice %arg10[%dma_wait3A_1100, %dma_wait3A_1101, %dma_wait3A_1102] : memref<8x32x128xf32, #tpu.memory_space<vmem>> -> memref<1x32x128xf32, #tpu.memory_space<vmem>>
      %dma_wait3A_1104 = tpu.memref_squeeze %dma_wait3A_1103 : memref<1x32x128xf32, #tpu.memory_space<vmem>> -> memref<32x128xf32, #tpu.memory_space<vmem>>
      %dma_wait3A_1105 = arith.constant 0 : i32
      %dma_wait3A_1106 = arith.constant 0 : i32
      %dma_wait3A_1107 = tpu.memref_slice %arg4[%dma_wait3A_1105, %dma_wait3A_1106] : memref<32x1000000xf32, #tpu.memory_space<hbm>> -> memref<32x128xf32, #tpu.memory_space<hbm>>
      %dma_wait3A_1108 = arith.constant 0 : i32
      %dma_wait3A_1109 = arith.constant 0 : i32
      %dma_wait3A_1110 = tpu.memref_slice %arg10[%dma_wait3A_1100, %dma_wait3A_1108, %dma_wait3A_1109] : memref<8x32x128xf32, #tpu.memory_space<vmem>> -> memref<1x32x128xf32, #tpu.memory_space<vmem>>
      %dma_wait3A_1111 = tpu.memref_squeeze %dma_wait3A_1110 : memref<1x32x128xf32, #tpu.memory_space<vmem>> -> memref<32x128xf32, #tpu.memory_space<vmem>>
      %dma_wait3A_1112 = arith.constant 0 : i32
      %dma_wait3A_1113 = arith.constant 0 : i32
      %dma_wait3A_1114 = tpu.memref_slice %arg4[%dma_wait3A_1112, %dma_wait3A_1113] : memref<32x1000000xf32, #tpu.memory_space<hbm>> -> memref<32x128xf32, #tpu.memory_space<hbm>>
      tpu.wait_dma2 semaphore(%arg13 : memref<!tpu.dma_semaphore, #tpu.memory_space<semaphore_mem>>) src(%dma_wait3A_1114 : memref<32x128xf32, #tpu.memory_space<hbm>>) dst(%dma_wait3A_1111 : memref<32x128xf32, #tpu.memory_space<vmem>>)
      %dma_wait3A_1115 = arith.constant 4 : i32
      %dma_wait3A_1116 = arith.constant 0 : i32
      %dma_wait3A_1117 = arith.constant 0 : i32
      %dma_wait3A_1118 = tpu.memref_slice %arg10[%dma_wait3A_1115, %dma_wait3A_1116, %dma_wait3A_1117] : memref<8x32x128xf32, #tpu.memory_space<vmem>> -> memref<1x32x128xf32, #tpu.memory_space<vmem>>
      %dma_wait3A_1119 = tpu.memref_squeeze %dma_wait3A_1118 : memref<1x32x128xf32, #tpu.memory_space<vmem>> -> memref<32x128xf32, #tpu.memory_space<vmem>>
      %dma_wait3A_1120 = arith.constant 0 : i32
      %dma_wait3A_1121 = arith.constant 0 : i32
      %dma_wait3A_1122 = tpu.memref_slice %arg4[%dma_wait3A_1120, %dma_wait3A_1121] : memref<32x1000000xf32, #tpu.memory_space<hbm>> -> memref<32x128xf32, #tpu.memory_space<hbm>>
      %dma_wait3A_1123 = arith.constant 0 : i32
      %dma_wait3A_1124 = arith.constant 0 : i32
      %dma_wait3A_1125 = tpu.memref_slice %arg10[%dma_wait3A_1115, %dma_wait3A_1123, %dma_wait3A_1124] : memref<8x32x128xf32, #tpu.memory_space<vmem>> -> memref<1x32x128xf32, #tpu.memory_space<vmem>>
      %dma_wait3A_1126 = tpu.memref_squeeze %dma_wait3A_1125 : memref<1x32x128xf32, #tpu.memory_space<vmem>> -> memref<32x128xf32, #tpu.memory_space<vmem>>
      %dma_wait3A_1127 = arith.constant 0 : i32
      %dma_wait3A_1128 = arith.constant 0 : i32
      %dma_wait3A_1129 = tpu.memref_slice %arg4[%dma_wait3A_1127, %dma_wait3A_1128] : memref<32x1000000xf32, #tpu.memory_space<hbm>> -> memref<32x128xf32, #tpu.memory_space<hbm>>
      tpu.wait_dma2 semaphore(%arg13 : memref<!tpu.dma_semaphore, #tpu.memory_space<semaphore_mem>>) src(%dma_wait3A_1129 : memref<32x128xf32, #tpu.memory_space<hbm>>) dst(%dma_wait3A_1126 : memref<32x128xf32, #tpu.memory_space<vmem>>)
      %dma_wait3A_1130 = arith.constant 5 : i32
      %dma_wait3A_1131 = arith.constant 0 : i32
      %dma_wait3A_1132 = arith.constant 0 : i32
      %dma_wait3A_1133 = tpu.memref_slice %arg10[%dma_wait3A_1130, %dma_wait3A_1131, %dma_wait3A_1132] : memref<8x32x128xf32, #tpu.memory_space<vmem>> -> memref<1x32x128xf32, #tpu.memory_space<vmem>>
      %dma_wait3A_1134 = tpu.memref_squeeze %dma_wait3A_1133 : memref<1x32x128xf32, #tpu.memory_space<vmem>> -> memref<32x128xf32, #tpu.memory_space<vmem>>
      %dma_wait3A_1135 = arith.constant 0 : i32
      %dma_wait3A_1136 = arith.constant 0 : i32
      %dma_wait3A_1137 = tpu.memref_slice %arg4[%dma_wait3A_1135, %dma_wait3A_1136] : memref<32x1000000xf32, #tpu.memory_space<hbm>> -> memref<32x128xf32, #tpu.memory_space<hbm>>
      %dma_wait3A_1138 = arith.constant 0 : i32
      %dma_wait3A_1139 = arith.constant 0 : i32
      %dma_wait3A_1140 = tpu.memref_slice %arg10[%dma_wait3A_1130, %dma_wait3A_1138, %dma_wait3A_1139] : memref<8x32x128xf32, #tpu.memory_space<vmem>> -> memref<1x32x128xf32, #tpu.memory_space<vmem>>
      %dma_wait3A_1141 = tpu.memref_squeeze %dma_wait3A_1140 : memref<1x32x128xf32, #tpu.memory_space<vmem>> -> memref<32x128xf32, #tpu.memory_space<vmem>>
      %dma_wait3A_1142 = arith.constant 0 : i32
      %dma_wait3A_1143 = arith.constant 0 : i32
      %dma_wait3A_1144 = tpu.memref_slice %arg4[%dma_wait3A_1142, %dma_wait3A_1143] : memref<32x1000000xf32, #tpu.memory_space<hbm>> -> memref<32x128xf32, #tpu.memory_space<hbm>>
      tpu.wait_dma2 semaphore(%arg13 : memref<!tpu.dma_semaphore, #tpu.memory_space<semaphore_mem>>) src(%dma_wait3A_1144 : memref<32x128xf32, #tpu.memory_space<hbm>>) dst(%dma_wait3A_1141 : memref<32x128xf32, #tpu.memory_space<vmem>>)
      %dma_wait3A_1145 = arith.constant 6 : i32
      %dma_wait3A_1146 = arith.constant 0 : i32
      %dma_wait3A_1147 = arith.constant 0 : i32
      %dma_wait3A_1148 = tpu.memref_slice %arg10[%dma_wait3A_1145, %dma_wait3A_1146, %dma_wait3A_1147] : memref<8x32x128xf32, #tpu.memory_space<vmem>> -> memref<1x32x128xf32, #tpu.memory_space<vmem>>
      %dma_wait3A_1149 = tpu.memref_squeeze %dma_wait3A_1148 : memref<1x32x128xf32, #tpu.memory_space<vmem>> -> memref<32x128xf32, #tpu.memory_space<vmem>>
      %dma_wait3A_1150 = arith.constant 0 : i32
      %dma_wait3A_1151 = arith.constant 0 : i32
      %dma_wait3A_1152 = tpu.memref_slice %arg4[%dma_wait3A_1150, %dma_wait3A_1151] : memref<32x1000000xf32, #tpu.memory_space<hbm>> -> memref<32x128xf32, #tpu.memory_space<hbm>>
      %dma_wait3A_1153 = arith.constant 0 : i32
      %dma_wait3A_1154 = arith.constant 0 : i32
      %dma_wait3A_1155 = tpu.memref_slice %arg10[%dma_wait3A_1145, %dma_wait3A_1153, %dma_wait3A_1154] : memref<8x32x128xf32, #tpu.memory_space<vmem>> -> memref<1x32x128xf32, #tpu.memory_space<vmem>>
      %dma_wait3A_1156 = tpu.memref_squeeze %dma_wait3A_1155 : memref<1x32x128xf32, #tpu.memory_space<vmem>> -> memref<32x128xf32, #tpu.memory_space<vmem>>
      %dma_wait3A_1157 = arith.constant 0 : i32
      %dma_wait3A_1158 = arith.constant 0 : i32
      %dma_wait3A_1159 = tpu.memref_slice %arg4[%dma_wait3A_1157, %dma_wait3A_1158] : memref<32x1000000xf32, #tpu.memory_space<hbm>> -> memref<32x128xf32, #tpu.memory_space<hbm>>
      tpu.wait_dma2 semaphore(%arg13 : memref<!tpu.dma_semaphore, #tpu.memory_space<semaphore_mem>>) src(%dma_wait3A_1159 : memref<32x128xf32, #tpu.memory_space<hbm>>) dst(%dma_wait3A_1156 : memref<32x128xf32, #tpu.memory_space<vmem>>)
      %dma_wait3A_1160 = arith.constant 7 : i32
      %dma_wait3A_1161 = arith.constant 0 : i32
      %dma_wait3A_1162 = arith.constant 0 : i32
      %dma_wait3A_1163 = tpu.memref_slice %arg10[%dma_wait3A_1160, %dma_wait3A_1161, %dma_wait3A_1162] : memref<8x32x128xf32, #tpu.memory_space<vmem>> -> memref<1x32x128xf32, #tpu.memory_space<vmem>>
      %dma_wait3A_1164 = tpu.memref_squeeze %dma_wait3A_1163 : memref<1x32x128xf32, #tpu.memory_space<vmem>> -> memref<32x128xf32, #tpu.memory_space<vmem>>
      %dma_wait3A_1165 = arith.constant 0 : i32
      %dma_wait3A_1166 = arith.constant 0 : i32
      %dma_wait3A_1167 = tpu.memref_slice %arg4[%dma_wait3A_1165, %dma_wait3A_1166] : memref<32x1000000xf32, #tpu.memory_space<hbm>> -> memref<32x128xf32, #tpu.memory_space<hbm>>
      %dma_wait3A_1168 = arith.constant 0 : i32
      %dma_wait3A_1169 = arith.constant 0 : i32
      %dma_wait3A_1170 = tpu.memref_slice %arg10[%dma_wait3A_1160, %dma_wait3A_1168, %dma_wait3A_1169] : memref<8x32x128xf32, #tpu.memory_space<vmem>> -> memref<1x32x128xf32, #tpu.memory_space<vmem>>
      %dma_wait3A_1171 = tpu.memref_squeeze %dma_wait3A_1170 : memref<1x32x128xf32, #tpu.memory_space<vmem>> -> memref<32x128xf32, #tpu.memory_space<vmem>>
      %dma_wait3A_1172 = arith.constant 0 : i32
      %dma_wait3A_1173 = arith.constant 0 : i32
      %dma_wait3A_1174 = tpu.memref_slice %arg4[%dma_wait3A_1172, %dma_wait3A_1173] : memref<32x1000000xf32, #tpu.memory_space<hbm>> -> memref<32x128xf32, #tpu.memory_space<hbm>>
      tpu.wait_dma2 semaphore(%arg13 : memref<!tpu.dma_semaphore, #tpu.memory_space<semaphore_mem>>) src(%dma_wait3A_1174 : memref<32x128xf32, #tpu.memory_space<hbm>>) dst(%dma_wait3A_1171 : memref<32x128xf32, #tpu.memory_space<vmem>>)
      %mul3A_1175 = arith.constant 16 : i32
      %mul3A_1176 = arith.muli %scan3A_247, %mul3A_1175 : i32
      %add3A_1177 = arith.constant 4 : i32
      %add3A_1178 = arith.addi %mul3A_1176, %add3A_1177 : i32
      %broadcast_in_dim3A_1179 = arith.constant 0 : i32
      %broadcast_in_dim3A_1180 = vector.broadcast %broadcast_in_dim3A_1179 : i32 to vector<16xi32>
      %broadcast_in_dim3A_1181 = arith.constant 4 : i32
      %broadcast_in_dim3A_1182 = vector.broadcast %broadcast_in_dim3A_1181 : i32 to vector<16xi32>
      %slice3A_1183 = vector.extract_strided_slice %and3A_261 {offsets = [4], sizes = [1], strides = [1]} : vector<16xi32> to vector<1xi32>
      %squeeze3A_1184 = vector.extract %slice3A_1183[0] : i32 from vector<1xi32>
      %broadcast_in_dim3A_1185 = vector.broadcast %squeeze3A_1184 : i32 to vector<16xi32>
      %slice3A_1186 = vector.extract_strided_slice %and3A_267 {offsets = [4], sizes = [1], strides = [1]} : vector<16xi32> to vector<1xi32>
      %squeeze3A_1187 = vector.extract %slice3A_1186[0] : i32 from vector<1xi32>
      %broadcast_in_dim3A_1188 = vector.broadcast %squeeze3A_1187 : i32 to vector<16xi32>
      %gather3A_1189 = tpu.vector_load_idx %arg10[%broadcast_in_dim3A_1180, %iota3A, %broadcast_in_dim3A_1185] : memref<8x32x128xf32, #tpu.memory_space<vmem>>[vector<16xi32>, vector<16xi32>, vector<16xi32>], vector<16xf32>,
      %add3A_1190 = arith.constant 16 : i32
      %add3A_1191 = vector.broadcast %add3A_1190 : i32 to vector<16xi32>
      %add3A_1192 = arith.addi %iota3A, %add3A_1191 : vector<16xi32>
      %gather3A_1193 = tpu.vector_load_idx %arg10[%broadcast_in_dim3A_1180, %add3A_1192, %broadcast_in_dim3A_1185] : memref<8x32x128xf32, #tpu.memory_space<vmem>>[vector<16xi32>, vector<16xi32>, vector<16xi32>], vector<16xf32>,
      %gather3A_1194 = tpu.vector_load_idx %arg10[%broadcast_in_dim3A_1182, %iota3A, %broadcast_in_dim3A_1188] : memref<8x32x128xf32, #tpu.memory_space<vmem>>[vector<16xi32>, vector<16xi32>, vector<16xi32>], vector<16xf32>,
      %add3A_1195 = arith.constant 16 : i32
      %add3A_1196 = vector.broadcast %add3A_1195 : i32 to vector<16xi32>
      %add3A_1197 = arith.addi %iota3A, %add3A_1196 : vector<16xi32>
      %gather3A_1198 = tpu.vector_load_idx %arg10[%broadcast_in_dim3A_1182, %add3A_1197, %broadcast_in_dim3A_1188] : memref<8x32x128xf32, #tpu.memory_space<vmem>>[vector<16xi32>, vector<16xi32>, vector<16xi32>], vector<16xf32>,
      %add3A_1199 = arith.constant 0 : i32
      %add3A_1200 = arith.addi %add3A_1178, %add3A_1199 : i32
      %jit3A_1201 = arith.constant 4 : i32
      %div3A_1202 = arith.divsi %add3A_1200, %jit3A_1201 : i32
      %sign3A_1203 = arith.constant 0 : i32
      %sign3A_1204 = arith.cmpi sgt, %add3A_1200, %sign3A_1203 : i32
      %sign3A_1205 = arith.extui %sign3A_1204 : i1 to i32
      %sign3A_1206 = arith.constant 0 : i32
      %sign3A_1207 = arith.cmpi slt, %add3A_1200, %sign3A_1206 : i32
      %sign3A_1208 = arith.extui %sign3A_1207 : i1 to i32
      %sign3A_1209 = arith.subi %sign3A_1205, %sign3A_1208 : i32
      %sign3A_1210 = arith.constant 0 : i32
      %sign3A_1211 = arith.cmpi sgt, %jit3A_1201, %sign3A_1210 : i32
      %sign3A_1212 = arith.extui %sign3A_1211 : i1 to i32
      %sign3A_1213 = arith.constant 0 : i32
      %sign3A_1214 = arith.cmpi slt, %jit3A_1201, %sign3A_1213 : i32
      %sign3A_1215 = arith.extui %sign3A_1214 : i1 to i32
      %sign3A_1216 = arith.subi %sign3A_1212, %sign3A_1215 : i32
      %ne3A_1217 = arith.cmpi ne, %sign3A_1209, %sign3A_1216 : i32
      %rem3A_1218 = arith.remsi %add3A_1200, %jit3A_1201 : i32
      %ne3A_1219 = arith.constant 0 : i32
      %ne3A_1220 = arith.cmpi ne, %rem3A_1218, %ne3A_1219 : i32
      %and3A_1221 = arith.andi %ne3A_1217, %ne3A_1220 : i1
      %sub3A_1222 = arith.constant 1 : i32
      %sub3A_1223 = arith.subi %div3A_1202, %sub3A_1222 : i32
      %select_n3A_1224 = arith.select %and3A_1221, %sub3A_1223, %div3A_1202 : i32
      %broadcast_in_dim3A_1225 = vector.broadcast %select_n3A_1224 : i32 to vector<16xi32>
      %jit3A_1226 = arith.constant 4 : i32
      %eq3A_1227 = arith.constant 0 : i32
      %eq3A_1228 = arith.cmpi eq, %jit3A_1226, %eq3A_1227 : i32
      %jit3A_1229 = arith.constant 1 : i32
      %select_n3A_1230 = arith.select %eq3A_1228, %jit3A_1229, %jit3A_1226 : i32
      %rem3A_1231 = arith.remsi %add3A_1200, %select_n3A_1230 : i32
      %ne3A_1232 = arith.constant 0 : i32
      %ne3A_1233 = arith.cmpi ne, %rem3A_1231, %ne3A_1232 : i32
      %lt3A_1234 = arith.constant 0 : i32
      %lt3A_1235 = arith.cmpi slt, %rem3A_1231, %lt3A_1234 : i32
      %lt3A_1236 = arith.constant 0 : i32
      %lt3A_1237 = arith.cmpi slt, %select_n3A_1230, %lt3A_1236 : i32
      %ne3A_1238 = arith.xori %lt3A_1235, %lt3A_1237 : i1
      %and3A_1239 = arith.andi %ne3A_1238, %ne3A_1233 : i1
      %add3A_1240 = arith.addi %rem3A_1231, %select_n3A_1230 : i32
      %select_n3A_1241 = arith.select %and3A_1239, %add3A_1240, %rem3A_1231 : i32
      %mul3A_1242 = arith.constant 32 : i32
      %mul3A_1243 = arith.muli %select_n3A_1241, %mul3A_1242 : i32
      %add3A_1244 = vector.broadcast %mul3A_1243 : i32 to vector<16xi32>
      %add3A_1245 = arith.addi %add3A_1244, %iota3A : vector<16xi32>
      %mul3A_1246 = arith.mulf %gather3A_1189, %gather3A_1194 : vector<16xf32>
      tpu.vector_store_idx %arg11[%broadcast_in_dim3A_1225, %add3A_1245], %mul3A_1246 : memref<128x128xf32, #tpu.memory_space<vmem>>[vector<16xi32>, vector<16xi32>], vector<16xf32>,
      %add3A_1247 = arith.constant 16 : i32
      %add3A_1248 = vector.broadcast %add3A_1247 : i32 to vector<16xi32>
      %add3A_1249 = arith.addi %add3A_1245, %add3A_1248 : vector<16xi32>
      %mul3A_1250 = arith.mulf %gather3A_1193, %gather3A_1198 : vector<16xf32>
      tpu.vector_store_idx %arg11[%broadcast_in_dim3A_1225, %add3A_1249], %mul3A_1250 : memref<128x128xf32, #tpu.memory_space<vmem>>[vector<16xi32>, vector<16xi32>], vector<16xf32>,
      %broadcast_in_dim3A_1251 = arith.constant 1 : i32
      %broadcast_in_dim3A_1252 = vector.broadcast %broadcast_in_dim3A_1251 : i32 to vector<16xi32>
      %broadcast_in_dim3A_1253 = arith.constant 5 : i32
      %broadcast_in_dim3A_1254 = vector.broadcast %broadcast_in_dim3A_1253 : i32 to vector<16xi32>
      %slice3A_1255 = vector.extract_strided_slice %and3A_261 {offsets = [5], sizes = [1], strides = [1]} : vector<16xi32> to vector<1xi32>
      %squeeze3A_1256 = vector.extract %slice3A_1255[0] : i32 from vector<1xi32>
      %broadcast_in_dim3A_1257 = vector.broadcast %squeeze3A_1256 : i32 to vector<16xi32>
      %slice3A_1258 = vector.extract_strided_slice %and3A_267 {offsets = [5], sizes = [1], strides = [1]} : vector<16xi32> to vector<1xi32>
      %squeeze3A_1259 = vector.extract %slice3A_1258[0] : i32 from vector<1xi32>
      %broadcast_in_dim3A_1260 = vector.broadcast %squeeze3A_1259 : i32 to vector<16xi32>
      %gather3A_1261 = tpu.vector_load_idx %arg10[%broadcast_in_dim3A_1252, %iota3A, %broadcast_in_dim3A_1257] : memref<8x32x128xf32, #tpu.memory_space<vmem>>[vector<16xi32>, vector<16xi32>, vector<16xi32>], vector<16xf32>,
      %add3A_1262 = arith.constant 16 : i32
      %add3A_1263 = vector.broadcast %add3A_1262 : i32 to vector<16xi32>
      %add3A_1264 = arith.addi %iota3A, %add3A_1263 : vector<16xi32>
      %gather3A_1265 = tpu.vector_load_idx %arg10[%broadcast_in_dim3A_1252, %add3A_1264, %broadcast_in_dim3A_1257] : memref<8x32x128xf32, #tpu.memory_space<vmem>>[vector<16xi32>, vector<16xi32>, vector<16xi32>], vector<16xf32>,
      %gather3A_1266 = tpu.vector_load_idx %arg10[%broadcast_in_dim3A_1254, %iota3A, %broadcast_in_dim3A_1260] : memref<8x32x128xf32, #tpu.memory_space<vmem>>[vector<16xi32>, vector<16xi32>, vector<16xi32>], vector<16xf32>,
      %add3A_1267 = arith.constant 16 : i32
      %add3A_1268 = vector.broadcast %add3A_1267 : i32 to vector<16xi32>
      %add3A_1269 = arith.addi %iota3A, %add3A_1268 : vector<16xi32>
      %gather3A_1270 = tpu.vector_load_idx %arg10[%broadcast_in_dim3A_1254, %add3A_1269, %broadcast_in_dim3A_1260] : memref<8x32x128xf32, #tpu.memory_space<vmem>>[vector<16xi32>, vector<16xi32>, vector<16xi32>], vector<16xf32>,
      %add3A_1271 = arith.constant 1 : i32
      %add3A_1272 = arith.addi %add3A_1178, %add3A_1271 : i32
      %jit3A_1273 = arith.constant 4 : i32
      %div3A_1274 = arith.divsi %add3A_1272, %jit3A_1273 : i32
      %sign3A_1275 = arith.constant 0 : i32
      %sign3A_1276 = arith.cmpi sgt, %add3A_1272, %sign3A_1275 : i32
      %sign3A_1277 = arith.extui %sign3A_1276 : i1 to i32
      %sign3A_1278 = arith.constant 0 : i32
      %sign3A_1279 = arith.cmpi slt, %add3A_1272, %sign3A_1278 : i32
      %sign3A_1280 = arith.extui %sign3A_1279 : i1 to i32
      %sign3A_1281 = arith.subi %sign3A_1277, %sign3A_1280 : i32
      %sign3A_1282 = arith.constant 0 : i32
      %sign3A_1283 = arith.cmpi sgt, %jit3A_1273, %sign3A_1282 : i32
      %sign3A_1284 = arith.extui %sign3A_1283 : i1 to i32
      %sign3A_1285 = arith.constant 0 : i32
      %sign3A_1286 = arith.cmpi slt, %jit3A_1273, %sign3A_1285 : i32
      %sign3A_1287 = arith.extui %sign3A_1286 : i1 to i32
      %sign3A_1288 = arith.subi %sign3A_1284, %sign3A_1287 : i32
      %ne3A_1289 = arith.cmpi ne, %sign3A_1281, %sign3A_1288 : i32
      %rem3A_1290 = arith.remsi %add3A_1272, %jit3A_1273 : i32
      %ne3A_1291 = arith.constant 0 : i32
      %ne3A_1292 = arith.cmpi ne, %rem3A_1290, %ne3A_1291 : i32
      %and3A_1293 = arith.andi %ne3A_1289, %ne3A_1292 : i1
      %sub3A_1294 = arith.constant 1 : i32
      %sub3A_1295 = arith.subi %div3A_1274, %sub3A_1294 : i32
      %select_n3A_1296 = arith.select %and3A_1293, %sub3A_1295, %div3A_1274 : i32
      %broadcast_in_dim3A_1297 = vector.broadcast %select_n3A_1296 : i32 to vector<16xi32>
      %jit3A_1298 = arith.constant 4 : i32
      %eq3A_1299 = arith.constant 0 : i32
      %eq3A_1300 = arith.cmpi eq, %jit3A_1298, %eq3A_1299 : i32
      %jit3A_1301 = arith.constant 1 : i32
      %select_n3A_1302 = arith.select %eq3A_1300, %jit3A_1301, %jit3A_1298 : i32
      %rem3A_1303 = arith.remsi %add3A_1272, %select_n3A_1302 : i32
      %ne3A_1304 = arith.constant 0 : i32
      %ne3A_1305 = arith.cmpi ne, %rem3A_1303, %ne3A_1304 : i32
      %lt3A_1306 = arith.constant 0 : i32
      %lt3A_1307 = arith.cmpi slt, %rem3A_1303, %lt3A_1306 : i32
      %lt3A_1308 = arith.constant 0 : i32
      %lt3A_1309 = arith.cmpi slt, %select_n3A_1302, %lt3A_1308 : i32
      %ne3A_1310 = arith.xori %lt3A_1307, %lt3A_1309 : i1
      %and3A_1311 = arith.andi %ne3A_1310, %ne3A_1305 : i1
      %add3A_1312 = arith.addi %rem3A_1303, %select_n3A_1302 : i32
      %select_n3A_1313 = arith.select %and3A_1311, %add3A_1312, %rem3A_1303 : i32
      %mul3A_1314 = arith.constant 32 : i32
      %mul3A_1315 = arith.muli %select_n3A_1313, %mul3A_1314 : i32
      %add3A_1316 = vector.broadcast %mul3A_1315 : i32 to vector<16xi32>
      %add3A_1317 = arith.addi %add3A_1316, %iota3A : vector<16xi32>
      %mul3A_1318 = arith.mulf %gather3A_1261, %gather3A_1266 : vector<16xf32>
      tpu.vector_store_idx %arg11[%broadcast_in_dim3A_1297, %add3A_1317], %mul3A_1318 : memref<128x128xf32, #tpu.memory_space<vmem>>[vector<16xi32>, vector<16xi32>], vector<16xf32>,
      %add3A_1319 = arith.constant 16 : i32
      %add3A_1320 = vector.broadcast %add3A_1319 : i32 to vector<16xi32>
      %add3A_1321 = arith.addi %add3A_1317, %add3A_1320 : vector<16xi32>
      %mul3A_1322 = arith.mulf %gather3A_1265, %gather3A_1270 : vector<16xf32>
      tpu.vector_store_idx %arg11[%broadcast_in_dim3A_1297, %add3A_1321], %mul3A_1322 : memref<128x128xf32, #tpu.memory_space<vmem>>[vector<16xi32>, vector<16xi32>], vector<16xf32>,
      %broadcast_in_dim3A_1323 = arith.constant 2 : i32
      %broadcast_in_dim3A_1324 = vector.broadcast %broadcast_in_dim3A_1323 : i32 to vector<16xi32>
      %broadcast_in_dim3A_1325 = arith.constant 6 : i32
      %broadcast_in_dim3A_1326 = vector.broadcast %broadcast_in_dim3A_1325 : i32 to vector<16xi32>
      %slice3A_1327 = vector.extract_strided_slice %and3A_261 {offsets = [6], sizes = [1], strides = [1]} : vector<16xi32> to vector<1xi32>
      %squeeze3A_1328 = vector.extract %slice3A_1327[0] : i32 from vector<1xi32>
      %broadcast_in_dim3A_1329 = vector.broadcast %squeeze3A_1328 : i32 to vector<16xi32>
      %slice3A_1330 = vector.extract_strided_slice %and3A_267 {offsets = [6], sizes = [1], strides = [1]} : vector<16xi32> to vector<1xi32>
      %squeeze3A_1331 = vector.extract %slice3A_1330[0] : i32 from vector<1xi32>
      %broadcast_in_dim3A_1332 = vector.broadcast %squeeze3A_1331 : i32 to vector<16xi32>
      %gather3A_1333 = tpu.vector_load_idx %arg10[%broadcast_in_dim3A_1324, %iota3A, %broadcast_in_dim3A_1329] : memref<8x32x128xf32, #tpu.memory_space<vmem>>[vector<16xi32>, vector<16xi32>, vector<16xi32>], vector<16xf32>,
      %add3A_1334 = arith.constant 16 : i32
      %add3A_1335 = vector.broadcast %add3A_1334 : i32 to vector<16xi32>
      %add3A_1336 = arith.addi %iota3A, %add3A_1335 : vector<16xi32>
      %gather3A_1337 = tpu.vector_load_idx %arg10[%broadcast_in_dim3A_1324, %add3A_1336, %broadcast_in_dim3A_1329] : memref<8x32x128xf32, #tpu.memory_space<vmem>>[vector<16xi32>, vector<16xi32>, vector<16xi32>], vector<16xf32>,
      %gather3A_1338 = tpu.vector_load_idx %arg10[%broadcast_in_dim3A_1326, %iota3A, %broadcast_in_dim3A_1332] : memref<8x32x128xf32, #tpu.memory_space<vmem>>[vector<16xi32>, vector<16xi32>, vector<16xi32>], vector<16xf32>,
      %add3A_1339 = arith.constant 16 : i32
      %add3A_1340 = vector.broadcast %add3A_1339 : i32 to vector<16xi32>
      %add3A_1341 = arith.addi %iota3A, %add3A_1340 : vector<16xi32>
      %gather3A_1342 = tpu.vector_load_idx %arg10[%broadcast_in_dim3A_1326, %add3A_1341, %broadcast_in_dim3A_1332] : memref<8x32x128xf32, #tpu.memory_space<vmem>>[vector<16xi32>, vector<16xi32>, vector<16xi32>], vector<16xf32>,
      %add3A_1343 = arith.constant 2 : i32
      %add3A_1344 = arith.addi %add3A_1178, %add3A_1343 : i32
      %jit3A_1345 = arith.constant 4 : i32
      %div3A_1346 = arith.divsi %add3A_1344, %jit3A_1345 : i32
      %sign3A_1347 = arith.constant 0 : i32
      %sign3A_1348 = arith.cmpi sgt, %add3A_1344, %sign3A_1347 : i32
      %sign3A_1349 = arith.extui %sign3A_1348 : i1 to i32
      %sign3A_1350 = arith.constant 0 : i32
      %sign3A_1351 = arith.cmpi slt, %add3A_1344, %sign3A_1350 : i32
      %sign3A_1352 = arith.extui %sign3A_1351 : i1 to i32
      %sign3A_1353 = arith.subi %sign3A_1349, %sign3A_1352 : i32
      %sign3A_1354 = arith.constant 0 : i32
      %sign3A_1355 = arith.cmpi sgt, %jit3A_1345, %sign3A_1354 : i32
      %sign3A_1356 = arith.extui %sign3A_1355 : i1 to i32
      %sign3A_1357 = arith.constant 0 : i32
      %sign3A_1358 = arith.cmpi slt, %jit3A_1345, %sign3A_1357 : i32
      %sign3A_1359 = arith.extui %sign3A_1358 : i1 to i32
      %sign3A_1360 = arith.subi %sign3A_1356, %sign3A_1359 : i32
      %ne3A_1361 = arith.cmpi ne, %sign3A_1353, %sign3A_1360 : i32
      %rem3A_1362 = arith.remsi %add3A_1344, %jit3A_1345 : i32
      %ne3A_1363 = arith.constant 0 : i32
      %ne3A_1364 = arith.cmpi ne, %rem3A_1362, %ne3A_1363 : i32
      %and3A_1365 = arith.andi %ne3A_1361, %ne3A_1364 : i1
      %sub3A_1366 = arith.constant 1 : i32
      %sub3A_1367 = arith.subi %div3A_1346, %sub3A_1366 : i32
      %select_n3A_1368 = arith.select %and3A_1365, %sub3A_1367, %div3A_1346 : i32
      %broadcast_in_dim3A_1369 = vector.broadcast %select_n3A_1368 : i32 to vector<16xi32>
      %jit3A_1370 = arith.constant 4 : i32
      %eq3A_1371 = arith.constant 0 : i32
      %eq3A_1372 = arith.cmpi eq, %jit3A_1370, %eq3A_1371 : i32
      %jit3A_1373 = arith.constant 1 : i32
      %select_n3A_1374 = arith.select %eq3A_1372, %jit3A_1373, %jit3A_1370 : i32
      %rem3A_1375 = arith.remsi %add3A_1344, %select_n3A_1374 : i32
      %ne3A_1376 = arith.constant 0 : i32
      %ne3A_1377 = arith.cmpi ne, %rem3A_1375, %ne3A_1376 : i32
      %lt3A_1378 = arith.constant 0 : i32
      %lt3A_1379 = arith.cmpi slt, %rem3A_1375, %lt3A_1378 : i32
      %lt3A_1380 = arith.constant 0 : i32
      %lt3A_1381 = arith.cmpi slt, %select_n3A_1374, %lt3A_1380 : i32
      %ne3A_1382 = arith.xori %lt3A_1379, %lt3A_1381 : i1
      %and3A_1383 = arith.andi %ne3A_1382, %ne3A_1377 : i1
      %add3A_1384 = arith.addi %rem3A_1375, %select_n3A_1374 : i32
      %select_n3A_1385 = arith.select %and3A_1383, %add3A_1384, %rem3A_1375 : i32
      %mul3A_1386 = arith.constant 32 : i32
      %mul3A_1387 = arith.muli %select_n3A_1385, %mul3A_1386 : i32
      %add3A_1388 = vector.broadcast %mul3A_1387 : i32 to vector<16xi32>
      %add3A_1389 = arith.addi %add3A_1388, %iota3A : vector<16xi32>
      %mul3A_1390 = arith.mulf %gather3A_1333, %gather3A_1338 : vector<16xf32>
      tpu.vector_store_idx %arg11[%broadcast_in_dim3A_1369, %add3A_1389], %mul3A_1390 : memref<128x128xf32, #tpu.memory_space<vmem>>[vector<16xi32>, vector<16xi32>], vector<16xf32>,
      %add3A_1391 = arith.constant 16 : i32
      %add3A_1392 = vector.broadcast %add3A_1391 : i32 to vector<16xi32>
      %add3A_1393 = arith.addi %add3A_1389, %add3A_1392 : vector<16xi32>
      %mul3A_1394 = arith.mulf %gather3A_1337, %gather3A_1342 : vector<16xf32>
      tpu.vector_store_idx %arg11[%broadcast_in_dim3A_1369, %add3A_1393], %mul3A_1394 : memref<128x128xf32, #tpu.memory_space<vmem>>[vector<16xi32>, vector<16xi32>], vector<16xf32>,
      %broadcast_in_dim3A_1395 = arith.constant 3 : i32
      %broadcast_in_dim3A_1396 = vector.broadcast %broadcast_in_dim3A_1395 : i32 to vector<16xi32>
      %broadcast_in_dim3A_1397 = arith.constant 7 : i32
      %broadcast_in_dim3A_1398 = vector.broadcast %broadcast_in_dim3A_1397 : i32 to vector<16xi32>
      %slice3A_1399 = vector.extract_strided_slice %and3A_261 {offsets = [7], sizes = [1], strides = [1]} : vector<16xi32> to vector<1xi32>
      %squeeze3A_1400 = vector.extract %slice3A_1399[0] : i32 from vector<1xi32>
      %broadcast_in_dim3A_1401 = vector.broadcast %squeeze3A_1400 : i32 to vector<16xi32>
      %slice3A_1402 = vector.extract_strided_slice %and3A_267 {offsets = [7], sizes = [1], strides = [1]} : vector<16xi32> to vector<1xi32>
      %squeeze3A_1403 = vector.extract %slice3A_1402[0] : i32 from vector<1xi32>
      %broadcast_in_dim3A_1404 = vector.broadcast %squeeze3A_1403 : i32 to vector<16xi32>
      %gather3A_1405 = tpu.vector_load_idx %arg10[%broadcast_in_dim3A_1396, %iota3A, %broadcast_in_dim3A_1401] : memref<8x32x128xf32, #tpu.memory_space<vmem>>[vector<16xi32>, vector<16xi32>, vector<16xi32>], vector<16xf32>,
      %add3A_1406 = arith.constant 16 : i32
      %add3A_1407 = vector.broadcast %add3A_1406 : i32 to vector<16xi32>
      %add3A_1408 = arith.addi %iota3A, %add3A_1407 : vector<16xi32>
      %gather3A_1409 = tpu.vector_load_idx %arg10[%broadcast_in_dim3A_1396, %add3A_1408, %broadcast_in_dim3A_1401] : memref<8x32x128xf32, #tpu.memory_space<vmem>>[vector<16xi32>, vector<16xi32>, vector<16xi32>], vector<16xf32>,
      %gather3A_1410 = tpu.vector_load_idx %arg10[%broadcast_in_dim3A_1398, %iota3A, %broadcast_in_dim3A_1404] : memref<8x32x128xf32, #tpu.memory_space<vmem>>[vector<16xi32>, vector<16xi32>, vector<16xi32>], vector<16xf32>,
      %add3A_1411 = arith.constant 16 : i32
      %add3A_1412 = vector.broadcast %add3A_1411 : i32 to vector<16xi32>
      %add3A_1413 = arith.addi %iota3A, %add3A_1412 : vector<16xi32>
      %gather3A_1414 = tpu.vector_load_idx %arg10[%broadcast_in_dim3A_1398, %add3A_1413, %broadcast_in_dim3A_1404] : memref<8x32x128xf32, #tpu.memory_space<vmem>>[vector<16xi32>, vector<16xi32>, vector<16xi32>], vector<16xf32>,
      %add3A_1415 = arith.constant 3 : i32
      %add3A_1416 = arith.addi %add3A_1178, %add3A_1415 : i32
      %jit3A_1417 = arith.constant 4 : i32
      %div3A_1418 = arith.divsi %add3A_1416, %jit3A_1417 : i32
      %sign3A_1419 = arith.constant 0 : i32
      %sign3A_1420 = arith.cmpi sgt, %add3A_1416, %sign3A_1419 : i32
      %sign3A_1421 = arith.extui %sign3A_1420 : i1 to i32
      %sign3A_1422 = arith.constant 0 : i32
      %sign3A_1423 = arith.cmpi slt, %add3A_1416, %sign3A_1422 : i32
      %sign3A_1424 = arith.extui %sign3A_1423 : i1 to i32
      %sign3A_1425 = arith.subi %sign3A_1421, %sign3A_1424 : i32
      %sign3A_1426 = arith.constant 0 : i32
      %sign3A_1427 = arith.cmpi sgt, %jit3A_1417, %sign3A_1426 : i32
      %sign3A_1428 = arith.extui %sign3A_1427 : i1 to i32
      %sign3A_1429 = arith.constant 0 : i32
      %sign3A_1430 = arith.cmpi slt, %jit3A_1417, %sign3A_1429 : i32
      %sign3A_1431 = arith.extui %sign3A_1430 : i1 to i32
      %sign3A_1432 = arith.subi %sign3A_1428, %sign3A_1431 : i32
      %ne3A_1433 = arith.cmpi ne, %sign3A_1425, %sign3A_1432 : i32
      %rem3A_1434 = arith.remsi %add3A_1416, %jit3A_1417 : i32
      %ne3A_1435 = arith.constant 0 : i32
      %ne3A_1436 = arith.cmpi ne, %rem3A_1434, %ne3A_1435 : i32
      %and3A_1437 = arith.andi %ne3A_1433, %ne3A_1436 : i1
      %sub3A_1438 = arith.constant 1 : i32
      %sub3A_1439 = arith.subi %div3A_1418, %sub3A_1438 : i32
      %select_n3A_1440 = arith.select %and3A_1437, %sub3A_1439, %div3A_1418 : i32
      %broadcast_in_dim3A_1441 = vector.broadcast %select_n3A_1440 : i32 to vector<16xi32>
      %jit3A_1442 = arith.constant 4 : i32
      %eq3A_1443 = arith.constant 0 : i32
      %eq3A_1444 = arith.cmpi eq, %jit3A_1442, %eq3A_1443 : i32
      %jit3A_1445 = arith.constant 1 : i32
      %select_n3A_1446 = arith.select %eq3A_1444, %jit3A_1445, %jit3A_1442 : i32
      %rem3A_1447 = arith.remsi %add3A_1416, %select_n3A_1446 : i32
      %ne3A_1448 = arith.constant 0 : i32
      %ne3A_1449 = arith.cmpi ne, %rem3A_1447, %ne3A_1448 : i32
      %lt3A_1450 = arith.constant 0 : i32
      %lt3A_1451 = arith.cmpi slt, %rem3A_1447, %lt3A_1450 : i32
      %lt3A_1452 = arith.constant 0 : i32
      %lt3A_1453 = arith.cmpi slt, %select_n3A_1446, %lt3A_1452 : i32
      %ne3A_1454 = arith.xori %lt3A_1451, %lt3A_1453 : i1
      %and3A_1455 = arith.andi %ne3A_1454, %ne3A_1449 : i1
      %add3A_1456 = arith.addi %rem3A_1447, %select_n3A_1446 : i32
      %select_n3A_1457 = arith.select %and3A_1455, %add3A_1456, %rem3A_1447 : i32
      %mul3A_1458 = arith.constant 32 : i32
      %mul3A_1459 = arith.muli %select_n3A_1457, %mul3A_1458 : i32
      %add3A_1460 = vector.broadcast %mul3A_1459 : i32 to vector<16xi32>
      %add3A_1461 = arith.addi %add3A_1460, %iota3A : vector<16xi32>
      %mul3A_1462 = arith.mulf %gather3A_1405, %gather3A_1410 : vector<16xf32>
      tpu.vector_store_idx %arg11[%broadcast_in_dim3A_1441, %add3A_1461], %mul3A_1462 : memref<128x128xf32, #tpu.memory_space<vmem>>[vector<16xi32>, vector<16xi32>], vector<16xf32>,
      %add3A_1463 = arith.constant 16 : i32
      %add3A_1464 = vector.broadcast %add3A_1463 : i32 to vector<16xi32>
      %add3A_1465 = arith.addi %add3A_1461, %add3A_1464 : vector<16xi32>
      %mul3A_1466 = arith.mulf %gather3A_1409, %gather3A_1414 : vector<16xf32>
      tpu.vector_store_idx %arg11[%broadcast_in_dim3A_1441, %add3A_1465], %mul3A_1466 : memref<128x128xf32, #tpu.memory_space<vmem>>[vector<16xi32>, vector<16xi32>], vector<16xf32>,
      %slice3A_1467 = vector.extract_strided_slice %and3A_258 {offsets = [12], sizes = [1], strides = [1]} : vector<16xi32> to vector<1xi32>
      %squeeze3A_1468 = vector.extract %slice3A_1467[0] : i32 from vector<1xi32>
      %multiple_of3A_1469 = tpu.assume_multiple %squeeze3A_1468, 128 : i32
      %dma_start3A_1470 = arith.constant 0 : i32
      %dma_start3A_1471 = arith.constant 0 : i32
      %dma_start3A_1472 = arith.constant 0 : i32
      %dma_start3A_1473 = tpu.memref_slice %arg10[%dma_start3A_1470, %dma_start3A_1471, %dma_start3A_1472] : memref<8x32x128xf32, #tpu.memory_space<vmem>> -> memref<1x32x128xf32, #tpu.memory_space<vmem>>
      %dma_start3A_1474 = tpu.memref_squeeze %dma_start3A_1473 : memref<1x32x128xf32, #tpu.memory_space<vmem>> -> memref<32x128xf32, #tpu.memory_space<vmem>>
      %dma_start3A_1475 = arith.constant 0 : i32
      %dma_start3A_1476 = tpu.memref_slice %arg4[%dma_start3A_1475, %multiple_of3A_1469] : memref<32x1000000xf32, #tpu.memory_space<hbm>> -> memref<32x128xf32, #tpu.memory_space<hbm>>
      %dma_start3A_1477 = arith.constant 0 : i32
      %dma_start3A_1478 = arith.constant 0 : i32
      %dma_start3A_1479 = tpu.memref_slice %arg10[%dma_start3A_1470, %dma_start3A_1477, %dma_start3A_1478] : memref<8x32x128xf32, #tpu.memory_space<vmem>> -> memref<1x32x128xf32, #tpu.memory_space<vmem>>
      %dma_start3A_1480 = tpu.memref_squeeze %dma_start3A_1479 : memref<1x32x128xf32, #tpu.memory_space<vmem>> -> memref<32x128xf32, #tpu.memory_space<vmem>>
      %dma_start3A_1481 = arith.constant 0 : i32
      %dma_start3A_1482 = tpu.memref_slice %arg4[%dma_start3A_1481, %multiple_of3A_1469] : memref<32x1000000xf32, #tpu.memory_space<hbm>> -> memref<32x128xf32, #tpu.memory_space<hbm>>
      tpu.enqueue_dma source(%dma_start3A_1482 : memref<32x128xf32, #tpu.memory_space<hbm>>) target(%dma_start3A_1480 : memref<32x128xf32, #tpu.memory_space<vmem>>) target_semaphore(%arg13 : memref<!tpu.dma_semaphore, #tpu.memory_space<semaphore_mem>>)
      %slice3A_1483 = vector.extract_strided_slice %and3A_258 {offsets = [13], sizes = [1], strides = [1]} : vector<16xi32> to vector<1xi32>
      %squeeze3A_1484 = vector.extract %slice3A_1483[0] : i32 from vector<1xi32>
      %multiple_of3A_1485 = tpu.assume_multiple %squeeze3A_1484, 128 : i32
      %dma_start3A_1486 = arith.constant 1 : i32
      %dma_start3A_1487 = arith.constant 0 : i32
      %dma_start3A_1488 = arith.constant 0 : i32
      %dma_start3A_1489 = tpu.memref_slice %arg10[%dma_start3A_1486, %dma_start3A_1487, %dma_start3A_1488] : memref<8x32x128xf32, #tpu.memory_space<vmem>> -> memref<1x32x128xf32, #tpu.memory_space<vmem>>
      %dma_start3A_1490 = tpu.memref_squeeze %dma_start3A_1489 : memref<1x32x128xf32, #tpu.memory_space<vmem>> -> memref<32x128xf32, #tpu.memory_space<vmem>>
      %dma_start3A_1491 = arith.constant 0 : i32
      %dma_start3A_1492 = tpu.memref_slice %arg4[%dma_start3A_1491, %multiple_of3A_1485] : memref<32x1000000xf32, #tpu.memory_space<hbm>> -> memref<32x128xf32, #tpu.memory_space<hbm>>
      %dma_start3A_1493 = arith.constant 0 : i32
      %dma_start3A_1494 = arith.constant 0 : i32
      %dma_start3A_1495 = tpu.memref_slice %arg10[%dma_start3A_1486, %dma_start3A_1493, %dma_start3A_1494] : memref<8x32x128xf32, #tpu.memory_space<vmem>> -> memref<1x32x128xf32, #tpu.memory_space<vmem>>
      %dma_start3A_1496 = tpu.memref_squeeze %dma_start3A_1495 : memref<1x32x128xf32, #tpu.memory_space<vmem>> -> memref<32x128xf32, #tpu.memory_space<vmem>>
      %dma_start3A_1497 = arith.constant 0 : i32
      %dma_start3A_1498 = tpu.memref_slice %arg4[%dma_start3A_1497, %multiple_of3A_1485] : memref<32x1000000xf32, #tpu.memory_space<hbm>> -> memref<32x128xf32, #tpu.memory_space<hbm>>
      tpu.enqueue_dma source(%dma_start3A_1498 : memref<32x128xf32, #tpu.memory_space<hbm>>) target(%dma_start3A_1496 : memref<32x128xf32, #tpu.memory_space<vmem>>) target_semaphore(%arg13 : memref<!tpu.dma_semaphore, #tpu.memory_space<semaphore_mem>>)
      %slice3A_1499 = vector.extract_strided_slice %and3A_258 {offsets = [14], sizes = [1], strides = [1]} : vector<16xi32> to vector<1xi32>
      %squeeze3A_1500 = vector.extract %slice3A_1499[0] : i32 from vector<1xi32>
      %multiple_of3A_1501 = tpu.assume_multiple %squeeze3A_1500, 128 : i32
      %dma_start3A_1502 = arith.constant 2 : i32
      %dma_start3A_1503 = arith.constant 0 : i32
      %dma_start3A_1504 = arith.constant 0 : i32
      %dma_start3A_1505 = tpu.memref_slice %arg10[%dma_start3A_1502, %dma_start3A_1503, %dma_start3A_1504] : memref<8x32x128xf32, #tpu.memory_space<vmem>> -> memref<1x32x128xf32, #tpu.memory_space<vmem>>
      %dma_start3A_1506 = tpu.memref_squeeze %dma_start3A_1505 : memref<1x32x128xf32, #tpu.memory_space<vmem>> -> memref<32x128xf32, #tpu.memory_space<vmem>>
      %dma_start3A_1507 = arith.constant 0 : i32
      %dma_start3A_1508 = tpu.memref_slice %arg4[%dma_start3A_1507, %multiple_of3A_1501] : memref<32x1000000xf32, #tpu.memory_space<hbm>> -> memref<32x128xf32, #tpu.memory_space<hbm>>
      %dma_start3A_1509 = arith.constant 0 : i32
      %dma_start3A_1510 = arith.constant 0 : i32
      %dma_start3A_1511 = tpu.memref_slice %arg10[%dma_start3A_1502, %dma_start3A_1509, %dma_start3A_1510] : memref<8x32x128xf32, #tpu.memory_space<vmem>> -> memref<1x32x128xf32, #tpu.memory_space<vmem>>
      %dma_start3A_1512 = tpu.memref_squeeze %dma_start3A_1511 : memref<1x32x128xf32, #tpu.memory_space<vmem>> -> memref<32x128xf32, #tpu.memory_space<vmem>>
      %dma_start3A_1513 = arith.constant 0 : i32
      %dma_start3A_1514 = tpu.memref_slice %arg4[%dma_start3A_1513, %multiple_of3A_1501] : memref<32x1000000xf32, #tpu.memory_space<hbm>> -> memref<32x128xf32, #tpu.memory_space<hbm>>
      tpu.enqueue_dma source(%dma_start3A_1514 : memref<32x128xf32, #tpu.memory_space<hbm>>) target(%dma_start3A_1512 : memref<32x128xf32, #tpu.memory_space<vmem>>) target_semaphore(%arg13 : memref<!tpu.dma_semaphore, #tpu.memory_space<semaphore_mem>>)
      %slice3A_1515 = vector.extract_strided_slice %and3A_258 {offsets = [15], sizes = [1], strides = [1]} : vector<16xi32> to vector<1xi32>
      %squeeze3A_1516 = vector.extract %slice3A_1515[0] : i32 from vector<1xi32>
      %multiple_of3A_1517 = tpu.assume_multiple %squeeze3A_1516, 128 : i32
      %dma_start3A_1518 = arith.constant 3 : i32
      %dma_start3A_1519 = arith.constant 0 : i32
      %dma_start3A_1520 = arith.constant 0 : i32
      %dma_start3A_1521 = tpu.memref_slice %arg10[%dma_start3A_1518, %dma_start3A_1519, %dma_start3A_1520] : memref<8x32x128xf32, #tpu.memory_space<vmem>> -> memref<1x32x128xf32, #tpu.memory_space<vmem>>
      %dma_start3A_1522 = tpu.memref_squeeze %dma_start3A_1521 : memref<1x32x128xf32, #tpu.memory_space<vmem>> -> memref<32x128xf32, #tpu.memory_space<vmem>>
      %dma_start3A_1523 = arith.constant 0 : i32
      %dma_start3A_1524 = tpu.memref_slice %arg4[%dma_start3A_1523, %multiple_of3A_1517] : memref<32x1000000xf32, #tpu.memory_space<hbm>> -> memref<32x128xf32, #tpu.memory_space<hbm>>
      %dma_start3A_1525 = arith.constant 0 : i32
      %dma_start3A_1526 = arith.constant 0 : i32
      %dma_start3A_1527 = tpu.memref_slice %arg10[%dma_start3A_1518, %dma_start3A_1525, %dma_start3A_1526] : memref<8x32x128xf32, #tpu.memory_space<vmem>> -> memref<1x32x128xf32, #tpu.memory_space<vmem>>
      %dma_start3A_1528 = tpu.memref_squeeze %dma_start3A_1527 : memref<1x32x128xf32, #tpu.memory_space<vmem>> -> memref<32x128xf32, #tpu.memory_space<vmem>>
      %dma_start3A_1529 = arith.constant 0 : i32
      %dma_start3A_1530 = tpu.memref_slice %arg4[%dma_start3A_1529, %multiple_of3A_1517] : memref<32x1000000xf32, #tpu.memory_space<hbm>> -> memref<32x128xf32, #tpu.memory_space<hbm>>
      tpu.enqueue_dma source(%dma_start3A_1530 : memref<32x128xf32, #tpu.memory_space<hbm>>) target(%dma_start3A_1528 : memref<32x128xf32, #tpu.memory_space<vmem>>) target_semaphore(%arg13 : memref<!tpu.dma_semaphore, #tpu.memory_space<semaphore_mem>>)
      %slice3A_1531 = vector.extract_strided_slice %and3A_264 {offsets = [12], sizes = [1], strides = [1]} : vector<16xi32> to vector<1xi32>
      %squeeze3A_1532 = vector.extract %slice3A_1531[0] : i32 from vector<1xi32>
      %multiple_of3A_1533 = tpu.assume_multiple %squeeze3A_1532, 128 : i32
      %dma_start3A_1534 = arith.constant 4 : i32
      %dma_start3A_1535 = arith.constant 0 : i32
      %dma_start3A_1536 = arith.constant 0 : i32
      %dma_start3A_1537 = tpu.memref_slice %arg10[%dma_start3A_1534, %dma_start3A_1535, %dma_start3A_1536] : memref<8x32x128xf32, #tpu.memory_space<vmem>> -> memref<1x32x128xf32, #tpu.memory_space<vmem>>
      %dma_start3A_1538 = tpu.memref_squeeze %dma_start3A_1537 : memref<1x32x128xf32, #tpu.memory_space<vmem>> -> memref<32x128xf32, #tpu.memory_space<vmem>>
      %dma_start3A_1539 = arith.constant 0 : i32
      %dma_start3A_1540 = tpu.memref_slice %arg5[%dma_start3A_1539, %multiple_of3A_1533] : memref<32x1000000xf32, #tpu.memory_space<hbm>> -> memref<32x128xf32, #tpu.memory_space<hbm>>
      %dma_start3A_1541 = arith.constant 0 : i32
      %dma_start3A_1542 = arith.constant 0 : i32
      %dma_start3A_1543 = tpu.memref_slice %arg10[%dma_start3A_1534, %dma_start3A_1541, %dma_start3A_1542] : memref<8x32x128xf32, #tpu.memory_space<vmem>> -> memref<1x32x128xf32, #tpu.memory_space<vmem>>
      %dma_start3A_1544 = tpu.memref_squeeze %dma_start3A_1543 : memref<1x32x128xf32, #tpu.memory_space<vmem>> -> memref<32x128xf32, #tpu.memory_space<vmem>>
      %dma_start3A_1545 = arith.constant 0 : i32
      %dma_start3A_1546 = tpu.memref_slice %arg5[%dma_start3A_1545, %multiple_of3A_1533] : memref<32x1000000xf32, #tpu.memory_space<hbm>> -> memref<32x128xf32, #tpu.memory_space<hbm>>
      tpu.enqueue_dma source(%dma_start3A_1546 : memref<32x128xf32, #tpu.memory_space<hbm>>) target(%dma_start3A_1544 : memref<32x128xf32, #tpu.memory_space<vmem>>) target_semaphore(%arg13 : memref<!tpu.dma_semaphore, #tpu.memory_space<semaphore_mem>>)
      %slice3A_1547 = vector.extract_strided_slice %and3A_264 {offsets = [13], sizes = [1], strides = [1]} : vector<16xi32> to vector<1xi32>
      %squeeze3A_1548 = vector.extract %slice3A_1547[0] : i32 from vector<1xi32>
      %multiple_of3A_1549 = tpu.assume_multiple %squeeze3A_1548, 128 : i32
      %dma_start3A_1550 = arith.constant 5 : i32
      %dma_start3A_1551 = arith.constant 0 : i32
      %dma_start3A_1552 = arith.constant 0 : i32
      %dma_start3A_1553 = tpu.memref_slice %arg10[%dma_start3A_1550, %dma_start3A_1551, %dma_start3A_1552] : memref<8x32x128xf32, #tpu.memory_space<vmem>> -> memref<1x32x128xf32, #tpu.memory_space<vmem>>
      %dma_start3A_1554 = tpu.memref_squeeze %dma_start3A_1553 : memref<1x32x128xf32, #tpu.memory_space<vmem>> -> memref<32x128xf32, #tpu.memory_space<vmem>>
      %dma_start3A_1555 = arith.constant 0 : i32
      %dma_start3A_1556 = tpu.memref_slice %arg5[%dma_start3A_1555, %multiple_of3A_1549] : memref<32x1000000xf32, #tpu.memory_space<hbm>> -> memref<32x128xf32, #tpu.memory_space<hbm>>
      %dma_start3A_1557 = arith.constant 0 : i32
      %dma_start3A_1558 = arith.constant 0 : i32
      %dma_start3A_1559 = tpu.memref_slice %arg10[%dma_start3A_1550, %dma_start3A_1557, %dma_start3A_1558] : memref<8x32x128xf32, #tpu.memory_space<vmem>> -> memref<1x32x128xf32, #tpu.memory_space<vmem>>
      %dma_start3A_1560 = tpu.memref_squeeze %dma_start3A_1559 : memref<1x32x128xf32, #tpu.memory_space<vmem>> -> memref<32x128xf32, #tpu.memory_space<vmem>>
      %dma_start3A_1561 = arith.constant 0 : i32
      %dma_start3A_1562 = tpu.memref_slice %arg5[%dma_start3A_1561, %multiple_of3A_1549] : memref<32x1000000xf32, #tpu.memory_space<hbm>> -> memref<32x128xf32, #tpu.memory_space<hbm>>
      tpu.enqueue_dma source(%dma_start3A_1562 : memref<32x128xf32, #tpu.memory_space<hbm>>) target(%dma_start3A_1560 : memref<32x128xf32, #tpu.memory_space<vmem>>) target_semaphore(%arg13 : memref<!tpu.dma_semaphore, #tpu.memory_space<semaphore_mem>>)
      %slice3A_1563 = vector.extract_strided_slice %and3A_264 {offsets = [14], sizes = [1], strides = [1]} : vector<16xi32> to vector<1xi32>
      %squeeze3A_1564 = vector.extract %slice3A_1563[0] : i32 from vector<1xi32>
      %multiple_of3A_1565 = tpu.assume_multiple %squeeze3A_1564, 128 : i32
      %dma_start3A_1566 = arith.constant 6 : i32
      %dma_start3A_1567 = arith.constant 0 : i32
      %dma_start3A_1568 = arith.constant 0 : i32
      %dma_start3A_1569 = tpu.memref_slice %arg10[%dma_start3A_1566, %dma_start3A_1567, %dma_start3A_1568] : memref<8x32x128xf32, #tpu.memory_space<vmem>> -> memref<1x32x128xf32, #tpu.memory_space<vmem>>
      %dma_start3A_1570 = tpu.memref_squeeze %dma_start3A_1569 : memref<1x32x128xf32, #tpu.memory_space<vmem>> -> memref<32x128xf32, #tpu.memory_space<vmem>>
      %dma_start3A_1571 = arith.constant 0 : i32
      %dma_start3A_1572 = tpu.memref_slice %arg5[%dma_start3A_1571, %multiple_of3A_1565] : memref<32x1000000xf32, #tpu.memory_space<hbm>> -> memref<32x128xf32, #tpu.memory_space<hbm>>
      %dma_start3A_1573 = arith.constant 0 : i32
      %dma_start3A_1574 = arith.constant 0 : i32
      %dma_start3A_1575 = tpu.memref_slice %arg10[%dma_start3A_1566, %dma_start3A_1573, %dma_start3A_1574] : memref<8x32x128xf32, #tpu.memory_space<vmem>> -> memref<1x32x128xf32, #tpu.memory_space<vmem>>
      %dma_start3A_1576 = tpu.memref_squeeze %dma_start3A_1575 : memref<1x32x128xf32, #tpu.memory_space<vmem>> -> memref<32x128xf32, #tpu.memory_space<vmem>>
      %dma_start3A_1577 = arith.constant 0 : i32
      %dma_start3A_1578 = tpu.memref_slice %arg5[%dma_start3A_1577, %multiple_of3A_1565] : memref<32x1000000xf32, #tpu.memory_space<hbm>> -> memref<32x128xf32, #tpu.memory_space<hbm>>
      tpu.enqueue_dma source(%dma_start3A_1578 : memref<32x128xf32, #tpu.memory_space<hbm>>) target(%dma_start3A_1576 : memref<32x128xf32, #tpu.memory_space<vmem>>) target_semaphore(%arg13 : memref<!tpu.dma_semaphore, #tpu.memory_space<semaphore_mem>>)
      %slice3A_1579 = vector.extract_strided_slice %and3A_264 {offsets = [15], sizes = [1], strides = [1]} : vector<16xi32> to vector<1xi32>
      %squeeze3A_1580 = vector.extract %slice3A_1579[0] : i32 from vector<1xi32>
      %multiple_of3A_1581 = tpu.assume_multiple %squeeze3A_1580, 128 : i32
      %dma_start3A_1582 = arith.constant 7 : i32
      %dma_start3A_1583 = arith.constant 0 : i32
      %dma_start3A_1584 = arith.constant 0 : i32
      %dma_start3A_1585 = tpu.memref_slice %arg10[%dma_start3A_1582, %dma_start3A_1583, %dma_start3A_1584] : memref<8x32x128xf32, #tpu.memory_space<vmem>> -> memref<1x32x128xf32, #tpu.memory_space<vmem>>
      %dma_start3A_1586 = tpu.memref_squeeze %dma_start3A_1585 : memref<1x32x128xf32, #tpu.memory_space<vmem>> -> memref<32x128xf32, #tpu.memory_space<vmem>>
      %dma_start3A_1587 = arith.constant 0 : i32
      %dma_start3A_1588 = tpu.memref_slice %arg5[%dma_start3A_1587, %multiple_of3A_1581] : memref<32x1000000xf32, #tpu.memory_space<hbm>> -> memref<32x128xf32, #tpu.memory_space<hbm>>
      %dma_start3A_1589 = arith.constant 0 : i32
      %dma_start3A_1590 = arith.constant 0 : i32
      %dma_start3A_1591 = tpu.memref_slice %arg10[%dma_start3A_1582, %dma_start3A_1589, %dma_start3A_1590] : memref<8x32x128xf32, #tpu.memory_space<vmem>> -> memref<1x32x128xf32, #tpu.memory_space<vmem>>
      %dma_start3A_1592 = tpu.memref_squeeze %dma_start3A_1591 : memref<1x32x128xf32, #tpu.memory_space<vmem>> -> memref<32x128xf32, #tpu.memory_space<vmem>>
      %dma_start3A_1593 = arith.constant 0 : i32
      %dma_start3A_1594 = tpu.memref_slice %arg5[%dma_start3A_1593, %multiple_of3A_1581] : memref<32x1000000xf32, #tpu.memory_space<hbm>> -> memref<32x128xf32, #tpu.memory_space<hbm>>
      tpu.enqueue_dma source(%dma_start3A_1594 : memref<32x128xf32, #tpu.memory_space<hbm>>) target(%dma_start3A_1592 : memref<32x128xf32, #tpu.memory_space<vmem>>) target_semaphore(%arg13 : memref<!tpu.dma_semaphore, #tpu.memory_space<semaphore_mem>>)
      %dma_wait3A_1595 = arith.constant 0 : i32
      %dma_wait3A_1596 = arith.constant 0 : i32
      %dma_wait3A_1597 = arith.constant 0 : i32
      %dma_wait3A_1598 = tpu.memref_slice %arg9[%dma_wait3A_1595, %dma_wait3A_1596, %dma_wait3A_1597] : memref<8x32x128xf32, #tpu.memory_space<vmem>> -> memref<1x32x128xf32, #tpu.memory_space<vmem>>
      %dma_wait3A_1599 = tpu.memref_squeeze %dma_wait3A_1598 : memref<1x32x128xf32, #tpu.memory_space<vmem>> -> memref<32x128xf32, #tpu.memory_space<vmem>>
      %dma_wait3A_1600 = arith.constant 0 : i32
      %dma_wait3A_1601 = arith.constant 0 : i32
      %dma_wait3A_1602 = tpu.memref_slice %arg4[%dma_wait3A_1600, %dma_wait3A_1601] : memref<32x1000000xf32, #tpu.memory_space<hbm>> -> memref<32x128xf32, #tpu.memory_space<hbm>>
      %dma_wait3A_1603 = arith.constant 0 : i32
      %dma_wait3A_1604 = arith.constant 0 : i32
      %dma_wait3A_1605 = tpu.memref_slice %arg9[%dma_wait3A_1595, %dma_wait3A_1603, %dma_wait3A_1604] : memref<8x32x128xf32, #tpu.memory_space<vmem>> -> memref<1x32x128xf32, #tpu.memory_space<vmem>>
      %dma_wait3A_1606 = tpu.memref_squeeze %dma_wait3A_1605 : memref<1x32x128xf32, #tpu.memory_space<vmem>> -> memref<32x128xf32, #tpu.memory_space<vmem>>
      %dma_wait3A_1607 = arith.constant 0 : i32
      %dma_wait3A_1608 = arith.constant 0 : i32
      %dma_wait3A_1609 = tpu.memref_slice %arg4[%dma_wait3A_1607, %dma_wait3A_1608] : memref<32x1000000xf32, #tpu.memory_space<hbm>> -> memref<32x128xf32, #tpu.memory_space<hbm>>
      tpu.wait_dma2 semaphore(%arg12 : memref<!tpu.dma_semaphore, #tpu.memory_space<semaphore_mem>>) src(%dma_wait3A_1609 : memref<32x128xf32, #tpu.memory_space<hbm>>) dst(%dma_wait3A_1606 : memref<32x128xf32, #tpu.memory_space<vmem>>)
      %dma_wait3A_1610 = arith.constant 1 : i32
      %dma_wait3A_1611 = arith.constant 0 : i32
      %dma_wait3A_1612 = arith.constant 0 : i32
      %dma_wait3A_1613 = tpu.memref_slice %arg9[%dma_wait3A_1610, %dma_wait3A_1611, %dma_wait3A_1612] : memref<8x32x128xf32, #tpu.memory_space<vmem>> -> memref<1x32x128xf32, #tpu.memory_space<vmem>>
      %dma_wait3A_1614 = tpu.memref_squeeze %dma_wait3A_1613 : memref<1x32x128xf32, #tpu.memory_space<vmem>> -> memref<32x128xf32, #tpu.memory_space<vmem>>
      %dma_wait3A_1615 = arith.constant 0 : i32
      %dma_wait3A_1616 = arith.constant 0 : i32
      %dma_wait3A_1617 = tpu.memref_slice %arg4[%dma_wait3A_1615, %dma_wait3A_1616] : memref<32x1000000xf32, #tpu.memory_space<hbm>> -> memref<32x128xf32, #tpu.memory_space<hbm>>
      %dma_wait3A_1618 = arith.constant 0 : i32
      %dma_wait3A_1619 = arith.constant 0 : i32
      %dma_wait3A_1620 = tpu.memref_slice %arg9[%dma_wait3A_1610, %dma_wait3A_1618, %dma_wait3A_1619] : memref<8x32x128xf32, #tpu.memory_space<vmem>> -> memref<1x32x128xf32, #tpu.memory_space<vmem>>
      %dma_wait3A_1621 = tpu.memref_squeeze %dma_wait3A_1620 : memref<1x32x128xf32, #tpu.memory_space<vmem>> -> memref<32x128xf32, #tpu.memory_space<vmem>>
      %dma_wait3A_1622 = arith.constant 0 : i32
      %dma_wait3A_1623 = arith.constant 0 : i32
      %dma_wait3A_1624 = tpu.memref_slice %arg4[%dma_wait3A_1622, %dma_wait3A_1623] : memref<32x1000000xf32, #tpu.memory_space<hbm>> -> memref<32x128xf32, #tpu.memory_space<hbm>>
      tpu.wait_dma2 semaphore(%arg12 : memref<!tpu.dma_semaphore, #tpu.memory_space<semaphore_mem>>) src(%dma_wait3A_1624 : memref<32x128xf32, #tpu.memory_space<hbm>>) dst(%dma_wait3A_1621 : memref<32x128xf32, #tpu.memory_space<vmem>>)
      %dma_wait3A_1625 = arith.constant 2 : i32
      %dma_wait3A_1626 = arith.constant 0 : i32
      %dma_wait3A_1627 = arith.constant 0 : i32
      %dma_wait3A_1628 = tpu.memref_slice %arg9[%dma_wait3A_1625, %dma_wait3A_1626, %dma_wait3A_1627] : memref<8x32x128xf32, #tpu.memory_space<vmem>> -> memref<1x32x128xf32, #tpu.memory_space<vmem>>
      %dma_wait3A_1629 = tpu.memref_squeeze %dma_wait3A_1628 : memref<1x32x128xf32, #tpu.memory_space<vmem>> -> memref<32x128xf32, #tpu.memory_space<vmem>>
      %dma_wait3A_1630 = arith.constant 0 : i32
      %dma_wait3A_1631 = arith.constant 0 : i32
      %dma_wait3A_1632 = tpu.memref_slice %arg4[%dma_wait3A_1630, %dma_wait3A_1631] : memref<32x1000000xf32, #tpu.memory_space<hbm>> -> memref<32x128xf32, #tpu.memory_space<hbm>>
      %dma_wait3A_1633 = arith.constant 0 : i32
      %dma_wait3A_1634 = arith.constant 0 : i32
      %dma_wait3A_1635 = tpu.memref_slice %arg9[%dma_wait3A_1625, %dma_wait3A_1633, %dma_wait3A_1634] : memref<8x32x128xf32, #tpu.memory_space<vmem>> -> memref<1x32x128xf32, #tpu.memory_space<vmem>>
      %dma_wait3A_1636 = tpu.memref_squeeze %dma_wait3A_1635 : memref<1x32x128xf32, #tpu.memory_space<vmem>> -> memref<32x128xf32, #tpu.memory_space<vmem>>
      %dma_wait3A_1637 = arith.constant 0 : i32
      %dma_wait3A_1638 = arith.constant 0 : i32
      %dma_wait3A_1639 = tpu.memref_slice %arg4[%dma_wait3A_1637, %dma_wait3A_1638] : memref<32x1000000xf32, #tpu.memory_space<hbm>> -> memref<32x128xf32, #tpu.memory_space<hbm>>
      tpu.wait_dma2 semaphore(%arg12 : memref<!tpu.dma_semaphore, #tpu.memory_space<semaphore_mem>>) src(%dma_wait3A_1639 : memref<32x128xf32, #tpu.memory_space<hbm>>) dst(%dma_wait3A_1636 : memref<32x128xf32, #tpu.memory_space<vmem>>)
      %dma_wait3A_1640 = arith.constant 3 : i32
      %dma_wait3A_1641 = arith.constant 0 : i32
      %dma_wait3A_1642 = arith.constant 0 : i32
      %dma_wait3A_1643 = tpu.memref_slice %arg9[%dma_wait3A_1640, %dma_wait3A_1641, %dma_wait3A_1642] : memref<8x32x128xf32, #tpu.memory_space<vmem>> -> memref<1x32x128xf32, #tpu.memory_space<vmem>>
      %dma_wait3A_1644 = tpu.memref_squeeze %dma_wait3A_1643 : memref<1x32x128xf32, #tpu.memory_space<vmem>> -> memref<32x128xf32, #tpu.memory_space<vmem>>
      %dma_wait3A_1645 = arith.constant 0 : i32
      %dma_wait3A_1646 = arith.constant 0 : i32
      %dma_wait3A_1647 = tpu.memref_slice %arg4[%dma_wait3A_1645, %dma_wait3A_1646] : memref<32x1000000xf32, #tpu.memory_space<hbm>> -> memref<32x128xf32, #tpu.memory_space<hbm>>
      %dma_wait3A_1648 = arith.constant 0 : i32
      %dma_wait3A_1649 = arith.constant 0 : i32
      %dma_wait3A_1650 = tpu.memref_slice %arg9[%dma_wait3A_1640, %dma_wait3A_1648, %dma_wait3A_1649] : memref<8x32x128xf32, #tpu.memory_space<vmem>> -> memref<1x32x128xf32, #tpu.memory_space<vmem>>
      %dma_wait3A_1651 = tpu.memref_squeeze %dma_wait3A_1650 : memref<1x32x128xf32, #tpu.memory_space<vmem>> -> memref<32x128xf32, #tpu.memory_space<vmem>>
      %dma_wait3A_1652 = arith.constant 0 : i32
      %dma_wait3A_1653 = arith.constant 0 : i32
      %dma_wait3A_1654 = tpu.memref_slice %arg4[%dma_wait3A_1652, %dma_wait3A_1653] : memref<32x1000000xf32, #tpu.memory_space<hbm>> -> memref<32x128xf32, #tpu.memory_space<hbm>>
      tpu.wait_dma2 semaphore(%arg12 : memref<!tpu.dma_semaphore, #tpu.memory_space<semaphore_mem>>) src(%dma_wait3A_1654 : memref<32x128xf32, #tpu.memory_space<hbm>>) dst(%dma_wait3A_1651 : memref<32x128xf32, #tpu.memory_space<vmem>>)
      %dma_wait3A_1655 = arith.constant 4 : i32
      %dma_wait3A_1656 = arith.constant 0 : i32
      %dma_wait3A_1657 = arith.constant 0 : i32
      %dma_wait3A_1658 = tpu.memref_slice %arg9[%dma_wait3A_1655, %dma_wait3A_1656, %dma_wait3A_1657] : memref<8x32x128xf32, #tpu.memory_space<vmem>> -> memref<1x32x128xf32, #tpu.memory_space<vmem>>
      %dma_wait3A_1659 = tpu.memref_squeeze %dma_wait3A_1658 : memref<1x32x128xf32, #tpu.memory_space<vmem>> -> memref<32x128xf32, #tpu.memory_space<vmem>>
      %dma_wait3A_1660 = arith.constant 0 : i32
      %dma_wait3A_1661 = arith.constant 0 : i32
      %dma_wait3A_1662 = tpu.memref_slice %arg4[%dma_wait3A_1660, %dma_wait3A_1661] : memref<32x1000000xf32, #tpu.memory_space<hbm>> -> memref<32x128xf32, #tpu.memory_space<hbm>>
      %dma_wait3A_1663 = arith.constant 0 : i32
      %dma_wait3A_1664 = arith.constant 0 : i32
      %dma_wait3A_1665 = tpu.memref_slice %arg9[%dma_wait3A_1655, %dma_wait3A_1663, %dma_wait3A_1664] : memref<8x32x128xf32, #tpu.memory_space<vmem>> -> memref<1x32x128xf32, #tpu.memory_space<vmem>>
      %dma_wait3A_1666 = tpu.memref_squeeze %dma_wait3A_1665 : memref<1x32x128xf32, #tpu.memory_space<vmem>> -> memref<32x128xf32, #tpu.memory_space<vmem>>
      %dma_wait3A_1667 = arith.constant 0 : i32
      %dma_wait3A_1668 = arith.constant 0 : i32
      %dma_wait3A_1669 = tpu.memref_slice %arg4[%dma_wait3A_1667, %dma_wait3A_1668] : memref<32x1000000xf32, #tpu.memory_space<hbm>> -> memref<32x128xf32, #tpu.memory_space<hbm>>
      tpu.wait_dma2 semaphore(%arg12 : memref<!tpu.dma_semaphore, #tpu.memory_space<semaphore_mem>>) src(%dma_wait3A_1669 : memref<32x128xf32, #tpu.memory_space<hbm>>) dst(%dma_wait3A_1666 : memref<32x128xf32, #tpu.memory_space<vmem>>)
      %dma_wait3A_1670 = arith.constant 5 : i32
      %dma_wait3A_1671 = arith.constant 0 : i32
      %dma_wait3A_1672 = arith.constant 0 : i32
      %dma_wait3A_1673 = tpu.memref_slice %arg9[%dma_wait3A_1670, %dma_wait3A_1671, %dma_wait3A_1672] : memref<8x32x128xf32, #tpu.memory_space<vmem>> -> memref<1x32x128xf32, #tpu.memory_space<vmem>>
      %dma_wait3A_1674 = tpu.memref_squeeze %dma_wait3A_1673 : memref<1x32x128xf32, #tpu.memory_space<vmem>> -> memref<32x128xf32, #tpu.memory_space<vmem>>
      %dma_wait3A_1675 = arith.constant 0 : i32
      %dma_wait3A_1676 = arith.constant 0 : i32
      %dma_wait3A_1677 = tpu.memref_slice %arg4[%dma_wait3A_1675, %dma_wait3A_1676] : memref<32x1000000xf32, #tpu.memory_space<hbm>> -> memref<32x128xf32, #tpu.memory_space<hbm>>
      %dma_wait3A_1678 = arith.constant 0 : i32
      %dma_wait3A_1679 = arith.constant 0 : i32
      %dma_wait3A_1680 = tpu.memref_slice %arg9[%dma_wait3A_1670, %dma_wait3A_1678, %dma_wait3A_1679] : memref<8x32x128xf32, #tpu.memory_space<vmem>> -> memref<1x32x128xf32, #tpu.memory_space<vmem>>
      %dma_wait3A_1681 = tpu.memref_squeeze %dma_wait3A_1680 : memref<1x32x128xf32, #tpu.memory_space<vmem>> -> memref<32x128xf32, #tpu.memory_space<vmem>>
      %dma_wait3A_1682 = arith.constant 0 : i32
      %dma_wait3A_1683 = arith.constant 0 : i32
      %dma_wait3A_1684 = tpu.memref_slice %arg4[%dma_wait3A_1682, %dma_wait3A_1683] : memref<32x1000000xf32, #tpu.memory_space<hbm>> -> memref<32x128xf32, #tpu.memory_space<hbm>>
      tpu.wait_dma2 semaphore(%arg12 : memref<!tpu.dma_semaphore, #tpu.memory_space<semaphore_mem>>) src(%dma_wait3A_1684 : memref<32x128xf32, #tpu.memory_space<hbm>>) dst(%dma_wait3A_1681 : memref<32x128xf32, #tpu.memory_space<vmem>>)
      %dma_wait3A_1685 = arith.constant 6 : i32
      %dma_wait3A_1686 = arith.constant 0 : i32
      %dma_wait3A_1687 = arith.constant 0 : i32
      %dma_wait3A_1688 = tpu.memref_slice %arg9[%dma_wait3A_1685, %dma_wait3A_1686, %dma_wait3A_1687] : memref<8x32x128xf32, #tpu.memory_space<vmem>> -> memref<1x32x128xf32, #tpu.memory_space<vmem>>
      %dma_wait3A_1689 = tpu.memref_squeeze %dma_wait3A_1688 : memref<1x32x128xf32, #tpu.memory_space<vmem>> -> memref<32x128xf32, #tpu.memory_space<vmem>>
      %dma_wait3A_1690 = arith.constant 0 : i32
      %dma_wait3A_1691 = arith.constant 0 : i32
      %dma_wait3A_1692 = tpu.memref_slice %arg4[%dma_wait3A_1690, %dma_wait3A_1691] : memref<32x1000000xf32, #tpu.memory_space<hbm>> -> memref<32x128xf32, #tpu.memory_space<hbm>>
      %dma_wait3A_1693 = arith.constant 0 : i32
      %dma_wait3A_1694 = arith.constant 0 : i32
      %dma_wait3A_1695 = tpu.memref_slice %arg9[%dma_wait3A_1685, %dma_wait3A_1693, %dma_wait3A_1694] : memref<8x32x128xf32, #tpu.memory_space<vmem>> -> memref<1x32x128xf32, #tpu.memory_space<vmem>>
      %dma_wait3A_1696 = tpu.memref_squeeze %dma_wait3A_1695 : memref<1x32x128xf32, #tpu.memory_space<vmem>> -> memref<32x128xf32, #tpu.memory_space<vmem>>
      %dma_wait3A_1697 = arith.constant 0 : i32
      %dma_wait3A_1698 = arith.constant 0 : i32
      %dma_wait3A_1699 = tpu.memref_slice %arg4[%dma_wait3A_1697, %dma_wait3A_1698] : memref<32x1000000xf32, #tpu.memory_space<hbm>> -> memref<32x128xf32, #tpu.memory_space<hbm>>
      tpu.wait_dma2 semaphore(%arg12 : memref<!tpu.dma_semaphore, #tpu.memory_space<semaphore_mem>>) src(%dma_wait3A_1699 : memref<32x128xf32, #tpu.memory_space<hbm>>) dst(%dma_wait3A_1696 : memref<32x128xf32, #tpu.memory_space<vmem>>)
      %dma_wait3A_1700 = arith.constant 7 : i32
      %dma_wait3A_1701 = arith.constant 0 : i32
      %dma_wait3A_1702 = arith.constant 0 : i32
      %dma_wait3A_1703 = tpu.memref_slice %arg9[%dma_wait3A_1700, %dma_wait3A_1701, %dma_wait3A_1702] : memref<8x32x128xf32, #tpu.memory_space<vmem>> -> memref<1x32x128xf32, #tpu.memory_space<vmem>>
      %dma_wait3A_1704 = tpu.memref_squeeze %dma_wait3A_1703 : memref<1x32x128xf32, #tpu.memory_space<vmem>> -> memref<32x128xf32, #tpu.memory_space<vmem>>
      %dma_wait3A_1705 = arith.constant 0 : i32
      %dma_wait3A_1706 = arith.constant 0 : i32
      %dma_wait3A_1707 = tpu.memref_slice %arg4[%dma_wait3A_1705, %dma_wait3A_1706] : memref<32x1000000xf32, #tpu.memory_space<hbm>> -> memref<32x128xf32, #tpu.memory_space<hbm>>
      %dma_wait3A_1708 = arith.constant 0 : i32
      %dma_wait3A_1709 = arith.constant 0 : i32
      %dma_wait3A_1710 = tpu.memref_slice %arg9[%dma_wait3A_1700, %dma_wait3A_1708, %dma_wait3A_1709] : memref<8x32x128xf32, #tpu.memory_space<vmem>> -> memref<1x32x128xf32, #tpu.memory_space<vmem>>
      %dma_wait3A_1711 = tpu.memref_squeeze %dma_wait3A_1710 : memref<1x32x128xf32, #tpu.memory_space<vmem>> -> memref<32x128xf32, #tpu.memory_space<vmem>>
      %dma_wait3A_1712 = arith.constant 0 : i32
      %dma_wait3A_1713 = arith.constant 0 : i32
      %dma_wait3A_1714 = tpu.memref_slice %arg4[%dma_wait3A_1712, %dma_wait3A_1713] : memref<32x1000000xf32, #tpu.memory_space<hbm>> -> memref<32x128xf32, #tpu.memory_space<hbm>>
      tpu.wait_dma2 semaphore(%arg12 : memref<!tpu.dma_semaphore, #tpu.memory_space<semaphore_mem>>) src(%dma_wait3A_1714 : memref<32x128xf32, #tpu.memory_space<hbm>>) dst(%dma_wait3A_1711 : memref<32x128xf32, #tpu.memory_space<vmem>>)
      %mul3A_1715 = arith.constant 16 : i32
      %mul3A_1716 = arith.muli %scan3A_247, %mul3A_1715 : i32
      %add3A_1717 = arith.constant 8 : i32
      %add3A_1718 = arith.addi %mul3A_1716, %add3A_1717 : i32
      %broadcast_in_dim3A_1719 = arith.constant 0 : i32
      %broadcast_in_dim3A_1720 = vector.broadcast %broadcast_in_dim3A_1719 : i32 to vector<16xi32>
      %broadcast_in_dim3A_1721 = arith.constant 4 : i32
      %broadcast_in_dim3A_1722 = vector.broadcast %broadcast_in_dim3A_1721 : i32 to vector<16xi32>
      %slice3A_1723 = vector.extract_strided_slice %and3A_261 {offsets = [8], sizes = [1], strides = [1]} : vector<16xi32> to vector<1xi32>
      %squeeze3A_1724 = vector.extract %slice3A_1723[0] : i32 from vector<1xi32>
      %broadcast_in_dim3A_1725 = vector.broadcast %squeeze3A_1724 : i32 to vector<16xi32>
      %slice3A_1726 = vector.extract_strided_slice %and3A_267 {offsets = [8], sizes = [1], strides = [1]} : vector<16xi32> to vector<1xi32>
      %squeeze3A_1727 = vector.extract %slice3A_1726[0] : i32 from vector<1xi32>
      %broadcast_in_dim3A_1728 = vector.broadcast %squeeze3A_1727 : i32 to vector<16xi32>
      %gather3A_1729 = tpu.vector_load_idx %arg9[%broadcast_in_dim3A_1720, %iota3A, %broadcast_in_dim3A_1725] : memref<8x32x128xf32, #tpu.memory_space<vmem>>[vector<16xi32>, vector<16xi32>, vector<16xi32>], vector<16xf32>,
      %add3A_1730 = arith.constant 16 : i32
      %add3A_1731 = vector.broadcast %add3A_1730 : i32 to vector<16xi32>
      %add3A_1732 = arith.addi %iota3A, %add3A_1731 : vector<16xi32>
      %gather3A_1733 = tpu.vector_load_idx %arg9[%broadcast_in_dim3A_1720, %add3A_1732, %broadcast_in_dim3A_1725] : memref<8x32x128xf32, #tpu.memory_space<vmem>>[vector<16xi32>, vector<16xi32>, vector<16xi32>], vector<16xf32>,
      %gather3A_1734 = tpu.vector_load_idx %arg9[%broadcast_in_dim3A_1722, %iota3A, %broadcast_in_dim3A_1728] : memref<8x32x128xf32, #tpu.memory_space<vmem>>[vector<16xi32>, vector<16xi32>, vector<16xi32>], vector<16xf32>,
      %add3A_1735 = arith.constant 16 : i32
      %add3A_1736 = vector.broadcast %add3A_1735 : i32 to vector<16xi32>
      %add3A_1737 = arith.addi %iota3A, %add3A_1736 : vector<16xi32>
      %gather3A_1738 = tpu.vector_load_idx %arg9[%broadcast_in_dim3A_1722, %add3A_1737, %broadcast_in_dim3A_1728] : memref<8x32x128xf32, #tpu.memory_space<vmem>>[vector<16xi32>, vector<16xi32>, vector<16xi32>], vector<16xf32>,
      %add3A_1739 = arith.constant 0 : i32
      %add3A_1740 = arith.addi %add3A_1718, %add3A_1739 : i32
      %jit3A_1741 = arith.constant 4 : i32
      %div3A_1742 = arith.divsi %add3A_1740, %jit3A_1741 : i32
      %sign3A_1743 = arith.constant 0 : i32
      %sign3A_1744 = arith.cmpi sgt, %add3A_1740, %sign3A_1743 : i32
      %sign3A_1745 = arith.extui %sign3A_1744 : i1 to i32
      %sign3A_1746 = arith.constant 0 : i32
      %sign3A_1747 = arith.cmpi slt, %add3A_1740, %sign3A_1746 : i32
      %sign3A_1748 = arith.extui %sign3A_1747 : i1 to i32
      %sign3A_1749 = arith.subi %sign3A_1745, %sign3A_1748 : i32
      %sign3A_1750 = arith.constant 0 : i32
      %sign3A_1751 = arith.cmpi sgt, %jit3A_1741, %sign3A_1750 : i32
      %sign3A_1752 = arith.extui %sign3A_1751 : i1 to i32
      %sign3A_1753 = arith.constant 0 : i32
      %sign3A_1754 = arith.cmpi slt, %jit3A_1741, %sign3A_1753 : i32
      %sign3A_1755 = arith.extui %sign3A_1754 : i1 to i32
      %sign3A_1756 = arith.subi %sign3A_1752, %sign3A_1755 : i32
      %ne3A_1757 = arith.cmpi ne, %sign3A_1749, %sign3A_1756 : i32
      %rem3A_1758 = arith.remsi %add3A_1740, %jit3A_1741 : i32
      %ne3A_1759 = arith.constant 0 : i32
      %ne3A_1760 = arith.cmpi ne, %rem3A_1758, %ne3A_1759 : i32
      %and3A_1761 = arith.andi %ne3A_1757, %ne3A_1760 : i1
      %sub3A_1762 = arith.constant 1 : i32
      %sub3A_1763 = arith.subi %div3A_1742, %sub3A_1762 : i32
      %select_n3A_1764 = arith.select %and3A_1761, %sub3A_1763, %div3A_1742 : i32
      %broadcast_in_dim3A_1765 = vector.broadcast %select_n3A_1764 : i32 to vector<16xi32>
      %jit3A_1766 = arith.constant 4 : i32
      %eq3A_1767 = arith.constant 0 : i32
      %eq3A_1768 = arith.cmpi eq, %jit3A_1766, %eq3A_1767 : i32
      %jit3A_1769 = arith.constant 1 : i32
      %select_n3A_1770 = arith.select %eq3A_1768, %jit3A_1769, %jit3A_1766 : i32
      %rem3A_1771 = arith.remsi %add3A_1740, %select_n3A_1770 : i32
      %ne3A_1772 = arith.constant 0 : i32
      %ne3A_1773 = arith.cmpi ne, %rem3A_1771, %ne3A_1772 : i32
      %lt3A_1774 = arith.constant 0 : i32
      %lt3A_1775 = arith.cmpi slt, %rem3A_1771, %lt3A_1774 : i32
      %lt3A_1776 = arith.constant 0 : i32
      %lt3A_1777 = arith.cmpi slt, %select_n3A_1770, %lt3A_1776 : i32
      %ne3A_1778 = arith.xori %lt3A_1775, %lt3A_1777 : i1
      %and3A_1779 = arith.andi %ne3A_1778, %ne3A_1773 : i1
      %add3A_1780 = arith.addi %rem3A_1771, %select_n3A_1770 : i32
      %select_n3A_1781 = arith.select %and3A_1779, %add3A_1780, %rem3A_1771 : i32
      %mul3A_1782 = arith.constant 32 : i32
      %mul3A_1783 = arith.muli %select_n3A_1781, %mul3A_1782 : i32
      %add3A_1784 = vector.broadcast %mul3A_1783 : i32 to vector<16xi32>
      %add3A_1785 = arith.addi %add3A_1784, %iota3A : vector<16xi32>
      %mul3A_1786 = arith.mulf %gather3A_1729, %gather3A_1734 : vector<16xf32>
      tpu.vector_store_idx %arg11[%broadcast_in_dim3A_1765, %add3A_1785], %mul3A_1786 : memref<128x128xf32, #tpu.memory_space<vmem>>[vector<16xi32>, vector<16xi32>], vector<16xf32>,
      %add3A_1787 = arith.constant 16 : i32
      %add3A_1788 = vector.broadcast %add3A_1787 : i32 to vector<16xi32>
      %add3A_1789 = arith.addi %add3A_1785, %add3A_1788 : vector<16xi32>
      %mul3A_1790 = arith.mulf %gather3A_1733, %gather3A_1738 : vector<16xf32>
      tpu.vector_store_idx %arg11[%broadcast_in_dim3A_1765, %add3A_1789], %mul3A_1790 : memref<128x128xf32, #tpu.memory_space<vmem>>[vector<16xi32>, vector<16xi32>], vector<16xf32>,
      %broadcast_in_dim3A_1791 = arith.constant 1 : i32
      %broadcast_in_dim3A_1792 = vector.broadcast %broadcast_in_dim3A_1791 : i32 to vector<16xi32>
      %broadcast_in_dim3A_1793 = arith.constant 5 : i32
      %broadcast_in_dim3A_1794 = vector.broadcast %broadcast_in_dim3A_1793 : i32 to vector<16xi32>
      %slice3A_1795 = vector.extract_strided_slice %and3A_261 {offsets = [9], sizes = [1], strides = [1]} : vector<16xi32> to vector<1xi32>
      %squeeze3A_1796 = vector.extract %slice3A_1795[0] : i32 from vector<1xi32>
      %broadcast_in_dim3A_1797 = vector.broadcast %squeeze3A_1796 : i32 to vector<16xi32>
      %slice3A_1798 = vector.extract_strided_slice %and3A_267 {offsets = [9], sizes = [1], strides = [1]} : vector<16xi32> to vector<1xi32>
      %squeeze3A_1799 = vector.extract %slice3A_1798[0] : i32 from vector<1xi32>
      %broadcast_in_dim3A_1800 = vector.broadcast %squeeze3A_1799 : i32 to vector<16xi32>
      %gather3A_1801 = tpu.vector_load_idx %arg9[%broadcast_in_dim3A_1792, %iota3A, %broadcast_in_dim3A_1797] : memref<8x32x128xf32, #tpu.memory_space<vmem>>[vector<16xi32>, vector<16xi32>, vector<16xi32>], vector<16xf32>,
      %add3A_1802 = arith.constant 16 : i32
      %add3A_1803 = vector.broadcast %add3A_1802 : i32 to vector<16xi32>
      %add3A_1804 = arith.addi %iota3A, %add3A_1803 : vector<16xi32>
      %gather3A_1805 = tpu.vector_load_idx %arg9[%broadcast_in_dim3A_1792, %add3A_1804, %broadcast_in_dim3A_1797] : memref<8x32x128xf32, #tpu.memory_space<vmem>>[vector<16xi32>, vector<16xi32>, vector<16xi32>], vector<16xf32>,
      %gather3A_1806 = tpu.vector_load_idx %arg9[%broadcast_in_dim3A_1794, %iota3A, %broadcast_in_dim3A_1800] : memref<8x32x128xf32, #tpu.memory_space<vmem>>[vector<16xi32>, vector<16xi32>, vector<16xi32>], vector<16xf32>,
      %add3A_1807 = arith.constant 16 : i32
      %add3A_1808 = vector.broadcast %add3A_1807 : i32 to vector<16xi32>
      %add3A_1809 = arith.addi %iota3A, %add3A_1808 : vector<16xi32>
      %gather3A_1810 = tpu.vector_load_idx %arg9[%broadcast_in_dim3A_1794, %add3A_1809, %broadcast_in_dim3A_1800] : memref<8x32x128xf32, #tpu.memory_space<vmem>>[vector<16xi32>, vector<16xi32>, vector<16xi32>], vector<16xf32>,
      %add3A_1811 = arith.constant 1 : i32
      %add3A_1812 = arith.addi %add3A_1718, %add3A_1811 : i32
      %jit3A_1813 = arith.constant 4 : i32
      %div3A_1814 = arith.divsi %add3A_1812, %jit3A_1813 : i32
      %sign3A_1815 = arith.constant 0 : i32
      %sign3A_1816 = arith.cmpi sgt, %add3A_1812, %sign3A_1815 : i32
      %sign3A_1817 = arith.extui %sign3A_1816 : i1 to i32
      %sign3A_1818 = arith.constant 0 : i32
      %sign3A_1819 = arith.cmpi slt, %add3A_1812, %sign3A_1818 : i32
      %sign3A_1820 = arith.extui %sign3A_1819 : i1 to i32
      %sign3A_1821 = arith.subi %sign3A_1817, %sign3A_1820 : i32
      %sign3A_1822 = arith.constant 0 : i32
      %sign3A_1823 = arith.cmpi sgt, %jit3A_1813, %sign3A_1822 : i32
      %sign3A_1824 = arith.extui %sign3A_1823 : i1 to i32
      %sign3A_1825 = arith.constant 0 : i32
      %sign3A_1826 = arith.cmpi slt, %jit3A_1813, %sign3A_1825 : i32
      %sign3A_1827 = arith.extui %sign3A_1826 : i1 to i32
      %sign3A_1828 = arith.subi %sign3A_1824, %sign3A_1827 : i32
      %ne3A_1829 = arith.cmpi ne, %sign3A_1821, %sign3A_1828 : i32
      %rem3A_1830 = arith.remsi %add3A_1812, %jit3A_1813 : i32
      %ne3A_1831 = arith.constant 0 : i32
      %ne3A_1832 = arith.cmpi ne, %rem3A_1830, %ne3A_1831 : i32
      %and3A_1833 = arith.andi %ne3A_1829, %ne3A_1832 : i1
      %sub3A_1834 = arith.constant 1 : i32
      %sub3A_1835 = arith.subi %div3A_1814, %sub3A_1834 : i32
      %select_n3A_1836 = arith.select %and3A_1833, %sub3A_1835, %div3A_1814 : i32
      %broadcast_in_dim3A_1837 = vector.broadcast %select_n3A_1836 : i32 to vector<16xi32>
      %jit3A_1838 = arith.constant 4 : i32
      %eq3A_1839 = arith.constant 0 : i32
      %eq3A_1840 = arith.cmpi eq, %jit3A_1838, %eq3A_1839 : i32
      %jit3A_1841 = arith.constant 1 : i32
      %select_n3A_1842 = arith.select %eq3A_1840, %jit3A_1841, %jit3A_1838 : i32
      %rem3A_1843 = arith.remsi %add3A_1812, %select_n3A_1842 : i32
      %ne3A_1844 = arith.constant 0 : i32
      %ne3A_1845 = arith.cmpi ne, %rem3A_1843, %ne3A_1844 : i32
      %lt3A_1846 = arith.constant 0 : i32
      %lt3A_1847 = arith.cmpi slt, %rem3A_1843, %lt3A_1846 : i32
      %lt3A_1848 = arith.constant 0 : i32
      %lt3A_1849 = arith.cmpi slt, %select_n3A_1842, %lt3A_1848 : i32
      %ne3A_1850 = arith.xori %lt3A_1847, %lt3A_1849 : i1
      %and3A_1851 = arith.andi %ne3A_1850, %ne3A_1845 : i1
      %add3A_1852 = arith.addi %rem3A_1843, %select_n3A_1842 : i32
      %select_n3A_1853 = arith.select %and3A_1851, %add3A_1852, %rem3A_1843 : i32
      %mul3A_1854 = arith.constant 32 : i32
      %mul3A_1855 = arith.muli %select_n3A_1853, %mul3A_1854 : i32
      %add3A_1856 = vector.broadcast %mul3A_1855 : i32 to vector<16xi32>
      %add3A_1857 = arith.addi %add3A_1856, %iota3A : vector<16xi32>
      %mul3A_1858 = arith.mulf %gather3A_1801, %gather3A_1806 : vector<16xf32>
      tpu.vector_store_idx %arg11[%broadcast_in_dim3A_1837, %add3A_1857], %mul3A_1858 : memref<128x128xf32, #tpu.memory_space<vmem>>[vector<16xi32>, vector<16xi32>], vector<16xf32>,
      %add3A_1859 = arith.constant 16 : i32
      %add3A_1860 = vector.broadcast %add3A_1859 : i32 to vector<16xi32>
      %add3A_1861 = arith.addi %add3A_1857, %add3A_1860 : vector<16xi32>
      %mul3A_1862 = arith.mulf %gather3A_1805, %gather3A_1810 : vector<16xf32>
      tpu.vector_store_idx %arg11[%broadcast_in_dim3A_1837, %add3A_1861], %mul3A_1862 : memref<128x128xf32, #tpu.memory_space<vmem>>[vector<16xi32>, vector<16xi32>], vector<16xf32>,
      %broadcast_in_dim3A_1863 = arith.constant 2 : i32
      %broadcast_in_dim3A_1864 = vector.broadcast %broadcast_in_dim3A_1863 : i32 to vector<16xi32>
      %broadcast_in_dim3A_1865 = arith.constant 6 : i32
      %broadcast_in_dim3A_1866 = vector.broadcast %broadcast_in_dim3A_1865 : i32 to vector<16xi32>
      %slice3A_1867 = vector.extract_strided_slice %and3A_261 {offsets = [10], sizes = [1], strides = [1]} : vector<16xi32> to vector<1xi32>
      %squeeze3A_1868 = vector.extract %slice3A_1867[0] : i32 from vector<1xi32>
      %broadcast_in_dim3A_1869 = vector.broadcast %squeeze3A_1868 : i32 to vector<16xi32>
      %slice3A_1870 = vector.extract_strided_slice %and3A_267 {offsets = [10], sizes = [1], strides = [1]} : vector<16xi32> to vector<1xi32>
      %squeeze3A_1871 = vector.extract %slice3A_1870[0] : i32 from vector<1xi32>
      %broadcast_in_dim3A_1872 = vector.broadcast %squeeze3A_1871 : i32 to vector<16xi32>
      %gather3A_1873 = tpu.vector_load_idx %arg9[%broadcast_in_dim3A_1864, %iota3A, %broadcast_in_dim3A_1869] : memref<8x32x128xf32, #tpu.memory_space<vmem>>[vector<16xi32>, vector<16xi32>, vector<16xi32>], vector<16xf32>,
      %add3A_1874 = arith.constant 16 : i32
      %add3A_1875 = vector.broadcast %add3A_1874 : i32 to vector<16xi32>
      %add3A_1876 = arith.addi %iota3A, %add3A_1875 : vector<16xi32>
      %gather3A_1877 = tpu.vector_load_idx %arg9[%broadcast_in_dim3A_1864, %add3A_1876, %broadcast_in_dim3A_1869] : memref<8x32x128xf32, #tpu.memory_space<vmem>>[vector<16xi32>, vector<16xi32>, vector<16xi32>], vector<16xf32>,
      %gather3A_1878 = tpu.vector_load_idx %arg9[%broadcast_in_dim3A_1866, %iota3A, %broadcast_in_dim3A_1872] : memref<8x32x128xf32, #tpu.memory_space<vmem>>[vector<16xi32>, vector<16xi32>, vector<16xi32>], vector<16xf32>,
      %add3A_1879 = arith.constant 16 : i32
      %add3A_1880 = vector.broadcast %add3A_1879 : i32 to vector<16xi32>
      %add3A_1881 = arith.addi %iota3A, %add3A_1880 : vector<16xi32>
      %gather3A_1882 = tpu.vector_load_idx %arg9[%broadcast_in_dim3A_1866, %add3A_1881, %broadcast_in_dim3A_1872] : memref<8x32x128xf32, #tpu.memory_space<vmem>>[vector<16xi32>, vector<16xi32>, vector<16xi32>], vector<16xf32>,
      %add3A_1883 = arith.constant 2 : i32
      %add3A_1884 = arith.addi %add3A_1718, %add3A_1883 : i32
      %jit3A_1885 = arith.constant 4 : i32
      %div3A_1886 = arith.divsi %add3A_1884, %jit3A_1885 : i32
      %sign3A_1887 = arith.constant 0 : i32
      %sign3A_1888 = arith.cmpi sgt, %add3A_1884, %sign3A_1887 : i32
      %sign3A_1889 = arith.extui %sign3A_1888 : i1 to i32
      %sign3A_1890 = arith.constant 0 : i32
      %sign3A_1891 = arith.cmpi slt, %add3A_1884, %sign3A_1890 : i32
      %sign3A_1892 = arith.extui %sign3A_1891 : i1 to i32
      %sign3A_1893 = arith.subi %sign3A_1889, %sign3A_1892 : i32
      %sign3A_1894 = arith.constant 0 : i32
      %sign3A_1895 = arith.cmpi sgt, %jit3A_1885, %sign3A_1894 : i32
      %sign3A_1896 = arith.extui %sign3A_1895 : i1 to i32
      %sign3A_1897 = arith.constant 0 : i32
      %sign3A_1898 = arith.cmpi slt, %jit3A_1885, %sign3A_1897 : i32
      %sign3A_1899 = arith.extui %sign3A_1898 : i1 to i32
      %sign3A_1900 = arith.subi %sign3A_1896, %sign3A_1899 : i32
      %ne3A_1901 = arith.cmpi ne, %sign3A_1893, %sign3A_1900 : i32
      %rem3A_1902 = arith.remsi %add3A_1884, %jit3A_1885 : i32
      %ne3A_1903 = arith.constant 0 : i32
      %ne3A_1904 = arith.cmpi ne, %rem3A_1902, %ne3A_1903 : i32
      %and3A_1905 = arith.andi %ne3A_1901, %ne3A_1904 : i1
      %sub3A_1906 = arith.constant 1 : i32
      %sub3A_1907 = arith.subi %div3A_1886, %sub3A_1906 : i32
      %select_n3A_1908 = arith.select %and3A_1905, %sub3A_1907, %div3A_1886 : i32
      %broadcast_in_dim3A_1909 = vector.broadcast %select_n3A_1908 : i32 to vector<16xi32>
      %jit3A_1910 = arith.constant 4 : i32
      %eq3A_1911 = arith.constant 0 : i32
      %eq3A_1912 = arith.cmpi eq, %jit3A_1910, %eq3A_1911 : i32
      %jit3A_1913 = arith.constant 1 : i32
      %select_n3A_1914 = arith.select %eq3A_1912, %jit3A_1913, %jit3A_1910 : i32
      %rem3A_1915 = arith.remsi %add3A_1884, %select_n3A_1914 : i32
      %ne3A_1916 = arith.constant 0 : i32
      %ne3A_1917 = arith.cmpi ne, %rem3A_1915, %ne3A_1916 : i32
      %lt3A_1918 = arith.constant 0 : i32
      %lt3A_1919 = arith.cmpi slt, %rem3A_1915, %lt3A_1918 : i32
      %lt3A_1920 = arith.constant 0 : i32
      %lt3A_1921 = arith.cmpi slt, %select_n3A_1914, %lt3A_1920 : i32
      %ne3A_1922 = arith.xori %lt3A_1919, %lt3A_1921 : i1
      %and3A_1923 = arith.andi %ne3A_1922, %ne3A_1917 : i1
      %add3A_1924 = arith.addi %rem3A_1915, %select_n3A_1914 : i32
      %select_n3A_1925 = arith.select %and3A_1923, %add3A_1924, %rem3A_1915 : i32
      %mul3A_1926 = arith.constant 32 : i32
      %mul3A_1927 = arith.muli %select_n3A_1925, %mul3A_1926 : i32
      %add3A_1928 = vector.broadcast %mul3A_1927 : i32 to vector<16xi32>
      %add3A_1929 = arith.addi %add3A_1928, %iota3A : vector<16xi32>
      %mul3A_1930 = arith.mulf %gather3A_1873, %gather3A_1878 : vector<16xf32>
      tpu.vector_store_idx %arg11[%broadcast_in_dim3A_1909, %add3A_1929], %mul3A_1930 : memref<128x128xf32, #tpu.memory_space<vmem>>[vector<16xi32>, vector<16xi32>], vector<16xf32>,
      %add3A_1931 = arith.constant 16 : i32
      %add3A_1932 = vector.broadcast %add3A_1931 : i32 to vector<16xi32>
      %add3A_1933 = arith.addi %add3A_1929, %add3A_1932 : vector<16xi32>
      %mul3A_1934 = arith.mulf %gather3A_1877, %gather3A_1882 : vector<16xf32>
      tpu.vector_store_idx %arg11[%broadcast_in_dim3A_1909, %add3A_1933], %mul3A_1934 : memref<128x128xf32, #tpu.memory_space<vmem>>[vector<16xi32>, vector<16xi32>], vector<16xf32>,
      %broadcast_in_dim3A_1935 = arith.constant 3 : i32
      %broadcast_in_dim3A_1936 = vector.broadcast %broadcast_in_dim3A_1935 : i32 to vector<16xi32>
      %broadcast_in_dim3A_1937 = arith.constant 7 : i32
      %broadcast_in_dim3A_1938 = vector.broadcast %broadcast_in_dim3A_1937 : i32 to vector<16xi32>
      %slice3A_1939 = vector.extract_strided_slice %and3A_261 {offsets = [11], sizes = [1], strides = [1]} : vector<16xi32> to vector<1xi32>
      %squeeze3A_1940 = vector.extract %slice3A_1939[0] : i32 from vector<1xi32>
      %broadcast_in_dim3A_1941 = vector.broadcast %squeeze3A_1940 : i32 to vector<16xi32>
      %slice3A_1942 = vector.extract_strided_slice %and3A_267 {offsets = [11], sizes = [1], strides = [1]} : vector<16xi32> to vector<1xi32>
      %squeeze3A_1943 = vector.extract %slice3A_1942[0] : i32 from vector<1xi32>
      %broadcast_in_dim3A_1944 = vector.broadcast %squeeze3A_1943 : i32 to vector<16xi32>
      %gather3A_1945 = tpu.vector_load_idx %arg9[%broadcast_in_dim3A_1936, %iota3A, %broadcast_in_dim3A_1941] : memref<8x32x128xf32, #tpu.memory_space<vmem>>[vector<16xi32>, vector<16xi32>, vector<16xi32>], vector<16xf32>,
      %add3A_1946 = arith.constant 16 : i32
      %add3A_1947 = vector.broadcast %add3A_1946 : i32 to vector<16xi32>
      %add3A_1948 = arith.addi %iota3A, %add3A_1947 : vector<16xi32>
      %gather3A_1949 = tpu.vector_load_idx %arg9[%broadcast_in_dim3A_1936, %add3A_1948, %broadcast_in_dim3A_1941] : memref<8x32x128xf32, #tpu.memory_space<vmem>>[vector<16xi32>, vector<16xi32>, vector<16xi32>], vector<16xf32>,
      %gather3A_1950 = tpu.vector_load_idx %arg9[%broadcast_in_dim3A_1938, %iota3A, %broadcast_in_dim3A_1944] : memref<8x32x128xf32, #tpu.memory_space<vmem>>[vector<16xi32>, vector<16xi32>, vector<16xi32>], vector<16xf32>,
      %add3A_1951 = arith.constant 16 : i32
      %add3A_1952 = vector.broadcast %add3A_1951 : i32 to vector<16xi32>
      %add3A_1953 = arith.addi %iota3A, %add3A_1952 : vector<16xi32>
      %gather3A_1954 = tpu.vector_load_idx %arg9[%broadcast_in_dim3A_1938, %add3A_1953, %broadcast_in_dim3A_1944] : memref<8x32x128xf32, #tpu.memory_space<vmem>>[vector<16xi32>, vector<16xi32>, vector<16xi32>], vector<16xf32>,
      %add3A_1955 = arith.constant 3 : i32
      %add3A_1956 = arith.addi %add3A_1718, %add3A_1955 : i32
      %jit3A_1957 = arith.constant 4 : i32
      %div3A_1958 = arith.divsi %add3A_1956, %jit3A_1957 : i32
      %sign3A_1959 = arith.constant 0 : i32
      %sign3A_1960 = arith.cmpi sgt, %add3A_1956, %sign3A_1959 : i32
      %sign3A_1961 = arith.extui %sign3A_1960 : i1 to i32
      %sign3A_1962 = arith.constant 0 : i32
      %sign3A_1963 = arith.cmpi slt, %add3A_1956, %sign3A_1962 : i32
      %sign3A_1964 = arith.extui %sign3A_1963 : i1 to i32
      %sign3A_1965 = arith.subi %sign3A_1961, %sign3A_1964 : i32
      %sign3A_1966 = arith.constant 0 : i32
      %sign3A_1967 = arith.cmpi sgt, %jit3A_1957, %sign3A_1966 : i32
      %sign3A_1968 = arith.extui %sign3A_1967 : i1 to i32
      %sign3A_1969 = arith.constant 0 : i32
      %sign3A_1970 = arith.cmpi slt, %jit3A_1957, %sign3A_1969 : i32
      %sign3A_1971 = arith.extui %sign3A_1970 : i1 to i32
      %sign3A_1972 = arith.subi %sign3A_1968, %sign3A_1971 : i32
      %ne3A_1973 = arith.cmpi ne, %sign3A_1965, %sign3A_1972 : i32
      %rem3A_1974 = arith.remsi %add3A_1956, %jit3A_1957 : i32
      %ne3A_1975 = arith.constant 0 : i32
      %ne3A_1976 = arith.cmpi ne, %rem3A_1974, %ne3A_1975 : i32
      %and3A_1977 = arith.andi %ne3A_1973, %ne3A_1976 : i1
      %sub3A_1978 = arith.constant 1 : i32
      %sub3A_1979 = arith.subi %div3A_1958, %sub3A_1978 : i32
      %select_n3A_1980 = arith.select %and3A_1977, %sub3A_1979, %div3A_1958 : i32
      %broadcast_in_dim3A_1981 = vector.broadcast %select_n3A_1980 : i32 to vector<16xi32>
      %jit3A_1982 = arith.constant 4 : i32
      %eq3A_1983 = arith.constant 0 : i32
      %eq3A_1984 = arith.cmpi eq, %jit3A_1982, %eq3A_1983 : i32
      %jit3A_1985 = arith.constant 1 : i32
      %select_n3A_1986 = arith.select %eq3A_1984, %jit3A_1985, %jit3A_1982 : i32
      %rem3A_1987 = arith.remsi %add3A_1956, %select_n3A_1986 : i32
      %ne3A_1988 = arith.constant 0 : i32
      %ne3A_1989 = arith.cmpi ne, %rem3A_1987, %ne3A_1988 : i32
      %lt3A_1990 = arith.constant 0 : i32
      %lt3A_1991 = arith.cmpi slt, %rem3A_1987, %lt3A_1990 : i32
      %lt3A_1992 = arith.constant 0 : i32
      %lt3A_1993 = arith.cmpi slt, %select_n3A_1986, %lt3A_1992 : i32
      %ne3A_1994 = arith.xori %lt3A_1991, %lt3A_1993 : i1
      %and3A_1995 = arith.andi %ne3A_1994, %ne3A_1989 : i1
      %add3A_1996 = arith.addi %rem3A_1987, %select_n3A_1986 : i32
      %select_n3A_1997 = arith.select %and3A_1995, %add3A_1996, %rem3A_1987 : i32
      %mul3A_1998 = arith.constant 32 : i32
      %mul3A_1999 = arith.muli %select_n3A_1997, %mul3A_1998 : i32
      %add3A_2000 = vector.broadcast %mul3A_1999 : i32 to vector<16xi32>
      %add3A_2001 = arith.addi %add3A_2000, %iota3A : vector<16xi32>
      %mul3A_2002 = arith.mulf %gather3A_1945, %gather3A_1950 : vector<16xf32>
      tpu.vector_store_idx %arg11[%broadcast_in_dim3A_1981, %add3A_2001], %mul3A_2002 : memref<128x128xf32, #tpu.memory_space<vmem>>[vector<16xi32>, vector<16xi32>], vector<16xf32>,
      %add3A_2003 = arith.constant 16 : i32
      %add3A_2004 = vector.broadcast %add3A_2003 : i32 to vector<16xi32>
      %add3A_2005 = arith.addi %add3A_2001, %add3A_2004 : vector<16xi32>
      %mul3A_2006 = arith.mulf %gather3A_1949, %gather3A_1954 : vector<16xf32>
      tpu.vector_store_idx %arg11[%broadcast_in_dim3A_1981, %add3A_2005], %mul3A_2006 : memref<128x128xf32, #tpu.memory_space<vmem>>[vector<16xi32>, vector<16xi32>], vector<16xf32>,
      scf.yield %and3A_261, %and3A_267 : vector<16xi32>, vector<16xi32>
    }
    %scan3A_8 = arith.constant 32 : i32
    %dma_wait3A = arith.constant 0 : i32
    %dma_wait3A_9 = arith.constant 0 : i32
    %dma_wait3A_10 = arith.constant 0 : i32
    %dma_wait3A_11 = tpu.memref_slice %arg10[%dma_wait3A, %dma_wait3A_9, %dma_wait3A_10] : memref<8x32x128xf32, #tpu.memory_space<vmem>> -> memref<1x32x128xf32, #tpu.memory_space<vmem>>
    %dma_wait3A_12 = tpu.memref_squeeze %dma_wait3A_11 : memref<1x32x128xf32, #tpu.memory_space<vmem>> -> memref<32x128xf32, #tpu.memory_space<vmem>>
    %dma_wait3A_13 = arith.constant 0 : i32
    %dma_wait3A_14 = arith.constant 0 : i32
    %dma_wait3A_15 = tpu.memref_slice %arg4[%dma_wait3A_13, %dma_wait3A_14] : memref<32x1000000xf32, #tpu.memory_space<hbm>> -> memref<32x128xf32, #tpu.memory_space<hbm>>
    %dma_wait3A_16 = arith.constant 0 : i32
    %dma_wait3A_17 = arith.constant 0 : i32
    %dma_wait3A_18 = tpu.memref_slice %arg10[%dma_wait3A, %dma_wait3A_16, %dma_wait3A_17] : memref<8x32x128xf32, #tpu.memory_space<vmem>> -> memref<1x32x128xf32, #tpu.memory_space<vmem>>
    %dma_wait3A_19 = tpu.memref_squeeze %dma_wait3A_18 : memref<1x32x128xf32, #tpu.memory_space<vmem>> -> memref<32x128xf32, #tpu.memory_space<vmem>>
    %dma_wait3A_20 = arith.constant 0 : i32
    %dma_wait3A_21 = arith.constant 0 : i32
    %dma_wait3A_22 = tpu.memref_slice %arg4[%dma_wait3A_20, %dma_wait3A_21] : memref<32x1000000xf32, #tpu.memory_space<hbm>> -> memref<32x128xf32, #tpu.memory_space<hbm>>
    tpu.wait_dma2 semaphore(%arg13 : memref<!tpu.dma_semaphore, #tpu.memory_space<semaphore_mem>>) src(%dma_wait3A_22 : memref<32x128xf32, #tpu.memory_space<hbm>>) dst(%dma_wait3A_19 : memref<32x128xf32, #tpu.memory_space<vmem>>)
    %dma_wait3A_23 = arith.constant 1 : i32
    %dma_wait3A_24 = arith.constant 0 : i32
    %dma_wait3A_25 = arith.constant 0 : i32
    %dma_wait3A_26 = tpu.memref_slice %arg10[%dma_wait3A_23, %dma_wait3A_24, %dma_wait3A_25] : memref<8x32x128xf32, #tpu.memory_space<vmem>> -> memref<1x32x128xf32, #tpu.memory_space<vmem>>
    %dma_wait3A_27 = tpu.memref_squeeze %dma_wait3A_26 : memref<1x32x128xf32, #tpu.memory_space<vmem>> -> memref<32x128xf32, #tpu.memory_space<vmem>>
    %dma_wait3A_28 = arith.constant 0 : i32
    %dma_wait3A_29 = arith.constant 0 : i32
    %dma_wait3A_30 = tpu.memref_slice %arg4[%dma_wait3A_28, %dma_wait3A_29] : memref<32x1000000xf32, #tpu.memory_space<hbm>> -> memref<32x128xf32, #tpu.memory_space<hbm>>
    %dma_wait3A_31 = arith.constant 0 : i32
    %dma_wait3A_32 = arith.constant 0 : i32
    %dma_wait3A_33 = tpu.memref_slice %arg10[%dma_wait3A_23, %dma_wait3A_31, %dma_wait3A_32] : memref<8x32x128xf32, #tpu.memory_space<vmem>> -> memref<1x32x128xf32, #tpu.memory_space<vmem>>
    %dma_wait3A_34 = tpu.memref_squeeze %dma_wait3A_33 : memref<1x32x128xf32, #tpu.memory_space<vmem>> -> memref<32x128xf32, #tpu.memory_space<vmem>>
    %dma_wait3A_35 = arith.constant 0 : i32
    %dma_wait3A_36 = arith.constant 0 : i32
    %dma_wait3A_37 = tpu.memref_slice %arg4[%dma_wait3A_35, %dma_wait3A_36] : memref<32x1000000xf32, #tpu.memory_space<hbm>> -> memref<32x128xf32, #tpu.memory_space<hbm>>
    tpu.wait_dma2 semaphore(%arg13 : memref<!tpu.dma_semaphore, #tpu.memory_space<semaphore_mem>>) src(%dma_wait3A_37 : memref<32x128xf32, #tpu.memory_space<hbm>>) dst(%dma_wait3A_34 : memref<32x128xf32, #tpu.memory_space<vmem>>)
    %dma_wait3A_38 = arith.constant 2 : i32
    %dma_wait3A_39 = arith.constant 0 : i32
    %dma_wait3A_40 = arith.constant 0 : i32
    %dma_wait3A_41 = tpu.memref_slice %arg10[%dma_wait3A_38, %dma_wait3A_39, %dma_wait3A_40] : memref<8x32x128xf32, #tpu.memory_space<vmem>> -> memref<1x32x128xf32, #tpu.memory_space<vmem>>
    %dma_wait3A_42 = tpu.memref_squeeze %dma_wait3A_41 : memref<1x32x128xf32, #tpu.memory_space<vmem>> -> memref<32x128xf32, #tpu.memory_space<vmem>>
    %dma_wait3A_43 = arith.constant 0 : i32
    %dma_wait3A_44 = arith.constant 0 : i32
    %dma_wait3A_45 = tpu.memref_slice %arg4[%dma_wait3A_43, %dma_wait3A_44] : memref<32x1000000xf32, #tpu.memory_space<hbm>> -> memref<32x128xf32, #tpu.memory_space<hbm>>
    %dma_wait3A_46 = arith.constant 0 : i32
    %dma_wait3A_47 = arith.constant 0 : i32
    %dma_wait3A_48 = tpu.memref_slice %arg10[%dma_wait3A_38, %dma_wait3A_46, %dma_wait3A_47] : memref<8x32x128xf32, #tpu.memory_space<vmem>> -> memref<1x32x128xf32, #tpu.memory_space<vmem>>
    %dma_wait3A_49 = tpu.memref_squeeze %dma_wait3A_48 : memref<1x32x128xf32, #tpu.memory_space<vmem>> -> memref<32x128xf32, #tpu.memory_space<vmem>>
    %dma_wait3A_50 = arith.constant 0 : i32
    %dma_wait3A_51 = arith.constant 0 : i32
    %dma_wait3A_52 = tpu.memref_slice %arg4[%dma_wait3A_50, %dma_wait3A_51] : memref<32x1000000xf32, #tpu.memory_space<hbm>> -> memref<32x128xf32, #tpu.memory_space<hbm>>
    tpu.wait_dma2 semaphore(%arg13 : memref<!tpu.dma_semaphore, #tpu.memory_space<semaphore_mem>>) src(%dma_wait3A_52 : memref<32x128xf32, #tpu.memory_space<hbm>>) dst(%dma_wait3A_49 : memref<32x128xf32, #tpu.memory_space<vmem>>)
    %dma_wait3A_53 = arith.constant 3 : i32
    %dma_wait3A_54 = arith.constant 0 : i32
    %dma_wait3A_55 = arith.constant 0 : i32
    %dma_wait3A_56 = tpu.memref_slice %arg10[%dma_wait3A_53, %dma_wait3A_54, %dma_wait3A_55] : memref<8x32x128xf32, #tpu.memory_space<vmem>> -> memref<1x32x128xf32, #tpu.memory_space<vmem>>
    %dma_wait3A_57 = tpu.memref_squeeze %dma_wait3A_56 : memref<1x32x128xf32, #tpu.memory_space<vmem>> -> memref<32x128xf32, #tpu.memory_space<vmem>>
    %dma_wait3A_58 = arith.constant 0 : i32
    %dma_wait3A_59 = arith.constant 0 : i32
    %dma_wait3A_60 = tpu.memref_slice %arg4[%dma_wait3A_58, %dma_wait3A_59] : memref<32x1000000xf32, #tpu.memory_space<hbm>> -> memref<32x128xf32, #tpu.memory_space<hbm>>
    %dma_wait3A_61 = arith.constant 0 : i32
    %dma_wait3A_62 = arith.constant 0 : i32
    %dma_wait3A_63 = tpu.memref_slice %arg10[%dma_wait3A_53, %dma_wait3A_61, %dma_wait3A_62] : memref<8x32x128xf32, #tpu.memory_space<vmem>> -> memref<1x32x128xf32, #tpu.memory_space<vmem>>
    %dma_wait3A_64 = tpu.memref_squeeze %dma_wait3A_63 : memref<1x32x128xf32, #tpu.memory_space<vmem>> -> memref<32x128xf32, #tpu.memory_space<vmem>>
    %dma_wait3A_65 = arith.constant 0 : i32
    %dma_wait3A_66 = arith.constant 0 : i32
    %dma_wait3A_67 = tpu.memref_slice %arg4[%dma_wait3A_65, %dma_wait3A_66] : memref<32x1000000xf32, #tpu.memory_space<hbm>> -> memref<32x128xf32, #tpu.memory_space<hbm>>
    tpu.wait_dma2 semaphore(%arg13 : memref<!tpu.dma_semaphore, #tpu.memory_space<semaphore_mem>>) src(%dma_wait3A_67 : memref<32x128xf32, #tpu.memory_space<hbm>>) dst(%dma_wait3A_64 : memref<32x128xf32, #tpu.memory_space<vmem>>)
    %dma_wait3A_68 = arith.constant 4 : i32
    %dma_wait3A_69 = arith.constant 0 : i32
    %dma_wait3A_70 = arith.constant 0 : i32
    %dma_wait3A_71 = tpu.memref_slice %arg10[%dma_wait3A_68, %dma_wait3A_69, %dma_wait3A_70] : memref<8x32x128xf32, #tpu.memory_space<vmem>> -> memref<1x32x128xf32, #tpu.memory_space<vmem>>
    %dma_wait3A_72 = tpu.memref_squeeze %dma_wait3A_71 : memref<1x32x128xf32, #tpu.memory_space<vmem>> -> memref<32x128xf32, #tpu.memory_space<vmem>>
    %dma_wait3A_73 = arith.constant 0 : i32
    %dma_wait3A_74 = arith.constant 0 : i32
    %dma_wait3A_75 = tpu.memref_slice %arg4[%dma_wait3A_73, %dma_wait3A_74] : memref<32x1000000xf32, #tpu.memory_space<hbm>> -> memref<32x128xf32, #tpu.memory_space<hbm>>
    %dma_wait3A_76 = arith.constant 0 : i32
    %dma_wait3A_77 = arith.constant 0 : i32
    %dma_wait3A_78 = tpu.memref_slice %arg10[%dma_wait3A_68, %dma_wait3A_76, %dma_wait3A_77] : memref<8x32x128xf32, #tpu.memory_space<vmem>> -> memref<1x32x128xf32, #tpu.memory_space<vmem>>
    %dma_wait3A_79 = tpu.memref_squeeze %dma_wait3A_78 : memref<1x32x128xf32, #tpu.memory_space<vmem>> -> memref<32x128xf32, #tpu.memory_space<vmem>>
    %dma_wait3A_80 = arith.constant 0 : i32
    %dma_wait3A_81 = arith.constant 0 : i32
    %dma_wait3A_82 = tpu.memref_slice %arg4[%dma_wait3A_80, %dma_wait3A_81] : memref<32x1000000xf32, #tpu.memory_space<hbm>> -> memref<32x128xf32, #tpu.memory_space<hbm>>
    tpu.wait_dma2 semaphore(%arg13 : memref<!tpu.dma_semaphore, #tpu.memory_space<semaphore_mem>>) src(%dma_wait3A_82 : memref<32x128xf32, #tpu.memory_space<hbm>>) dst(%dma_wait3A_79 : memref<32x128xf32, #tpu.memory_space<vmem>>)
    %dma_wait3A_83 = arith.constant 5 : i32
    %dma_wait3A_84 = arith.constant 0 : i32
    %dma_wait3A_85 = arith.constant 0 : i32
    %dma_wait3A_86 = tpu.memref_slice %arg10[%dma_wait3A_83, %dma_wait3A_84, %dma_wait3A_85] : memref<8x32x128xf32, #tpu.memory_space<vmem>> -> memref<1x32x128xf32, #tpu.memory_space<vmem>>
    %dma_wait3A_87 = tpu.memref_squeeze %dma_wait3A_86 : memref<1x32x128xf32, #tpu.memory_space<vmem>> -> memref<32x128xf32, #tpu.memory_space<vmem>>
    %dma_wait3A_88 = arith.constant 0 : i32
    %dma_wait3A_89 = arith.constant 0 : i32
    %dma_wait3A_90 = tpu.memref_slice %arg4[%dma_wait3A_88, %dma_wait3A_89] : memref<32x1000000xf32, #tpu.memory_space<hbm>> -> memref<32x128xf32, #tpu.memory_space<hbm>>
    %dma_wait3A_91 = arith.constant 0 : i32
    %dma_wait3A_92 = arith.constant 0 : i32
    %dma_wait3A_93 = tpu.memref_slice %arg10[%dma_wait3A_83, %dma_wait3A_91, %dma_wait3A_92] : memref<8x32x128xf32, #tpu.memory_space<vmem>> -> memref<1x32x128xf32, #tpu.memory_space<vmem>>
    %dma_wait3A_94 = tpu.memref_squeeze %dma_wait3A_93 : memref<1x32x128xf32, #tpu.memory_space<vmem>> -> memref<32x128xf32, #tpu.memory_space<vmem>>
    %dma_wait3A_95 = arith.constant 0 : i32
    %dma_wait3A_96 = arith.constant 0 : i32
    %dma_wait3A_97 = tpu.memref_slice %arg4[%dma_wait3A_95, %dma_wait3A_96] : memref<32x1000000xf32, #tpu.memory_space<hbm>> -> memref<32x128xf32, #tpu.memory_space<hbm>>
    tpu.wait_dma2 semaphore(%arg13 : memref<!tpu.dma_semaphore, #tpu.memory_space<semaphore_mem>>) src(%dma_wait3A_97 : memref<32x128xf32, #tpu.memory_space<hbm>>) dst(%dma_wait3A_94 : memref<32x128xf32, #tpu.memory_space<vmem>>)
    %dma_wait3A_98 = arith.constant 6 : i32
    %dma_wait3A_99 = arith.constant 0 : i32
    %dma_wait3A_100 = arith.constant 0 : i32
    %dma_wait3A_101 = tpu.memref_slice %arg10[%dma_wait3A_98, %dma_wait3A_99, %dma_wait3A_100] : memref<8x32x128xf32, #tpu.memory_space<vmem>> -> memref<1x32x128xf32, #tpu.memory_space<vmem>>
    %dma_wait3A_102 = tpu.memref_squeeze %dma_wait3A_101 : memref<1x32x128xf32, #tpu.memory_space<vmem>> -> memref<32x128xf32, #tpu.memory_space<vmem>>
    %dma_wait3A_103 = arith.constant 0 : i32
    %dma_wait3A_104 = arith.constant 0 : i32
    %dma_wait3A_105 = tpu.memref_slice %arg4[%dma_wait3A_103, %dma_wait3A_104] : memref<32x1000000xf32, #tpu.memory_space<hbm>> -> memref<32x128xf32, #tpu.memory_space<hbm>>
    %dma_wait3A_106 = arith.constant 0 : i32
    %dma_wait3A_107 = arith.constant 0 : i32
    %dma_wait3A_108 = tpu.memref_slice %arg10[%dma_wait3A_98, %dma_wait3A_106, %dma_wait3A_107] : memref<8x32x128xf32, #tpu.memory_space<vmem>> -> memref<1x32x128xf32, #tpu.memory_space<vmem>>
    %dma_wait3A_109 = tpu.memref_squeeze %dma_wait3A_108 : memref<1x32x128xf32, #tpu.memory_space<vmem>> -> memref<32x128xf32, #tpu.memory_space<vmem>>
    %dma_wait3A_110 = arith.constant 0 : i32
    %dma_wait3A_111 = arith.constant 0 : i32
    %dma_wait3A_112 = tpu.memref_slice %arg4[%dma_wait3A_110, %dma_wait3A_111] : memref<32x1000000xf32, #tpu.memory_space<hbm>> -> memref<32x128xf32, #tpu.memory_space<hbm>>
    tpu.wait_dma2 semaphore(%arg13 : memref<!tpu.dma_semaphore, #tpu.memory_space<semaphore_mem>>) src(%dma_wait3A_112 : memref<32x128xf32, #tpu.memory_space<hbm>>) dst(%dma_wait3A_109 : memref<32x128xf32, #tpu.memory_space<vmem>>)
    %dma_wait3A_113 = arith.constant 7 : i32
    %dma_wait3A_114 = arith.constant 0 : i32
    %dma_wait3A_115 = arith.constant 0 : i32
    %dma_wait3A_116 = tpu.memref_slice %arg10[%dma_wait3A_113, %dma_wait3A_114, %dma_wait3A_115] : memref<8x32x128xf32, #tpu.memory_space<vmem>> -> memref<1x32x128xf32, #tpu.memory_space<vmem>>
    %dma_wait3A_117 = tpu.memref_squeeze %dma_wait3A_116 : memref<1x32x128xf32, #tpu.memory_space<vmem>> -> memref<32x128xf32, #tpu.memory_space<vmem>>
    %dma_wait3A_118 = arith.constant 0 : i32
    %dma_wait3A_119 = arith.constant 0 : i32
    %dma_wait3A_120 = tpu.memref_slice %arg4[%dma_wait3A_118, %dma_wait3A_119] : memref<32x1000000xf32, #tpu.memory_space<hbm>> -> memref<32x128xf32, #tpu.memory_space<hbm>>
    %dma_wait3A_121 = arith.constant 0 : i32
    %dma_wait3A_122 = arith.constant 0 : i32
    %dma_wait3A_123 = tpu.memref_slice %arg10[%dma_wait3A_113, %dma_wait3A_121, %dma_wait3A_122] : memref<8x32x128xf32, #tpu.memory_space<vmem>> -> memref<1x32x128xf32, #tpu.memory_space<vmem>>
    %dma_wait3A_124 = tpu.memref_squeeze %dma_wait3A_123 : memref<1x32x128xf32, #tpu.memory_space<vmem>> -> memref<32x128xf32, #tpu.memory_space<vmem>>
    %dma_wait3A_125 = arith.constant 0 : i32
    %dma_wait3A_126 = arith.constant 0 : i32
    %dma_wait3A_127 = tpu.memref_slice %arg4[%dma_wait3A_125, %dma_wait3A_126] : memref<32x1000000xf32, #tpu.memory_space<hbm>> -> memref<32x128xf32, #tpu.memory_space<hbm>>
    tpu.wait_dma2 semaphore(%arg13 : memref<!tpu.dma_semaphore, #tpu.memory_space<semaphore_mem>>) src(%dma_wait3A_127 : memref<32x128xf32, #tpu.memory_space<hbm>>) dst(%dma_wait3A_124 : memref<32x128xf32, #tpu.memory_space<vmem>>)
    %broadcast_in_dim3A_128 = arith.constant 0 : i32
    %broadcast_in_dim3A_129 = vector.broadcast %broadcast_in_dim3A_128 : i32 to vector<16xi32>
    %broadcast_in_dim3A_130 = arith.constant 4 : i32
    %broadcast_in_dim3A_131 = vector.broadcast %broadcast_in_dim3A_130 : i32 to vector<16xi32>
    %slice3A = vector.extract_strided_slice %scan3A_7#0 {offsets = [12], sizes = [1], strides = [1]} : vector<16xi32> to vector<1xi32>
    %squeeze3A = vector.extract %slice3A[0] : i32 from vector<1xi32>
    %broadcast_in_dim3A_132 = vector.broadcast %squeeze3A : i32 to vector<16xi32>
    %slice3A_133 = vector.extract_strided_slice %scan3A_7#1 {offsets = [12], sizes = [1], strides = [1]} : vector<16xi32> to vector<1xi32>
    %squeeze3A_134 = vector.extract %slice3A_133[0] : i32 from vector<1xi32>
    %broadcast_in_dim3A_135 = vector.broadcast %squeeze3A_134 : i32 to vector<16xi32>
    %gather3A = tpu.vector_load_idx %arg10[%broadcast_in_dim3A_129, %iota3A, %broadcast_in_dim3A_132] : memref<8x32x128xf32, #tpu.memory_space<vmem>>[vector<16xi32>, vector<16xi32>, vector<16xi32>], vector<16xf32>,
    %add3A_136 = arith.constant 16 : i32
    %add3A_137 = vector.broadcast %add3A_136 : i32 to vector<16xi32>
    %add3A_138 = arith.addi %iota3A, %add3A_137 : vector<16xi32>
    %gather3A_139 = tpu.vector_load_idx %arg10[%broadcast_in_dim3A_129, %add3A_138, %broadcast_in_dim3A_132] : memref<8x32x128xf32, #tpu.memory_space<vmem>>[vector<16xi32>, vector<16xi32>, vector<16xi32>], vector<16xf32>,
    %gather3A_140 = tpu.vector_load_idx %arg10[%broadcast_in_dim3A_131, %iota3A, %broadcast_in_dim3A_135] : memref<8x32x128xf32, #tpu.memory_space<vmem>>[vector<16xi32>, vector<16xi32>, vector<16xi32>], vector<16xf32>,
    %add3A_141 = arith.constant 16 : i32
    %add3A_142 = vector.broadcast %add3A_141 : i32 to vector<16xi32>
    %add3A_143 = arith.addi %iota3A, %add3A_142 : vector<16xi32>
    %gather3A_144 = tpu.vector_load_idx %arg10[%broadcast_in_dim3A_131, %add3A_143, %broadcast_in_dim3A_135] : memref<8x32x128xf32, #tpu.memory_space<vmem>>[vector<16xi32>, vector<16xi32>, vector<16xi32>], vector<16xf32>,
    %broadcast_in_dim3A_145 = arith.constant 127 : i32
    %broadcast_in_dim3A_146 = vector.broadcast %broadcast_in_dim3A_145 : i32 to vector<16xi32>
    %add3A_147 = arith.constant 0 : i32
    %add3A_148 = vector.broadcast %add3A_147 : i32 to vector<16xi32>
    %add3A_149 = arith.addi %add3A_148, %iota3A : vector<16xi32>
    %mul3A_150 = arith.mulf %gather3A, %gather3A_140 : vector<16xf32>
    tpu.vector_store_idx %arg11[%broadcast_in_dim3A_146, %add3A_149], %mul3A_150 : memref<128x128xf32, #tpu.memory_space<vmem>>[vector<16xi32>, vector<16xi32>], vector<16xf32>,
    %add3A_151 = arith.constant 16 : i32
    %add3A_152 = vector.broadcast %add3A_151 : i32 to vector<16xi32>
    %add3A_153 = arith.addi %add3A_149, %add3A_152 : vector<16xi32>
    %mul3A_154 = arith.mulf %gather3A_139, %gather3A_144 : vector<16xf32>
    tpu.vector_store_idx %arg11[%broadcast_in_dim3A_146, %add3A_153], %mul3A_154 : memref<128x128xf32, #tpu.memory_space<vmem>>[vector<16xi32>, vector<16xi32>], vector<16xf32>,
    %broadcast_in_dim3A_155 = arith.constant 1 : i32
    %broadcast_in_dim3A_156 = vector.broadcast %broadcast_in_dim3A_155 : i32 to vector<16xi32>
    %broadcast_in_dim3A_157 = arith.constant 5 : i32
    %broadcast_in_dim3A_158 = vector.broadcast %broadcast_in_dim3A_157 : i32 to vector<16xi32>
    %slice3A_159 = vector.extract_strided_slice %scan3A_7#0 {offsets = [13], sizes = [1], strides = [1]} : vector<16xi32> to vector<1xi32>
    %squeeze3A_160 = vector.extract %slice3A_159[0] : i32 from vector<1xi32>
    %broadcast_in_dim3A_161 = vector.broadcast %squeeze3A_160 : i32 to vector<16xi32>
    %slice3A_162 = vector.extract_strided_slice %scan3A_7#1 {offsets = [13], sizes = [1], strides = [1]} : vector<16xi32> to vector<1xi32>
    %squeeze3A_163 = vector.extract %slice3A_162[0] : i32 from vector<1xi32>
    %broadcast_in_dim3A_164 = vector.broadcast %squeeze3A_163 : i32 to vector<16xi32>
    %gather3A_165 = tpu.vector_load_idx %arg10[%broadcast_in_dim3A_156, %iota3A, %broadcast_in_dim3A_161] : memref<8x32x128xf32, #tpu.memory_space<vmem>>[vector<16xi32>, vector<16xi32>, vector<16xi32>], vector<16xf32>,
    %add3A_166 = arith.constant 16 : i32
    %add3A_167 = vector.broadcast %add3A_166 : i32 to vector<16xi32>
    %add3A_168 = arith.addi %iota3A, %add3A_167 : vector<16xi32>
    %gather3A_169 = tpu.vector_load_idx %arg10[%broadcast_in_dim3A_156, %add3A_168, %broadcast_in_dim3A_161] : memref<8x32x128xf32, #tpu.memory_space<vmem>>[vector<16xi32>, vector<16xi32>, vector<16xi32>], vector<16xf32>,
    %gather3A_170 = tpu.vector_load_idx %arg10[%broadcast_in_dim3A_158, %iota3A, %broadcast_in_dim3A_164] : memref<8x32x128xf32, #tpu.memory_space<vmem>>[vector<16xi32>, vector<16xi32>, vector<16xi32>], vector<16xf32>,
    %add3A_171 = arith.constant 16 : i32
    %add3A_172 = vector.broadcast %add3A_171 : i32 to vector<16xi32>
    %add3A_173 = arith.addi %iota3A, %add3A_172 : vector<16xi32>
    %gather3A_174 = tpu.vector_load_idx %arg10[%broadcast_in_dim3A_158, %add3A_173, %broadcast_in_dim3A_164] : memref<8x32x128xf32, #tpu.memory_space<vmem>>[vector<16xi32>, vector<16xi32>, vector<16xi32>], vector<16xf32>,
    %broadcast_in_dim3A_175 = arith.constant 127 : i32
    %broadcast_in_dim3A_176 = vector.broadcast %broadcast_in_dim3A_175 : i32 to vector<16xi32>
    %add3A_177 = arith.constant 32 : i32
    %add3A_178 = vector.broadcast %add3A_177 : i32 to vector<16xi32>
    %add3A_179 = arith.addi %add3A_178, %iota3A : vector<16xi32>
    %mul3A_180 = arith.mulf %gather3A_165, %gather3A_170 : vector<16xf32>
    tpu.vector_store_idx %arg11[%broadcast_in_dim3A_176, %add3A_179], %mul3A_180 : memref<128x128xf32, #tpu.memory_space<vmem>>[vector<16xi32>, vector<16xi32>], vector<16xf32>,
    %add3A_181 = arith.constant 16 : i32
    %add3A_182 = vector.broadcast %add3A_181 : i32 to vector<16xi32>
    %add3A_183 = arith.addi %add3A_179, %add3A_182 : vector<16xi32>
    %mul3A_184 = arith.mulf %gather3A_169, %gather3A_174 : vector<16xf32>
    tpu.vector_store_idx %arg11[%broadcast_in_dim3A_176, %add3A_183], %mul3A_184 : memref<128x128xf32, #tpu.memory_space<vmem>>[vector<16xi32>, vector<16xi32>], vector<16xf32>,
    %broadcast_in_dim3A_185 = arith.constant 2 : i32
    %broadcast_in_dim3A_186 = vector.broadcast %broadcast_in_dim3A_185 : i32 to vector<16xi32>
    %broadcast_in_dim3A_187 = arith.constant 6 : i32
    %broadcast_in_dim3A_188 = vector.broadcast %broadcast_in_dim3A_187 : i32 to vector<16xi32>
    %slice3A_189 = vector.extract_strided_slice %scan3A_7#0 {offsets = [14], sizes = [1], strides = [1]} : vector<16xi32> to vector<1xi32>
    %squeeze3A_190 = vector.extract %slice3A_189[0] : i32 from vector<1xi32>
    %broadcast_in_dim3A_191 = vector.broadcast %squeeze3A_190 : i32 to vector<16xi32>
    %slice3A_192 = vector.extract_strided_slice %scan3A_7#1 {offsets = [14], sizes = [1], strides = [1]} : vector<16xi32> to vector<1xi32>
    %squeeze3A_193 = vector.extract %slice3A_192[0] : i32 from vector<1xi32>
    %broadcast_in_dim3A_194 = vector.broadcast %squeeze3A_193 : i32 to vector<16xi32>
    %gather3A_195 = tpu.vector_load_idx %arg10[%broadcast_in_dim3A_186, %iota3A, %broadcast_in_dim3A_191] : memref<8x32x128xf32, #tpu.memory_space<vmem>>[vector<16xi32>, vector<16xi32>, vector<16xi32>], vector<16xf32>,
    %add3A_196 = arith.constant 16 : i32
    %add3A_197 = vector.broadcast %add3A_196 : i32 to vector<16xi32>
    %add3A_198 = arith.addi %iota3A, %add3A_197 : vector<16xi32>
    %gather3A_199 = tpu.vector_load_idx %arg10[%broadcast_in_dim3A_186, %add3A_198, %broadcast_in_dim3A_191] : memref<8x32x128xf32, #tpu.memory_space<vmem>>[vector<16xi32>, vector<16xi32>, vector<16xi32>], vector<16xf32>,
    %gather3A_200 = tpu.vector_load_idx %arg10[%broadcast_in_dim3A_188, %iota3A, %broadcast_in_dim3A_194] : memref<8x32x128xf32, #tpu.memory_space<vmem>>[vector<16xi32>, vector<16xi32>, vector<16xi32>], vector<16xf32>,
    %add3A_201 = arith.constant 16 : i32
    %add3A_202 = vector.broadcast %add3A_201 : i32 to vector<16xi32>
    %add3A_203 = arith.addi %iota3A, %add3A_202 : vector<16xi32>
    %gather3A_204 = tpu.vector_load_idx %arg10[%broadcast_in_dim3A_188, %add3A_203, %broadcast_in_dim3A_194] : memref<8x32x128xf32, #tpu.memory_space<vmem>>[vector<16xi32>, vector<16xi32>, vector<16xi32>], vector<16xf32>,
    %broadcast_in_dim3A_205 = arith.constant 127 : i32
    %broadcast_in_dim3A_206 = vector.broadcast %broadcast_in_dim3A_205 : i32 to vector<16xi32>
    %add3A_207 = arith.constant 64 : i32
    %add3A_208 = vector.broadcast %add3A_207 : i32 to vector<16xi32>
    %add3A_209 = arith.addi %add3A_208, %iota3A : vector<16xi32>
    %mul3A_210 = arith.mulf %gather3A_195, %gather3A_200 : vector<16xf32>
    tpu.vector_store_idx %arg11[%broadcast_in_dim3A_206, %add3A_209], %mul3A_210 : memref<128x128xf32, #tpu.memory_space<vmem>>[vector<16xi32>, vector<16xi32>], vector<16xf32>,
    %add3A_211 = arith.constant 16 : i32
    %add3A_212 = vector.broadcast %add3A_211 : i32 to vector<16xi32>
    %add3A_213 = arith.addi %add3A_209, %add3A_212 : vector<16xi32>
    %mul3A_214 = arith.mulf %gather3A_199, %gather3A_204 : vector<16xf32>
    tpu.vector_store_idx %arg11[%broadcast_in_dim3A_206, %add3A_213], %mul3A_214 : memref<128x128xf32, #tpu.memory_space<vmem>>[vector<16xi32>, vector<16xi32>], vector<16xf32>,
    %broadcast_in_dim3A_215 = arith.constant 3 : i32
    %broadcast_in_dim3A_216 = vector.broadcast %broadcast_in_dim3A_215 : i32 to vector<16xi32>
    %broadcast_in_dim3A_217 = arith.constant 7 : i32
    %broadcast_in_dim3A_218 = vector.broadcast %broadcast_in_dim3A_217 : i32 to vector<16xi32>
    %slice3A_219 = vector.extract_strided_slice %scan3A_7#0 {offsets = [15], sizes = [1], strides = [1]} : vector<16xi32> to vector<1xi32>
    %squeeze3A_220 = vector.extract %slice3A_219[0] : i32 from vector<1xi32>
    %broadcast_in_dim3A_221 = vector.broadcast %squeeze3A_220 : i32 to vector<16xi32>
    %slice3A_222 = vector.extract_strided_slice %scan3A_7#1 {offsets = [15], sizes = [1], strides = [1]} : vector<16xi32> to vector<1xi32>
    %squeeze3A_223 = vector.extract %slice3A_222[0] : i32 from vector<1xi32>
    %broadcast_in_dim3A_224 = vector.broadcast %squeeze3A_223 : i32 to vector<16xi32>
    %gather3A_225 = tpu.vector_load_idx %arg10[%broadcast_in_dim3A_216, %iota3A, %broadcast_in_dim3A_221] : memref<8x32x128xf32, #tpu.memory_space<vmem>>[vector<16xi32>, vector<16xi32>, vector<16xi32>], vector<16xf32>,
    %add3A_226 = arith.constant 16 : i32
    %add3A_227 = vector.broadcast %add3A_226 : i32 to vector<16xi32>
    %add3A_228 = arith.addi %iota3A, %add3A_227 : vector<16xi32>
    %gather3A_229 = tpu.vector_load_idx %arg10[%broadcast_in_dim3A_216, %add3A_228, %broadcast_in_dim3A_221] : memref<8x32x128xf32, #tpu.memory_space<vmem>>[vector<16xi32>, vector<16xi32>, vector<16xi32>], vector<16xf32>,
    %gather3A_230 = tpu.vector_load_idx %arg10[%broadcast_in_dim3A_218, %iota3A, %broadcast_in_dim3A_224] : memref<8x32x128xf32, #tpu.memory_space<vmem>>[vector<16xi32>, vector<16xi32>, vector<16xi32>], vector<16xf32>,
    %add3A_231 = arith.constant 16 : i32
    %add3A_232 = vector.broadcast %add3A_231 : i32 to vector<16xi32>
    %add3A_233 = arith.addi %iota3A, %add3A_232 : vector<16xi32>
    %gather3A_234 = tpu.vector_load_idx %arg10[%broadcast_in_dim3A_218, %add3A_233, %broadcast_in_dim3A_224] : memref<8x32x128xf32, #tpu.memory_space<vmem>>[vector<16xi32>, vector<16xi32>, vector<16xi32>], vector<16xf32>,
    %broadcast_in_dim3A_235 = arith.constant 127 : i32
    %broadcast_in_dim3A_236 = vector.broadcast %broadcast_in_dim3A_235 : i32 to vector<16xi32>
    %add3A_237 = arith.constant 96 : i32
    %add3A_238 = vector.broadcast %add3A_237 : i32 to vector<16xi32>
    %add3A_239 = arith.addi %add3A_238, %iota3A : vector<16xi32>
    %mul3A_240 = arith.mulf %gather3A_225, %gather3A_230 : vector<16xf32>
    tpu.vector_store_idx %arg11[%broadcast_in_dim3A_236, %add3A_239], %mul3A_240 : memref<128x128xf32, #tpu.memory_space<vmem>>[vector<16xi32>, vector<16xi32>], vector<16xf32>,
    %add3A_241 = arith.constant 16 : i32
    %add3A_242 = vector.broadcast %add3A_241 : i32 to vector<16xi32>
    %add3A_243 = arith.addi %add3A_239, %add3A_242 : vector<16xi32>
    %mul3A_244 = arith.mulf %gather3A_229, %gather3A_234 : vector<16xf32>
    tpu.vector_store_idx %arg11[%broadcast_in_dim3A_236, %add3A_243], %mul3A_244 : memref<128x128xf32, #tpu.memory_space<vmem>>[vector<16xi32>, vector<16xi32>], vector<16xf32>,
    %mul3A_245 = arith.constant 128 : i32
    %mul3A_246 = arith.muli %add3A, %mul3A_245 : i32
    "tpu.region"() ({
      %run_scoped3A = tpu.sem_alloc : memref<!tpu.dma_semaphore, #tpu.memory_space<semaphore_mem>>
      %dma_start3A = arith.constant 0 : i32
      %dma_start3A_247 = tpu.memref_slice %arg6[%mul3A_246, %dma_start3A] : memref<4096x128xf32, #tpu.memory_space<hbm>> -> memref<128x128xf32, #tpu.memory_space<hbm>>
      %dma_start3A_248 = arith.constant 0 : i32
      %dma_start3A_249 = tpu.memref_slice %arg6[%mul3A_246, %dma_start3A_248] : memref<4096x128xf32, #tpu.memory_space<hbm>> -> memref<128x128xf32, #tpu.memory_space<hbm>>
      tpu.enqueue_dma source(%arg11 : memref<128x128xf32, #tpu.memory_space<vmem>>) target(%dma_start3A_249 : memref<128x128xf32, #tpu.memory_space<hbm>>) target_semaphore(%run_scoped3A : memref<!tpu.dma_semaphore, #tpu.memory_space<semaphore_mem>>)
      %dma_wait3A_250 = arith.constant 0 : i32
      %dma_wait3A_251 = tpu.memref_slice %arg6[%mul3A_246, %dma_wait3A_250] : memref<4096x128xf32, #tpu.memory_space<hbm>> -> memref<128x128xf32, #tpu.memory_space<hbm>>
      %dma_wait3A_252 = arith.constant 0 : i32
      %dma_wait3A_253 = tpu.memref_slice %arg6[%mul3A_246, %dma_wait3A_252] : memref<4096x128xf32, #tpu.memory_space<hbm>> -> memref<128x128xf32, #tpu.memory_space<hbm>>
      tpu.wait_dma2 semaphore(%run_scoped3A : memref<!tpu.dma_semaphore, #tpu.memory_space<semaphore_mem>>) src(%arg11 : memref<128x128xf32, #tpu.memory_space<vmem>>) dst(%dma_wait3A_253 : memref<128x128xf32, #tpu.memory_space<hbm>>)
      tpu.yield
    }) : () -> ()
    return
  }
}

</mosaic_0001>

<sc_bundles>
// kernel: kernel.3.cloned.1.call-start
scs
__scs_entry_jumppad:
0x0: {  	(pc) =	sbr.rel $0x88, $3  }
0x1: {  	(tag) =	ssettag $0x0;
	lr =	simm.s32 $0x1  }
0x2: {  	[smem:$0x3F9D] =	sst lr;
	_ =	strace $0xD0000000  }
0x3: {  	_ = 	snop  }
0x4: {  	_ = 	snop  }
0x5: {  	_ = 	snop  }
0x6: {  	_ = 	snop  }
0x7: {  	_ = 	snop  }
__scs_overlays_trampoline_lowered:
0x8: {  	[smem:$0x3FAC] =	sst s0  }
0x9: {  	[smem:$0x3FAD] =	sst s1  }
0xa: {  	[smem:$0x3FAE] =	sst s2  }
0xb: {  	[smem:$0x3FAF] =	sst s3  }
0xc: {  	[smem:$0x3FB0] =	sst s4  }
0xd: {  	[smem:$0x3FB1] =	sst s5  }
0xe: {  	[smem:$0x3FB2] =	sst s6  }
0xf: {  	[smem:$0x3FB3] =	sst s7  }
0x10: {  	[smem:$0x3FB4] =	sst s8  }
0x11: {  	[smem:$0x3FB5] =	sst s9;
	s0 =	simm.s32 @!p0 $0x0  }
0x12: {  	s1 =	sld [smem:$0x3F9B];
	s0 =	simm.s32 @p0 $0x1  }
0x13: {  	[smem:$0x3FB6] =	sst s0;
	s0 =	simm.s32 @!p1 $0x0  }
0x14: {  	s2 =	sld [smem:$0x3F9A];
	s0 =	simm.s32 @p1 $0x1  }
0x15: {  	[smem:$0x3FB7] =	sst s0;
	s0 =	simm.s32 @!p2 $0x0  }
0x16: {  	s3 =	sld [smem:$0x3FDB];
	s0 =	simm.s32 @p2 $0x1  }
0x17: {  	s4 =	simm.s32 $0x1BF5;
	[smem:$0x3FB9] =	sst s0  }
0x18: {  	s0 =	sld [smem:$0x3F9C];
	_ =	swait.ge [sflag:s4], $0x0  }
0x19: {  	s7 =	sld [smem:$0x3F9D]  }
0x1a: {  	s8 =	sadd.s32 $0xFFFFE003, lr  }
0x1b: {  	s9 =	sadd.s32 $0xFFFFFEF7, lr;
	s5 =	simm.s32 $0xFFFFFFFF;
	p2 =	slt.u32 s8, $0xFFFFF086  }
0x1c: {  	p1 =	slt.u32 s9, $0xF7A;
	s5 =	simm.s32 @!p2 $0x0  }
0x1d: {  	s5 =	simm.s32 @p1 $0x1;
	p0 =	seq.s32 s7, s2  }
0x1e: {  	s7 =	smul.u32 @!p0 $0xF7A, s2;
	p2 =	seq.s32 @!p0 s5, $0x0  }
0x1f: {  	s9 =	smul.u32 $0xF7A, s1;
	s8 =	simm.s32 @!p0 $0x1BF5;
	p2 =	por !p2, p0  }
0x20: {  	[sflag:s8] =	ssyncset.s32 @!p0 $0xFFFFF086;
	s6 =	sadd.s32 @!p0 s3, s7;
	s7 =	simm.s32 @!p0 $0x108  }
0x21: {  	s3 =	sadd.s32 s3, s9;
	s6 =	sadd.s32 @!p0 $0x88, s6;
	s7 =	simm.s32 @p2 $0x1082  }
0x22: {  	[simem:s7], [sflag:s8] =	dma.local @!p0 [hbm:s6], $0xF7A  }
0x23: {  	s9 =	sor.u32 $0xD0000000, s2;
	s6 =	simm.s32 $0x108;
	_ =	swait.ge @!p0 [sflag:s8], $0x0  }
0x24: {  	s3 =	sadd.s32 $0x88, s3;
	s6 =	simm.s32 @!p1 $0x1082;
	[sflag:s4] =	ssyncset.s32 $0xFFFFF086  }
0x25: {  	[simem:s6], [sflag:s4] =	dma.local [hbm:s3], $0xF7A  }
0x26: {  	[smem:$0x3F9D] =	sst s1;
	(tag) =	ssettag s2;
	_ =	strace s9  }
0x27: {  	s1 =	sld [smem:$0x3FAD]  }
0x28: {  	s2 =	sld [smem:$0x3FAE]  }
0x29: {  	s4 =	sld [smem:$0x3FB0]  }
0x2a: {  	p0 =	seq.s32 s5, $0x0;
	s5 =	sld [smem:$0x3FB1]  }
0x2b: {  	s6 =	sld [smem:$0x3FB2]  }
0x2c: {  	s7 =	sld [smem:$0x3FB3]  }
0x2d: {  	s3 =	simm.s32 $0x108;
	s8 =	sld [smem:$0x3FB4]  }
0x2e: {  	s3 =	simm.s32 @!p0 $0x1082;
	s9 =	sld [smem:$0x3FB5]  }
0x2f: {  	lr =	sadd.s32 s0, s3;
	s0 =	sld [smem:$0x3FAC]  }
0x30: {  	s3 =	sld [smem:$0x3FAF]  }
0x31: {  	[smem:$0x3FB8] =	sst s10  }
0x32: {  	s10 =	sld [smem:$0x3FB6];
	_ =	sdelay $0x3  }
0x33: {  	p0 =	seq.s32 s10, $0x1;
	s10 =	sld [smem:$0x3FB8];
	_ =	sdelay $0x3  }
0x34: {  	[smem:$0x3FB8] =	sst s10  }
0x35: {  	s10 =	sld [smem:$0x3FB7];
	_ =	sdelay $0x3  }
0x36: {  	p1 =	seq.s32 s10, $0x1;
	s10 =	sld [smem:$0x3FB8];
	_ =	sdelay $0x3  }
0x37: {  	[smem:$0x3FB8] =	sst s10  }
0x38: {  	s10 =	sld [smem:$0x3FB9]  }
0x39: {  	_ = 	snop;
	(pc) =	sbr.ind lr, $3  }
0x3a: {  	_ = 	snop  }
0x3b: {  	_ = 	snop  }
0x3c: {  	p2 =	seq.s32 s10, $0x1;
	s10 =	sld [smem:$0x3FB8]  }
0x3d: {  	_ =	shalt  }
0x3e: {  	_ =	shalt  }
0x3f: {  	_ =	shalt  }
0x40: {  	_ =	shalt  }
0x41: {  	_ =	shalt  }
0x42: {  	_ =	shalt  }
0x43: {  	_ =	shalt  }
0x44: {  	_ =	shalt  }
0x45: {  	_ =	shalt  }
0x46: {  	_ =	shalt  }
0x47: {  	_ =	shalt  }
0x48: {  	_ =	shalt  }
0x49: {  	_ =	shalt  }
0x4a: {  	_ =	shalt  }
0x4b: {  	_ =	shalt  }
0x4c: {  	_ =	shalt  }
0x4d: {  	_ =	shalt  }
0x4e: {  	_ =	shalt  }
0x4f: {  	_ =	shalt  }
0x50: {  	_ =	shalt  }
0x51: {  	_ =	shalt  }
0x52: {  	_ =	shalt  }
0x53: {  	_ =	shalt  }
0x54: {  	_ =	shalt  }
0x55: {  	_ =	shalt  }
0x56: {  	_ =	shalt  }
0x57: {  	_ =	shalt  }
0x58: {  	_ =	shalt  }
0x59: {  	_ =	shalt  }
0x5a: {  	_ =	shalt  }
0x5b: {  	_ =	shalt  }
0x5c: {  	_ =	shalt  }
0x5d: {  	_ =	shalt  }
0x5e: {  	_ =	shalt  }
0x5f: {  	_ =	shalt  }
0x60: {  	_ =	shalt  }
0x61: {  	_ =	shalt  }
0x62: {  	_ =	shalt  }
0x63: {  	_ =	shalt  }
0x64: {  	_ =	shalt  }
0x65: {  	_ =	shalt  }
0x66: {  	_ =	shalt  }
0x67: {  	_ =	shalt  }
0x68: {  	_ =	shalt  }
0x69: {  	_ =	shalt  }
0x6a: {  	_ =	shalt  }
0x6b: {  	_ =	shalt  }
0x6c: {  	_ =	shalt  }
0x6d: {  	_ =	shalt  }
0x6e: {  	_ =	shalt  }
0x6f: {  	_ =	shalt  }
0x70: {  	_ =	shalt  }
0x71: {  	_ =	shalt  }
0x72: {  	_ =	shalt  }
0x73: {  	_ =	shalt  }
0x74: {  	_ =	shalt  }
0x75: {  	_ =	shalt  }
0x76: {  	_ =	shalt  }
0x77: {  	_ =	shalt  }
0x78: {  	_ =	shalt  }
0x79: {  	_ =	shalt  }
0x7a: {  	_ =	shalt  }
0x7b: {  	_ =	shalt  }
0x7c: {  	_ =	shalt  }
0x7d: {  	_ =	shalt  }
0x7e: {  	_ =	shalt  }
0x7f: {  	_ =	shalt  }
0x80: {  	_ =	shalt  }
0x81: {  	_ =	shalt  }
0x82: {  	_ =	shalt  }
0x83: {  	_ =	shalt  }
0x84: {  	_ =	shalt  }
0x85: {  	_ =	shalt  }
0x86: {  	_ =	shalt  }
0x87: {  	_ =	shalt  }
.Lfunc_end0:
.L_simem_size_0:
called_computation_lowered:
.L_overlay_start_0:
0x88: {  	s2 =	sld [smem:$0x3FD9]  }
0x89: {  	s3 =	sld [smem:$0x3FFE];
	_ =	sdelay $0x1  }
0x8a: {  	s1 =	srdreg.scid  }
0x8b: {  	s0 =	sand.u32 $0x1, s1  }
0x8c: {  	s18 =	sshll.u32 s0, $0xA;
	s2 =	sadd.s32 s3, s2  }
0x8d: {  	s2 =	sadd.s32 s2, s18  }
0x8e: {  	[smem:$0x3FC4] =	sst s2  }
0x8f: {  	_ = 	snop  }
0x90: {  	s2 =	sld [smem:$0x3FC9]  }
0x91: {  	s19 =	sld [smem:$0x3FC8]  }
0x92: {  	s4 =	sld [smem:$0x3FC7]  }
0x93: {  	s5 =	sld [smem:$0x3FC6]  }
0x94: {  	s6 =	sld [smem:$0x3FD0];
	(tm) =	ssettm $0x1  }
0x95: {  	s7 =	sld [smem:$0x3FFB];
	_ =	sdelay $0x3  }
0x96: {  	_ =	strace s7  }
0x97: {  	s7 =	sld [smem:$0x3FFC];
	_ =	sdelay $0x3  }
0x98: {  	_ =	strace s7  }
0x99: {  	s7 =	sld [smem:$0x3FFD];
	_ =	sdelay $0x3  }
0x9a: {  	_ =	strace s7  }
0x9b: {  	_ =	strace $0x8FFFFFFF  }
0x9c: {  	s20 =	sld [smem:$0x3FDB];
	_ =	sdelay $0x1  }
0x9d: {  	s8 =	simm.s32 $_scs_section_size  }
0x9e: {  	s9 =	simm.s32 $_size__tile_overlayer_lowered;
	s10 =	simm.s32 $_tile_overlayer_lowered  }
0x9f: {  	s23 =	simm.s32 $0x1BFF;
	s22 =	sshll.u32 s10, $0x1;
	s7 =	sadd.s32 s8, s20  }
0xa0: {  	s11 =	simm.s32 $0x0;
	s21 =	sshll.u32 s9, $0x1;
	s9 =	sadd.s32 s22, s7  }
0xa1: {  	[timem:s11], [sflag:s23] =	dma.local [hbm:s9], s21  }
0xa2: {  	_ =	swait.ge [sflag:s23], s21  }
0xa3: {  	s8 =	ssub.s32 $0x0, s21;
	[sflag:s23] =	ssyncset.done $0x0  }
0xa4: {  	[sflag:s23] =	ssyncadd.s32 s8;
	_ =	sdelay $0x1  }
0xa5: {  	s24 =	simm.s32 $0x1B8B  }
0xa6: {  	_ =	swait.ge [sflag:s24], $0x1  }
0xa7: {  	[sflag:s24] =	ssyncset.done $0x0  }
0xa8: {  	s25 =	simm.s32 $0x1B8E;
	[sflag:s24] =	ssyncadd.s32 $0xFFFFFFFF  }
0xa9: {  	s26 =	simm.s32 $execute0_lowered;
	[smem:$0x3FD2] =	sst s25  }
0xaa: {  	s8 =	sshll.u32 s26, $0x1;
	_ =	strace $0x80000046;
	[dreg:$0x1] =	wrdreg $0xFFFFFFFF  }
0xab: {  	s28 =	simm.s32 $_size_execute0_lowered;
	s7 =	sadd.s32 s7, s8;
	[dreg:$0x0] =	wrdreg $0x0  }
0xac: {  	s8 =	sshll.u32 s28, $0x1;
	[dreg:$0x2] =	wrdreg s7  }
0xad: {  	[dreg:$0x3] =	wrdreg s8  }
0xae: {  	[dreg:$0x4] =	wrdreg $0xC0  }
0xaf: {  	_ =	task [dreg:s11], $0x5FFFF  }
0xb0: {  	[dreg:$0x1] =	wrdreg $0xFFFFFFFF  }
0xb1: {  	[dreg:$0x0] =	wrdreg $0x60  }
0xb2: {  	[dreg:$0x2] =	wrdreg s2  }
0xb3: {  	[dreg:$0x3] =	wrdreg s19  }
0xb4: {  	[dreg:$0x4] =	wrdreg s4  }
0xb5: {  	[dreg:$0x5] =	wrdreg s5  }
0xb6: {  	[dreg:$0x6] =	wrdreg s6  }
0xb7: {  	[dreg:$0x7] =	wrdreg $0x9  }
0xb8: {  	_ =	task.clear_ibuf [dreg:s11], $0x8FFFF;
	_ =	strace $0x90000046  }
0xb9: {  	s29 =	simm.s32 $0x9;
	_ =	strace $0x80000048  }
0xba: {  	_ =	swait.ge [sflag:s29], $0x1  }
0xbb: {  	[sflag:s29] =	ssyncadd.s32 $0xFFFFFFFF  }
0xbc: {  	_ =	strace $0x90000048  }
0xbd: {  	_ =	sfence  }
0xbe: {  	s30 =	sld [smem:$0x0];
	_ =	sdelay $0x2  }
0xbf: {  	s31 =	sshll.u32 s1, $0xD;
	s1 =	sshrl.u32 s1, $0x2  }
0xc0: {  	s3 =	sand.u32 $0x4000, s31;
	s1 =	sadd.s32 s1, s30  }
0xc1: {  	s0 =	sor.u32 s3, s0;
	s1 =	sshll.u32 s1, $0x11  }
0xc2: {  	s0 =	sor.u32 s1, s0  }
0xc3: {  	s0 =	sadd.s32 $0x8F2B, s0  }
0xc4: {  	[sflag:s0] =	ssyncadd.remote.s32 $0x1  }
0xc5: {  	_ =	sfence.sel $0xFFFF  }
0xc6: {  	[dreg:$0x0] =	wrdreg $0xFFFFFFFF;
	(pc) =	sbr.abs _section_cstart, $3  }
0xc7: {  	[dreg:$0x1] =	wrdreg $0xFFFFFFFF  }
0xc8: {  	_ =	task.clear_ibuf [dreg:s11], $0x2FFFF;
	_ =	strace $0x9FFFFFFF  }
0xc9: {  	(tm) =	ssettm $0x7FFFFFFF  }
tec
execute0_lowered:
.L_overlay_start_1:
0x0: {  	(tag) =	ssettag $0x1  }
0x1: {  	s0 =	rddreg [dreg:$0x0]  }
0x2: {  	s2 =	rddreg [dreg:$0x1]  }
0x3: {  	s1 =	rddreg [dreg:$0x2]  }
0x4: {  	s3 =	rddreg [dreg:$0x3]  }
0x5: {  	s5 =	rddreg [dreg:$0x4]  }
0x6: {  	s4 =	srdreg.scid;
	s8 =	stileid.u32  }
0x7: {  	s10 =	simm.s32 $0x3;
	s11 =	simm.s32 $0x400;
	s12 =	simm.s32 $0x1400  }
0x8: {  	s13 =	simm.s32 $0x2400;
	s14 =	simm.s32 $0x3400;
	s15 =	simm.s32 $0x4400  }
0x9: {  	s16 =	simm.s32 $0x5400;
	s17 =	simm.s32 $0x6400;
	s18 =	simm.s32 $0x7400  }
0xa: {  	s19 =	simm.s32 $0x8400;
	s20 =	simm.s32 $0x9400;
	s21 =	simm.s32 $0xA400  }
0xb: {  	v0 =	vlaneseq.u32;
	s22 =	simm.s32 $0xB400;
	s23 =	simm.s32 $0xC400;
	s28 =	simm.s32 $0x1  }
0xc: {  	s29 =	simm.s32 $0x10400;
	s30 =	simm.s32 $0x2;
	s31 =	simm.s32 $0x0;
	v1 =	vmul.u32 $0x80, v0;
	v5 =	vor.u32 $0x10, v0  }
0xd: {  	s6 =	sand.u32 $0x1, s4;
	s4 =	simm.s32 $0x0;
	s8 =	sshll.u32 s8, $0x1;
	v10 =	vor.u32 $0x20, v0;
	v11 =	vor.u32 $0x30, v0;
	v16 =	vor.u32 $0x40, v0  }
0xe: {  	v17 =	vor.u32 $0x50, v0;
	v22 =	vor.u32 $0x60, v0;
	v23 =	vor.u32 $0x70, v0;
	s7 =	ssub.s32 $0x2, s6;
	[smem:$0x7FF] =	sst s4;
	s6 =	sor.u32 s6, s8  }
0xf: {  	v24 =	vor.u32 $0x3F80, v0;
	v25 =	vor.u32 $0x3F90, v0;
	v26 =	vor.u32 $0x3FA0, v0;
	s9 =	sshrl.u32 s7, $0x1;
	_ =	strace $0x80000047;
	s8 =	sshll.u32 s6, $0x6  }
.Ltmp0:
0x10: {  	s25 =	sshll.u32 s6, $0xB;
	v2 =	vor.u32 $0x800, v1;
	v3 =	vor.u32 $0x4000, v1;
	v4 =	vor.u32 $0x4800, v1;
	s0 =	sadd.s32 s0, s8;
	(pc) =	sbr.rel .LBB2_1-.Ltmp0, $4  }
0x11: {  	v6 =	vor.u32 $0x1000, v1;
	v7 =	vor.u32 $0x1800, v1;
	v8 =	vor.u32 $0x5000, v1;
	s7 =	ssub.s32 s7, s9;
	s24 =	sadd.s32 s2, s8;
	[dreg:$0x6] =	wrdreg s0  }
0x12: {  	v9 =	vor.u32 $0x5800, v1;
	v12 =	vor.u32 $0x2000, v1;
	v13 =	vor.u32 $0x2800, v1;
	s9 =	simm.s32 $0x7A1400;
	[dreg:$0x7] =	wrdreg s24;
	s0 =	sadd.s32 s5, s25  }
0x13: {  	v14 =	vor.u32 $0x6000, v1;
	v15 =	vor.u32 $0x6800, v1;
	v18 =	vor.u32 $0x3000, v1;
	s26 =	smax.u32 s7, $0x1;
	s24 =	simm.s32 $0xD400;
	[dreg:$0x8] =	wrdreg s0  }
0x14: {  	v19 =	vor.u32 $0x3800, v1;
	v20 =	vor.u32 $0x7000, v1;
	v21 =	vor.u32 $0x7800, v1;
	s25 =	simm.s32 $0xE400;
	[dreg:$0x9] =	wrdreg s26;
	s26 =	simm.s32 $0xF400  }
.LBB2_5:
0x15: {  	_ =	swait.ge [sflag:s30], $0x1000  }
0x16: {  	[sflag:s30] =	ssyncset.done $0x0  }
0x17: {  	[sflag:s30] =	ssyncadd.s32 $0xFFFFF000  }
0x18: {  	_ =	swait.ge [sflag:s30], $0x1000  }
0x19: {  	[sflag:s30] =	ssyncset.done $0x0  }
0x1a: {  	[sflag:s30] =	ssyncadd.s32 $0xFFFFF000  }
0x1b: {  	_ =	swait.ge [sflag:s30], $0x1000  }
0x1c: {  	[sflag:s30] =	ssyncset.done $0x0  }
0x1d: {  	[sflag:s30] =	ssyncadd.s32 $0xFFFFF000  }
0x1e: {  	_ =	swait.ge [sflag:s30], $0x1000  }
0x1f: {  	[sflag:s30] =	ssyncset.done $0x0  }
0x20: {  	[sflag:s30] =	ssyncadd.s32 $0xFFFFF000  }
0x21: {  	_ =	swait.ge [sflag:s30], $0x1000  }
0x22: {  	[sflag:s30] =	ssyncset.done $0x0  }
0x23: {  	[sflag:s30] =	ssyncadd.s32 $0xFFFFF000  }
0x24: {  	_ =	swait.ge [sflag:s30], $0x1000  }
0x25: {  	[sflag:s30] =	ssyncset.done $0x0  }
0x26: {  	v29 =	vbroadcast v28, $0xC;
	[sflag:s30] =	ssyncadd.s32 $0xFFFFF000  }
0x27: {  	_ =	swait.ge [sflag:s30], $0x1000  }
0x28: {  	v30 =	vbroadcast v27, $0xC;
	v31 =	vor.u32 v1, v29;
	[sflag:s30] =	ssyncset.done $0x0  }
0x29: {  	v29 =	vor.u32 v2, v29;
	[sflag:s30] =	ssyncadd.s32 $0xFFFFF000  }
0x2a: {  	v32 =	vor.u32 v3, v30;
	_ =	swait.ge [sflag:s30], $0x1000  }
0x2b: {  	v30 =	vor.u32 v4, v30;
	[sflag:s30] =	ssyncset.done $0x0  }
0x2c: {  	[sflag:s30] =	ssyncadd.s32 $0xFFFFF000  }
0x2d: {  	v31 =	vld.idx.msk [tilespmem:v31+s19+$0x0], $0xffff  }
0x2e: {  	v29 =	vld.idx.msk [tilespmem:v29+s19+$0x0], $0xffff  }
0x2f: {  	v32 =	vld.idx.msk [tilespmem:v32+s19+$0x0], $0xffff  }
0x30: {  	v30 =	vld.idx.msk [tilespmem:v30+s19+$0x0], $0xffff  }
0x31: {  	v33 =	vbroadcast v28, $0xD;
	_ =	sdelay $0x1  }
0x32: {  	v34 =	vbroadcast v27, $0xD;
	v35 =	vor.u32 v6, v33  }
0x33: {  	v48 =	vor.u32 v7, v33;
	v31 =	vmul.f32 v32, v31  }
0x34: {  	v49 =	vor.u32 v8, v34;
	v29 =	vmul.f32 v30, v29  }
0x35: {  	v50 =	vor.u32 v9, v34;
	[tilespmem:v24+s29+$0x0] =	vst.idx.msk $0xffff, v31  }
0x36: {  	[tilespmem:v25+s29+$0x0] =	vst.idx.msk $0xffff, v29  }
0x37: {  	v29 =	vld.idx.msk [tilespmem:v35+s19+$0x0], $0xffff  }
0x38: {  	v32 =	vld.idx.msk [tilespmem:v48+s19+$0x0], $0xffff  }
0x39: {  	v30 =	vld.idx.msk [tilespmem:v49+s19+$0x0], $0xffff  }
0x3a: {  	v31 =	vld.idx.msk [tilespmem:v50+s19+$0x0], $0xffff  }
0x3b: {  	v51 =	vbroadcast v28, $0xE  }
0x3c: {  	v52 =	vor.u32 $0x3FB0, v0  }
0x3d: {  	v53 =	vbroadcast v27, $0xE;
	v36 =	vor.u32 v12, v51  }
0x3e: {  	v54 =	vor.u32 v13, v51;
	v29 =	vmul.f32 v30, v29  }
0x3f: {  	v55 =	vor.u32 v14, v53;
	v31 =	vmul.f32 v31, v32  }
0x40: {  	v56 =	vor.u32 v15, v53;
	[tilespmem:v26+s29+$0x0] =	vst.idx.msk $0xffff, v29  }
0x41: {  	[tilespmem:v52+s29+$0x0] =	vst.idx.msk $0xffff, v31  }
0x42: {  	v31 =	vld.idx.msk [tilespmem:v36+s19+$0x0], $0xffff  }
0x43: {  	v30 =	vld.idx.msk [tilespmem:v54+s19+$0x0], $0xffff  }
0x44: {  	v32 =	vld.idx.msk [tilespmem:v55+s19+$0x0], $0xffff  }
0x45: {  	v29 =	vld.idx.msk [tilespmem:v56+s19+$0x0], $0xffff  }
0x46: {  	v57 =	vor.u32 $0x3FC0, v0;
	v58 =	vbroadcast v28, $0xF  }
0x47: {  	v59 =	vor.u32 $0x3FD0, v0  }
0x48: {  	v27 =	vbroadcast v27, $0xF;
	v60 =	vor.u32 v18, v58  }
0x49: {  	v28 =	vor.u32 v19, v58;
	v31 =	vmul.f32 v32, v31  }
0x4a: {  	v61 =	vor.u32 v20, v27;
	v29 =	vmul.f32 v29, v30  }
0x4b: {  	v27 =	vor.u32 v21, v27;
	[tilespmem:v57+s29+$0x0] =	vst.idx.msk $0xffff, v31  }
0x4c: {  	[tilespmem:v59+s29+$0x0] =	vst.idx.msk $0xffff, v29  }
0x4d: {  	v29 =	vld.idx.msk [tilespmem:v60+s19+$0x0], $0xffff  }
0x4e: {  	v28 =	vld.idx.msk [tilespmem:v28+s19+$0x0], $0xffff  }
0x4f: {  	v30 =	vld.idx.msk [tilespmem:v61+s19+$0x0], $0xffff  }
0x50: {  	v27 =	vld.idx.msk [tilespmem:v27+s19+$0x0], $0xffff  }
0x51: {  	v62 =	vor.u32 $0x3FE0, v0  }
0x52: {  	v63 =	vor.u32 $0x3FF0, v0;
	_ =	sdelay $0x1  }
0x53: {  	v29 =	vmul.f32 v30, v29  }
0x54: {  	v27 =	vmul.f32 v27, v28  }
0x55: {  	[tilespmem:v62+s29+$0x0] =	vst.idx.msk $0xffff, v29  }
0x56: {  	s0 =	rddreg [dreg:$0x8];
	[tilespmem:v63+s29+$0x0] =	vst.idx.msk $0xffff, v27  }
0x57: {  	[hbm4b:s0+s4] =	stream.linear.scatter [tilespmem:s29], [sflag:$0x3], $0x4000, $0x38;
	[tilespmem:$0x14400] =	vst v63  }
0x58: {  	_ =	swait.ge [sflag:s10], $0x4000  }
0x59: {  	s31 =	sadd.s32 $0x1, s31;
	s8 =	rddreg [dreg:$0x9]  }
0x5a: {  	p0 =	sne.s32 s31, s8  }
.Ltmp1:
0x5b: {  	_ = 	snop;
	(pc) =	sbr.rel @!p0 .LBB2_6-.Ltmp1, $3  }
0x5c: {  	_ =	sdelay $0x1  }
0x5d: {  	[sflag:s10] =	ssyncset.done $0x0  }
0x5e: {  	[sflag:s10] =	ssyncadd.s32 $0xFFFFC000  }
.LBB2_1:
0x5f: {  	s0 =	rddreg [dreg:$0x6]  }
0x60: {  	[tilespmem:s4], [sflag:$0x3] =	stream.linear.gather [hbm4b:s0+s4], $0x200, $0x38;
	[tilespmem:$0x14400] =	vst v63  }
0x61: {  	_ =	swait.ge [sflag:s10], $0x200  }
0x62: {  	s0 =	simm.s32 $0x200;
	[sflag:s10] =	ssyncset.done $0x0  }
.Ltmp2:
0x63: {  	s2 =	rddreg [dreg:$0x7];
	[sflag:s10] =	ssyncadd.s32 $0xFFFFFE00;
	(pc) =	sbr.rel .LBB2_2-.Ltmp2, $4  }
0x64: {  	[tilespmem:s0], [sflag:$0x3] =	stream.linear.gather [hbm4b:s2+s4], $0x200, $0x38;
	[tilespmem:$0x14400] =	vst v63  }
0x65: {  	_ =	swait.ge [sflag:s10], $0x200  }
0x66: {  	s5 =	simm.s32 $0xFFFFFFFD;
	[sflag:s10] =	ssyncset.done $0x0  }
0x67: {  	v27 =	vimm.s32 $0x0;
	s6 =	simm.s32 $0x0;
	v28 =	vimm.s32 $0x0;
	s2 =	simm.s32 $0xFFFFFFFF;
	[sflag:s10] =	ssyncadd.s32 $0xFFFFFE00  }
.LBB2_4:
0x68: {  	(v2sf) =	vpush v30, $0x4;
	_ =	sdelay $0x1  }
0x69: {  	(v2sf) =	vpush v30, $0x5;
	_ =	sdelay $0x1  }
0x6a: {  	(v2sf) =	vpush v30, $0x6;
	_ =	sdelay $0x1  }
0x6b: {  	(v2sf) =	vpush v30, $0x7;
	_ =	sdelay $0x1  }
0x6c: {  	(v2sf) =	vpush v29, $0x4;
	_ =	sdelay $0x1  }
0x6d: {  	(v2sf) =	vpush v29, $0x5;
	_ =	sdelay $0x1  }
0x6e: {  	(v2sf) =	vpush v29, $0x6;
	_ =	sdelay $0x1  }
0x6f: {  	(v2sf) =	vpush v29, $0x7  }
0x70: {  	s7 =	spop (v2sf)  }
0x71: {  	[tilespmem:s19], [sflag:$0x2] =	stream.strided.gather [hbm4b:s7+s11], $0x1000, s9, s11, $0x38;
	[tilespmem:$0x14400] =	vst v63  }
0x72: {  	s8 =	spop (v2sf)  }
0x73: {  	[tilespmem:s20], [sflag:$0x2] =	stream.strided.gather [hbm4b:s8+s11], $0x1000, s9, s11, $0x38;
	[tilespmem:$0x14400] =	vst v63  }
0x74: {  	s8 =	spop (v2sf)  }
0x75: {  	[tilespmem:s21], [sflag:$0x2] =	stream.strided.gather [hbm4b:s8+s11], $0x1000, s9, s11, $0x38;
	[tilespmem:$0x14400] =	vst v63  }
0x76: {  	s8 =	spop (v2sf)  }
0x77: {  	[tilespmem:s22], [sflag:$0x2] =	stream.strided.gather [hbm4b:s8+s11], $0x1000, s9, s11, $0x38;
	[tilespmem:$0x14400] =	vst v63  }
0x78: {  	s8 =	spop (v2sf)  }
0x79: {  	[tilespmem:s23], [sflag:$0x2] =	stream.strided.gather [hbm4b:s8+s11], $0x1000, s9, s11, $0x38;
	[tilespmem:$0x14400] =	vst v63  }
0x7a: {  	s8 =	spop (v2sf)  }
0x7b: {  	[tilespmem:s24], [sflag:$0x2] =	stream.strided.gather [hbm4b:s8+s11], $0x1000, s9, s11, $0x38;
	[tilespmem:$0x14400] =	vst v63  }
0x7c: {  	s8 =	spop (v2sf)  }
0x7d: {  	[tilespmem:s25], [sflag:$0x2] =	stream.strided.gather [hbm4b:s8+s11], $0x1000, s9, s11, $0x38;
	[tilespmem:$0x14400] =	vst v63  }
0x7e: {  	s8 =	spop (v2sf)  }
0x7f: {  	[tilespmem:s26], [sflag:$0x2] =	stream.strided.gather [hbm4b:s8+s11], $0x1000, s9, s11, $0x38;
	[tilespmem:$0x14400] =	vst v63  }
0x80: {  	_ =	swait.ge [sflag:s28], $0x1000  }
0x81: {  	[sflag:s28] =	ssyncset.done $0x0  }
0x82: {  	[sflag:s28] =	ssyncadd.s32 $0xFFFFF000  }
0x83: {  	_ =	swait.ge [sflag:s28], $0x1000  }
0x84: {  	[sflag:s28] =	ssyncset.done $0x0  }
0x85: {  	[sflag:s28] =	ssyncadd.s32 $0xFFFFF000  }
0x86: {  	_ =	swait.ge [sflag:s28], $0x1000  }
0x87: {  	[sflag:s28] =	ssyncset.done $0x0  }
0x88: {  	[sflag:s28] =	ssyncadd.s32 $0xFFFFF000  }
0x89: {  	_ =	swait.ge [sflag:s28], $0x1000  }
0x8a: {  	[sflag:s28] =	ssyncset.done $0x0  }
0x8b: {  	[sflag:s28] =	ssyncadd.s32 $0xFFFFF000  }
0x8c: {  	_ =	swait.ge [sflag:s28], $0x1000  }
0x8d: {  	[sflag:s28] =	ssyncset.done $0x0  }
0x8e: {  	[sflag:s28] =	ssyncadd.s32 $0xFFFFF000  }
0x8f: {  	_ =	swait.ge [sflag:s28], $0x1000  }
0x90: {  	v28 =	vand.u32 $0x7F, v31;
	[sflag:s28] =	ssyncset.done $0x0  }
0x91: {  	v31 =	vbroadcast v28, $0x0;
	[sflag:s28] =	ssyncadd.s32 $0xFFFFF000  }
0x92: {  	v27 =	vand.u32 $0x7F, v32;
	_ =	swait.ge [sflag:s28], $0x1000  }
0x93: {  	v32 =	vbroadcast v27, $0x0;
	v33 =	vor.u32 v1, v31;
	[sflag:s28] =	ssyncset.done $0x0  }
0x94: {  	v31 =	vor.u32 v2, v31;
	[sflag:s28] =	ssyncadd.s32 $0xFFFFF000  }
0x95: {  	v34 =	vor.u32 v3, v32;
	_ =	swait.ge [sflag:s28], $0x1000  }
0x96: {  	v32 =	vor.u32 v4, v32;
	[sflag:s28] =	ssyncset.done $0x0  }
0x97: {  	[sflag:s28] =	ssyncadd.s32 $0xFFFFF000  }
0x98: {  	v33 =	vld.idx.msk [tilespmem:v33+s11+$0x0], $0xffff  }
0x99: {  	v31 =	vld.idx.msk [tilespmem:v31+s11+$0x0], $0xffff  }
0x9a: {  	s7 =	sshll.u32 s2, $0x7;
	v34 =	vld.idx.msk [tilespmem:v34+s11+$0x0], $0xffff  }
0x9b: {  	s8 =	sadd.s32 $0x80, s7;
	v32 =	vld.idx.msk [tilespmem:v32+s11+$0x0], $0xffff  }
0x9c: {  	v36 =	vbroadcast v28, $0x1;
	v35 =	vor.u32 s8, v0  }
0x9d: {  	v37 =	vor.u32 s8, v5  }
0x9e: {  	v38 =	vbroadcast v27, $0x1;
	v39 =	vor.u32 v6, v36  }
0x9f: {  	v44 =	vor.u32 v7, v36;
	v33 =	vmul.f32 v34, v33  }
0xa0: {  	v45 =	vor.u32 v8, v38;
	v31 =	vmul.f32 v32, v31  }
0xa1: {  	v46 =	vor.u32 v9, v38;
	[tilespmem:v35+s29+$0x0] =	vst.idx.msk $0xffff, v33  }
0xa2: {  	[tilespmem:v37+s29+$0x0] =	vst.idx.msk $0xffff, v31  }
0xa3: {  	v31 =	vld.idx.msk [tilespmem:v39+s11+$0x0], $0xffff  }
0xa4: {  	v34 =	vld.idx.msk [tilespmem:v44+s11+$0x0], $0xffff  }
0xa5: {  	v32 =	vld.idx.msk [tilespmem:v45+s11+$0x0], $0xffff  }
0xa6: {  	v33 =	vld.idx.msk [tilespmem:v46+s11+$0x0], $0xffff  }
0xa7: {  	v48 =	vbroadcast v28, $0x2;
	v47 =	vor.u32 s8, v10  }
0xa8: {  	v49 =	vor.u32 s8, v11  }
0xa9: {  	v50 =	vbroadcast v27, $0x2;
	v51 =	vor.u32 v12, v48  }
0xaa: {  	v52 =	vor.u32 v13, v48;
	v31 =	vmul.f32 v32, v31  }
0xab: {  	v53 =	vor.u32 v14, v50;
	v33 =	vmul.f32 v33, v34  }
0xac: {  	[tilespmem:v47+s29+$0x0] =	vst.idx.msk $0xffff, v31;
	v31 =	vor.u32 v15, v50  }
0xad: {  	[tilespmem:v49+s29+$0x0] =	vst.idx.msk $0xffff, v33  }
0xae: {  	v33 =	vld.idx.msk [tilespmem:v51+s11+$0x0], $0xffff  }
0xaf: {  	v32 =	vld.idx.msk [tilespmem:v52+s11+$0x0], $0xffff  }
0xb0: {  	v34 =	vld.idx.msk [tilespmem:v53+s11+$0x0], $0xffff  }
0xb1: {  	v31 =	vld.idx.msk [tilespmem:v31+s11+$0x0], $0xffff  }
0xb2: {  	v55 =	vbroadcast v28, $0x3;
	v54 =	vor.u32 s8, v16  }
0xb3: {  	v56 =	vor.u32 s8, v17  }
0xb4: {  	v57 =	vbroadcast v27, $0x3;
	v58 =	vor.u32 v18, v55;
	(v2sf) =	vpush v30, $0x8  }
0xb5: {  	v59 =	vor.u32 v19, v55;
	v33 =	vmul.f32 v34, v33  }
0xb6: {  	v60 =	vor.u32 v20, v57;
	(v2sf) =	vpush v30, $0x9;
	v31 =	vmul.f32 v31, v32  }
0xb7: {  	v61 =	vor.u32 v21, v57;
	[tilespmem:v54+s29+$0x0] =	vst.idx.msk $0xffff, v33  }
0xb8: {  	(v2sf) =	vpush v30, $0xA;
	[tilespmem:v56+s29+$0x0] =	vst.idx.msk $0xffff, v31  }
0xb9: {  	v31 =	vld.idx.msk [tilespmem:v58+s11+$0x0], $0xffff  }
0xba: {  	(v2sf) =	vpush v30, $0xB;
	v34 =	vld.idx.msk [tilespmem:v59+s11+$0x0], $0xffff  }
0xbb: {  	v32 =	vld.idx.msk [tilespmem:v60+s11+$0x0], $0xffff  }
0xbc: {  	(v2sf) =	vpush v29, $0x8;
	v33 =	vld.idx.msk [tilespmem:v61+s11+$0x0], $0xffff  }
0xbd: {  	v62 =	vor.u32 s8, v22  }
0xbe: {  	v63 =	vor.u32 s8, v23;
	(v2sf) =	vpush v29, $0x9;
	_ =	sdelay $0x1  }
0xbf: {  	(v2sf) =	vpush v29, $0xA;
	v31 =	vmul.f32 v32, v31  }
0xc0: {  	v39 =	vmul.f32 v33, v34  }
0xc1: {  	(v2sf) =	vpush v29, $0xB;
	[tilespmem:v62+s29+$0x0] =	vst.idx.msk $0xffff, v31  }
0xc2: {  	s8 =	spop (v2sf);
	[tilespmem:v63+s29+$0x0] =	vst.idx.msk $0xffff, v39  }
0xc3: {  	[tilespmem:s11], [sflag:$0x1] =	stream.strided.gather [hbm4b:s8+s11], $0x1000, s9, s11, $0x38;
	[tilespmem:$0x14400] =	vst v63  }
0xc4: {  	s8 =	spop (v2sf)  }
0xc5: {  	[tilespmem:s12], [sflag:$0x1] =	stream.strided.gather [hbm4b:s8+s11], $0x1000, s9, s11, $0x38;
	[tilespmem:$0x14400] =	vst v63  }
0xc6: {  	s8 =	spop (v2sf)  }
0xc7: {  	[tilespmem:s13], [sflag:$0x1] =	stream.strided.gather [hbm4b:s8+s11], $0x1000, s9, s11, $0x38;
	[tilespmem:$0x14400] =	vst v63  }
0xc8: {  	s8 =	spop (v2sf)  }
0xc9: {  	[tilespmem:s14], [sflag:$0x1] =	stream.strided.gather [hbm4b:s8+s11], $0x1000, s9, s11, $0x38;
	[tilespmem:$0x14400] =	vst v63  }
0xca: {  	s8 =	spop (v2sf)  }
0xcb: {  	[tilespmem:s15], [sflag:$0x1] =	stream.strided.gather [hbm4b:s8+s11], $0x1000, s9, s11, $0x38;
	[tilespmem:$0x14400] =	vst v63  }
0xcc: {  	s8 =	spop (v2sf)  }
0xcd: {  	[tilespmem:s16], [sflag:$0x1] =	stream.strided.gather [hbm4b:s8+s11], $0x1000, s9, s11, $0x38;
	[tilespmem:$0x14400] =	vst v63  }
0xce: {  	s8 =	spop (v2sf)  }
0xcf: {  	[tilespmem:s17], [sflag:$0x1] =	stream.strided.gather [hbm4b:s8+s11], $0x1000, s9, s11, $0x38;
	[tilespmem:$0x14400] =	vst v63  }
0xd0: {  	s8 =	spop (v2sf)  }
0xd1: {  	[tilespmem:s18], [sflag:$0x1] =	stream.strided.gather [hbm4b:s8+s11], $0x1000, s9, s11, $0x38;
	[tilespmem:$0x14400] =	vst v63  }
0xd2: {  	_ =	swait.ge [sflag:s30], $0x1000  }
0xd3: {  	[sflag:s30] =	ssyncset.done $0x0  }
0xd4: {  	[sflag:s30] =	ssyncadd.s32 $0xFFFFF000  }
0xd5: {  	_ =	swait.ge [sflag:s30], $0x1000  }
0xd6: {  	[sflag:s30] =	ssyncset.done $0x0  }
0xd7: {  	[sflag:s30] =	ssyncadd.s32 $0xFFFFF000  }
0xd8: {  	_ =	swait.ge [sflag:s30], $0x1000  }
0xd9: {  	[sflag:s30] =	ssyncset.done $0x0  }
0xda: {  	[sflag:s30] =	ssyncadd.s32 $0xFFFFF000  }
0xdb: {  	_ =	swait.ge [sflag:s30], $0x1000  }
0xdc: {  	[sflag:s30] =	ssyncset.done $0x0  }
0xdd: {  	[sflag:s30] =	ssyncadd.s32 $0xFFFFF000  }
0xde: {  	_ =	swait.ge [sflag:s30], $0x1000  }
0xdf: {  	[sflag:s30] =	ssyncset.done $0x0  }
0xe0: {  	[sflag:s30] =	ssyncadd.s32 $0xFFFFF000  }
0xe1: {  	_ =	swait.ge [sflag:s30], $0x1000  }
0xe2: {  	[sflag:s30] =	ssyncset.done $0x0  }
0xe3: {  	v31 =	vbroadcast v28, $0x4;
	[sflag:s30] =	ssyncadd.s32 $0xFFFFF000  }
0xe4: {  	_ =	swait.ge [sflag:s30], $0x1000  }
0xe5: {  	v40 =	vbroadcast v27, $0x4;
	v41 =	vor.u32 v1, v31;
	[sflag:s30] =	ssyncset.done $0x0  }
0xe6: {  	v31 =	vor.u32 v2, v31;
	[sflag:s30] =	ssyncadd.s32 $0xFFFFF000  }
0xe7: {  	v42 =	vor.u32 v3, v40;
	_ =	swait.ge [sflag:s30], $0x1000  }
0xe8: {  	v32 =	vor.u32 v4, v40;
	[sflag:s30] =	ssyncset.done $0x0  }
0xe9: {  	[sflag:s30] =	ssyncadd.s32 $0xFFFFF000  }
0xea: {  	v33 =	vld.idx.msk [tilespmem:v41+s19+$0x0], $0xffff  }
0xeb: {  	v31 =	vld.idx.msk [tilespmem:v31+s19+$0x0], $0xffff  }
0xec: {  	v34 =	vld.idx.msk [tilespmem:v42+s19+$0x0], $0xffff  }
0xed: {  	s8 =	sadd.s32 $0x100, s7;
	v32 =	vld.idx.msk [tilespmem:v32+s19+$0x0], $0xffff  }
0xee: {  	v44 =	vbroadcast v28, $0x5;
	v43 =	vor.u32 s8, v0  }
0xef: {  	v45 =	vor.u32 s8, v5  }
0xf0: {  	v46 =	vbroadcast v27, $0x5;
	v47 =	vor.u32 v6, v44  }
0xf1: {  	v48 =	vor.u32 v7, v44;
	v33 =	vmul.f32 v34, v33  }
0xf2: {  	v49 =	vor.u32 v8, v46;
	v31 =	vmul.f32 v32, v31  }
0xf3: {  	v50 =	vor.u32 v9, v46;
	[tilespmem:v43+s29+$0x0] =	vst.idx.msk $0xffff, v33  }
0xf4: {  	[tilespmem:v45+s29+$0x0] =	vst.idx.msk $0xffff, v31  }
0xf5: {  	v31 =	vld.idx.msk [tilespmem:v47+s19+$0x0], $0xffff  }
0xf6: {  	v34 =	vld.idx.msk [tilespmem:v48+s19+$0x0], $0xffff  }
0xf7: {  	v32 =	vld.idx.msk [tilespmem:v49+s19+$0x0], $0xffff  }
0xf8: {  	v33 =	vld.idx.msk [tilespmem:v50+s19+$0x0], $0xffff  }
0xf9: {  	v52 =	vbroadcast v28, $0x6;
	v51 =	vor.u32 s8, v10  }
0xfa: {  	v53 =	vor.u32 s8, v11  }
0xfb: {  	v55 =	vor.u32 v12, v52;
	v54 =	vbroadcast v27, $0x6  }
0xfc: {  	v56 =	vor.u32 v13, v52;
	v31 =	vmul.f32 v32, v31  }
0xfd: {  	v57 =	vor.u32 v14, v54;
	v33 =	vmul.f32 v33, v34  }
0xfe: {  	[tilespmem:v51+s29+$0x0] =	vst.idx.msk $0xffff, v31;
	v31 =	vor.u32 v15, v54  }
0xff: {  	[tilespmem:v53+s29+$0x0] =	vst.idx.msk $0xffff, v33  }
0x100: {  	v33 =	vld.idx.msk [tilespmem:v55+s19+$0x0], $0xffff  }
0x101: {  	v32 =	vld.idx.msk [tilespmem:v56+s19+$0x0], $0xffff  }
0x102: {  	v34 =	vld.idx.msk [tilespmem:v57+s19+$0x0], $0xffff  }
0x103: {  	v31 =	vld.idx.msk [tilespmem:v31+s19+$0x0], $0xffff  }
0x104: {  	v59 =	vbroadcast v28, $0x7;
	v58 =	vor.u32 s8, v16  }
0x105: {  	v60 =	vor.u32 s8, v17  }
0x106: {  	v61 =	vbroadcast v27, $0x7;
	v62 =	vor.u32 v18, v59;
	(v2sf) =	vpush v30, $0xC  }
0x107: {  	v63 =	vor.u32 v19, v59;
	v33 =	vmul.f32 v34, v33  }
0x108: {  	v36 =	vor.u32 v20, v61;
	(v2sf) =	vpush v30, $0xD;
	v31 =	vmul.f32 v31, v32  }
0x109: {  	v38 =	vor.u32 v21, v61;
	[tilespmem:v58+s29+$0x0] =	vst.idx.msk $0xffff, v33  }
0x10a: {  	(v2sf) =	vpush v30, $0xE;
	[tilespmem:v60+s29+$0x0] =	vst.idx.msk $0xffff, v31  }
0x10b: {  	v31 =	vld.idx.msk [tilespmem:v62+s19+$0x0], $0xffff  }
0x10c: {  	(v2sf) =	vpush v30, $0xF;
	v34 =	vld.idx.msk [tilespmem:v63+s19+$0x0], $0xffff  }
0x10d: {  	v30 =	vld.idx.msk [tilespmem:v36+s19+$0x0], $0xffff  }
0x10e: {  	(v2sf) =	vpush v29, $0xC;
	v40 =	vld.idx.msk [tilespmem:v38+s19+$0x0], $0xffff  }
0x10f: {  	v41 =	vor.u32 s8, v22  }
0x110: {  	v42 =	vor.u32 s8, v23;
	(v2sf) =	vpush v29, $0xD;
	_ =	sdelay $0x1  }
0x111: {  	(v2sf) =	vpush v29, $0xE;
	v30 =	vmul.f32 v30, v31  }
0x112: {  	v31 =	vmul.f32 v40, v34  }
0x113: {  	(v2sf) =	vpush v29, $0xF;
	[tilespmem:v41+s29+$0x0] =	vst.idx.msk $0xffff, v30  }
0x114: {  	s8 =	spop (v2sf);
	[tilespmem:v42+s29+$0x0] =	vst.idx.msk $0xffff, v31  }
0x115: {  	[tilespmem:s19], [sflag:$0x2] =	stream.strided.gather [hbm4b:s8+s11], $0x1000, s9, s11, $0x38;
	[tilespmem:$0x14400] =	vst v63  }
0x116: {  	s8 =	spop (v2sf)  }
0x117: {  	[tilespmem:s20], [sflag:$0x2] =	stream.strided.gather [hbm4b:s8+s11], $0x1000, s9, s11, $0x38;
	[tilespmem:$0x14400] =	vst v63  }
0x118: {  	s8 =	spop (v2sf)  }
0x119: {  	[tilespmem:s21], [sflag:$0x2] =	stream.strided.gather [hbm4b:s8+s11], $0x1000, s9, s11, $0x38;
	[tilespmem:$0x14400] =	vst v63  }
0x11a: {  	s8 =	spop (v2sf)  }
0x11b: {  	[tilespmem:s22], [sflag:$0x2] =	stream.strided.gather [hbm4b:s8+s11], $0x1000, s9, s11, $0x38;
	[tilespmem:$0x14400] =	vst v63  }
0x11c: {  	s8 =	spop (v2sf)  }
0x11d: {  	[tilespmem:s23], [sflag:$0x2] =	stream.strided.gather [hbm4b:s8+s11], $0x1000, s9, s11, $0x38;
	[tilespmem:$0x14400] =	vst v63  }
0x11e: {  	s8 =	spop (v2sf)  }
0x11f: {  	[tilespmem:s24], [sflag:$0x2] =	stream.strided.gather [hbm4b:s8+s11], $0x1000, s9, s11, $0x38;
	[tilespmem:$0x14400] =	vst v63  }
0x120: {  	s8 =	spop (v2sf)  }
0x121: {  	[tilespmem:s25], [sflag:$0x2] =	stream.strided.gather [hbm4b:s8+s11], $0x1000, s9, s11, $0x38;
	[tilespmem:$0x14400] =	vst v63  }
0x122: {  	s8 =	spop (v2sf)  }
0x123: {  	[tilespmem:s26], [sflag:$0x2] =	stream.strided.gather [hbm4b:s8+s11], $0x1000, s9, s11, $0x38;
	[tilespmem:$0x14400] =	vst v63  }
0x124: {  	_ =	swait.ge [sflag:s28], $0x1000  }
0x125: {  	[sflag:s28] =	ssyncset.done $0x0  }
0x126: {  	[sflag:s28] =	ssyncadd.s32 $0xFFFFF000  }
0x127: {  	_ =	swait.ge [sflag:s28], $0x1000  }
0x128: {  	[sflag:s28] =	ssyncset.done $0x0  }
0x129: {  	[sflag:s28] =	ssyncadd.s32 $0xFFFFF000  }
0x12a: {  	_ =	swait.ge [sflag:s28], $0x1000  }
0x12b: {  	[sflag:s28] =	ssyncset.done $0x0  }
0x12c: {  	[sflag:s28] =	ssyncadd.s32 $0xFFFFF000  }
0x12d: {  	_ =	swait.ge [sflag:s28], $0x1000  }
0x12e: {  	[sflag:s28] =	ssyncset.done $0x0  }
0x12f: {  	[sflag:s28] =	ssyncadd.s32 $0xFFFFF000  }
0x130: {  	_ =	swait.ge [sflag:s28], $0x1000  }
0x131: {  	[sflag:s28] =	ssyncset.done $0x0  }
0x132: {  	[sflag:s28] =	ssyncadd.s32 $0xFFFFF000  }
0x133: {  	_ =	swait.ge [sflag:s28], $0x1000  }
0x134: {  	[sflag:s28] =	ssyncset.done $0x0  }
0x135: {  	v29 =	vbroadcast v28, $0x8;
	[sflag:s28] =	ssyncadd.s32 $0xFFFFF000  }
0x136: {  	_ =	swait.ge [sflag:s28], $0x1000  }
0x137: {  	v30 =	vbroadcast v27, $0x8;
	v31 =	vor.u32 v1, v29;
	[sflag:s28] =	ssyncset.done $0x0  }
0x138: {  	v29 =	vor.u32 v2, v29;
	[sflag:s28] =	ssyncadd.s32 $0xFFFFF000  }
0x139: {  	v43 =	vor.u32 v3, v30;
	_ =	swait.ge [sflag:s28], $0x1000  }
0x13a: {  	v30 =	vor.u32 v4, v30;
	[sflag:s28] =	ssyncset.done $0x0  }
0x13b: {  	[sflag:s28] =	ssyncadd.s32 $0xFFFFF000  }
0x13c: {  	v31 =	vld.idx.msk [tilespmem:v31+s11+$0x0], $0xffff  }
0x13d: {  	v29 =	vld.idx.msk [tilespmem:v29+s11+$0x0], $0xffff  }
0x13e: {  	v32 =	vld.idx.msk [tilespmem:v43+s11+$0x0], $0xffff  }
0x13f: {  	s7 =	sadd.s32 $0x180, s7;
	v30 =	vld.idx.msk [tilespmem:v30+s11+$0x0], $0xffff  }
0x140: {  	v44 =	vor.u32 s7, v0;
	v45 =	vbroadcast v28, $0x9  }
0x141: {  	v46 =	vor.u32 s7, v5  }
0x142: {  	v47 =	vbroadcast v27, $0x9;
	v48 =	vor.u32 v6, v45  }
0x143: {  	v49 =	vor.u32 v7, v45;
	v31 =	vmul.f32 v32, v31  }
0x144: {  	v29 =	vmul.f32 v30, v29;
	v30 =	vor.u32 v8, v47  }
0x145: {  	[tilespmem:v44+s29+$0x0] =	vst.idx.msk $0xffff, v31;
	v31 =	vor.u32 v9, v47  }
0x146: {  	[tilespmem:v46+s29+$0x0] =	vst.idx.msk $0xffff, v29  }
0x147: {  	v29 =	vld.idx.msk [tilespmem:v48+s11+$0x0], $0xffff  }
0x148: {  	v32 =	vld.idx.msk [tilespmem:v49+s11+$0x0], $0xffff  }
0x149: {  	v30 =	vld.idx.msk [tilespmem:v30+s11+$0x0], $0xffff  }
0x14a: {  	v31 =	vld.idx.msk [tilespmem:v31+s11+$0x0], $0xffff  }
0x14b: {  	v50 =	vor.u32 s7, v10;
	v51 =	vbroadcast v28, $0xA  }
0x14c: {  	v52 =	vor.u32 s7, v11  }
0x14d: {  	v53 =	vbroadcast v27, $0xA;
	v54 =	vor.u32 v12, v51  }
0x14e: {  	v29 =	vmul.f32 v30, v29;
	v30 =	vor.u32 v13, v51  }
0x14f: {  	v55 =	vor.u32 v14, v53;
	v31 =	vmul.f32 v31, v32  }
0x150: {  	[tilespmem:v50+s29+$0x0] =	vst.idx.msk $0xffff, v29;
	v29 =	vor.u32 v15, v53  }
0x151: {  	[tilespmem:v52+s29+$0x0] =	vst.idx.msk $0xffff, v31  }
0x152: {  	v31 =	vld.idx.msk [tilespmem:v54+s11+$0x0], $0xffff  }
0x153: {  	v30 =	vld.idx.msk [tilespmem:v30+s11+$0x0], $0xffff  }
0x154: {  	v32 =	vld.idx.msk [tilespmem:v55+s11+$0x0], $0xffff  }
0x155: {  	v29 =	vld.idx.msk [tilespmem:v29+s11+$0x0], $0xffff  }
0x156: {  	v56 =	vor.u32 s7, v16;
	v57 =	vbroadcast v28, $0xB  }
0x157: {  	v58 =	vor.u32 s7, v17  }
0x158: {  	v59 =	vbroadcast v27, $0xB;
	v60 =	vor.u32 v18, v57  }
0x159: {  	v61 =	vor.u32 v19, v57;
	v31 =	vmul.f32 v32, v31  }
0x15a: {  	v29 =	vmul.f32 v29, v30;
	v30 =	vor.u32 v20, v59  }
0x15b: {  	[tilespmem:v56+s29+$0x0] =	vst.idx.msk $0xffff, v31;
	v31 =	vor.u32 v21, v59  }
0x15c: {  	[tilespmem:v58+s29+$0x0] =	vst.idx.msk $0xffff, v29  }
0x15d: {  	v29 =	vld.idx.msk [tilespmem:v60+s11+$0x0], $0xffff  }
0x15e: {  	v32 =	vld.idx.msk [tilespmem:v61+s11+$0x0], $0xffff  }
0x15f: {  	v30 =	vld.idx.msk [tilespmem:v30+s11+$0x0], $0xffff  }
0x160: {  	v31 =	vld.idx.msk [tilespmem:v31+s11+$0x0], $0xffff  }
0x161: {  	s2 =	sadd.s32 $0x4, s2;
	v62 =	vor.u32 s7, v22  }
0x162: {  	p0 =	sne.s32 s2, $0x7F;
	v63 =	vor.u32 s7, v23  }
.Ltmp3:
0x163: {  	_ = 	snop;
	(pc) =	sbr.rel @!p0 .LBB2_5-.Ltmp3, $4  }
0x164: {  	v29 =	vmul.f32 v30, v29  }
0x165: {  	v30 =	vmul.f32 v31, v32  }
0x166: {  	[tilespmem:v62+s29+$0x0] =	vst.idx.msk $0xffff, v29  }
0x167: {  	s6 =	sadd.s32 $0x10, s6;
	s0 =	sadd.s32 $0x10, s0;
	s5 =	sadd.s32 $0x10, s5;
	[tilespmem:v63+s29+$0x0] =	vst.idx.msk $0xffff, v30  }
.LBB2_2:
0x168: {  	v31 =	vld [tilespmem:s6+$0x0];
	_ =	sdelay $0x4  }
0x169: {  	v29 =	vand.u32 $0xFFFFFF80, v31  }
0x16a: {  	v30 =	vadd.s32 s1, v29  }
0x16b: {  	(v2sf) =	vpush v30, $0x0  }
0x16c: {  	v32 =	vld [tilespmem:s0+$0x0]  }
0x16d: {  	(v2sf) =	vpush v30, $0x1;
	_ =	sdelay $0x1  }
0x16e: {  	(v2sf) =	vpush v30, $0x2;
	_ =	sdelay $0x1  }
0x16f: {  	v29 =	vand.u32 $0xFFFFFF80, v32;
	(v2sf) =	vpush v30, $0x3  }
0x170: {  	v29 =	vadd.s32 s3, v29  }
0x171: {  	(v2sf) =	vpush v29, $0x0;
	_ =	sdelay $0x1  }
0x172: {  	(v2sf) =	vpush v29, $0x1;
	_ =	sdelay $0x2  }
0x173: {  	(v2sf) =	vpush v29, $0x2;
	_ =	sdelay $0x1  }
0x174: {  	(v2sf) =	vpush v29, $0x3;
	s7 =	spop (v2sf)  }
0x175: {  	[tilespmem:s11], [sflag:$0x1] =	stream.strided.gather [hbm4b:s7+s11], $0x1000, s9, s11, $0x38;
	[tilespmem:$0x14400] =	vst v63  }
0x176: {  	s8 =	spop (v2sf)  }
0x177: {  	[tilespmem:s12], [sflag:$0x1] =	stream.strided.gather [hbm4b:s8+s11], $0x1000, s9, s11, $0x38;
	[tilespmem:$0x14400] =	vst v63  }
0x178: {  	s8 =	spop (v2sf)  }
0x179: {  	[tilespmem:s13], [sflag:$0x1] =	stream.strided.gather [hbm4b:s8+s11], $0x1000, s9, s11, $0x38;
	[tilespmem:$0x14400] =	vst v63  }
0x17a: {  	s8 =	spop (v2sf)  }
0x17b: {  	[tilespmem:s14], [sflag:$0x1] =	stream.strided.gather [hbm4b:s8+s11], $0x1000, s9, s11, $0x38;
	[tilespmem:$0x14400] =	vst v63  }
0x17c: {  	s8 =	spop (v2sf)  }
0x17d: {  	[tilespmem:s15], [sflag:$0x1] =	stream.strided.gather [hbm4b:s8+s11], $0x1000, s9, s11, $0x38;
	[tilespmem:$0x14400] =	vst v63  }
0x17e: {  	p0 =	seq.s32 s2, $0xFFFFFFFF;
	s8 =	spop (v2sf)  }
0x17f: {  	[tilespmem:s16], [sflag:$0x1] =	stream.strided.gather [hbm4b:s8+s11], $0x1000, s9, s11, $0x38;
	[tilespmem:$0x14400] =	vst v63  }
.Ltmp4:
0x180: {  	_ = 	snop;
	(pc) =	sbr.rel @p0 .LBB2_4-.Ltmp4, $4  }
0x181: {  	s8 =	spop (v2sf)  }
0x182: {  	[tilespmem:s17], [sflag:$0x1] =	stream.strided.gather [hbm4b:s8+s11], $0x1000, s9, s11, $0x38;
	[tilespmem:$0x14400] =	vst v63  }
0x183: {  	s8 =	spop (v2sf)  }
0x184: {  	[tilespmem:s18], [sflag:$0x1] =	stream.strided.gather [hbm4b:s8+s11], $0x1000, s9, s11, $0x38;
	[tilespmem:$0x14400] =	vst v63  }
0x185: {  	_ =	swait.ge [sflag:s30], $0x1000  }
0x186: {  	[sflag:s30] =	ssyncset.done $0x0  }
0x187: {  	[sflag:s30] =	ssyncadd.s32 $0xFFFFF000  }
0x188: {  	_ =	swait.ge [sflag:s30], $0x1000  }
0x189: {  	[sflag:s30] =	ssyncset.done $0x0  }
0x18a: {  	[sflag:s30] =	ssyncadd.s32 $0xFFFFF000  }
0x18b: {  	_ =	swait.ge [sflag:s30], $0x1000  }
0x18c: {  	[sflag:s30] =	ssyncset.done $0x0  }
0x18d: {  	[sflag:s30] =	ssyncadd.s32 $0xFFFFF000  }
0x18e: {  	_ =	swait.ge [sflag:s30], $0x1000  }
0x18f: {  	[sflag:s30] =	ssyncset.done $0x0  }
0x190: {  	[sflag:s30] =	ssyncadd.s32 $0xFFFFF000  }
0x191: {  	_ =	swait.ge [sflag:s30], $0x1000  }
0x192: {  	[sflag:s30] =	ssyncset.done $0x0  }
0x193: {  	[sflag:s30] =	ssyncadd.s32 $0xFFFFF000  }
0x194: {  	_ =	swait.ge [sflag:s30], $0x1000  }
0x195: {  	[sflag:s30] =	ssyncset.done $0x0  }
0x196: {  	v33 =	vbroadcast v28, $0xC;
	[sflag:s30] =	ssyncadd.s32 $0xFFFFF000  }
0x197: {  	_ =	swait.ge [sflag:s30], $0x1000  }
0x198: {  	v34 =	vbroadcast v27, $0xC;
	v35 =	vor.u32 v1, v33;
	[sflag:s30] =	ssyncset.done $0x0  }
0x199: {  	v33 =	vor.u32 v2, v33;
	[sflag:s30] =	ssyncadd.s32 $0xFFFFF000  }
0x19a: {  	v36 =	vor.u32 v3, v34;
	_ =	swait.ge [sflag:s30], $0x1000  }
0x19b: {  	v34 =	vor.u32 v4, v34;
	[sflag:s30] =	ssyncset.done $0x0  }
0x19c: {  	[sflag:s30] =	ssyncadd.s32 $0xFFFFF000  }
0x19d: {  	v35 =	vld.idx.msk [tilespmem:v35+s19+$0x0], $0xffff  }
0x19e: {  	v33 =	vld.idx.msk [tilespmem:v33+s19+$0x0], $0xffff  }
0x19f: {  	v36 =	vld.idx.msk [tilespmem:v36+s19+$0x0], $0xffff  }
0x1a0: {  	s7 =	sshll.u32 s2, $0x7;
	v34 =	vld.idx.msk [tilespmem:v34+s19+$0x0], $0xffff  }
0x1a1: {  	v38 =	vbroadcast v28, $0xD;
	v37 =	vor.u32 s7, v0  }
0x1a2: {  	v39 =	vor.u32 s7, v5  }
0x1a3: {  	v40 =	vbroadcast v27, $0xD;
	v41 =	vor.u32 v6, v38  }
0x1a4: {  	s8 =	sshll.u32 s5, $0x10;
	v47 =	vor.u32 v7, v38;
	v35 =	vmul.f32 v36, v35  }
0x1a5: {  	s7 =	sshra.s32 s8, $0x1F;
	v48 =	vor.u32 v8, v40;
	v33 =	vmul.f32 v34, v33  }
0x1a6: {  	v49 =	vor.u32 v9, v40;
	s7 =	sand.u32 $0x3, s7;
	[tilespmem:v37+s29+$0x0] =	vst.idx.msk $0xffff, v35  }
0x1a7: {  	s7 =	sadd.s32 s7, s5;
	[tilespmem:v39+s29+$0x0] =	vst.idx.msk $0xffff, v33  }
0x1a8: {  	s7 =	sshll.u32 s7, $0x10;
	v33 =	vld.idx.msk [tilespmem:v41+s19+$0x0], $0xffff  }
0x1a9: {  	s8 =	sshra.s32 s5, $0x1F;
	s7 =	sshra.s32 s7, $0x12;
	v36 =	vld.idx.msk [tilespmem:v47+s19+$0x0], $0xffff  }
0x1aa: {  	s7 =	sadd.s32 s7, s8;
	v34 =	vld.idx.msk [tilespmem:v48+s19+$0x0], $0xffff  }
0x1ab: {  	s7 =	sshll.u32 s7, $0x7;
	v35 =	vld.idx.msk [tilespmem:v49+s19+$0x0], $0xffff  }
0x1ac: {  	v51 =	vbroadcast v28, $0xE;
	v50 =	vor.u32 s7, v10  }
0x1ad: {  	v52 =	vor.u32 s7, v11  }
0x1ae: {  	v53 =	vbroadcast v27, $0xE;
	v54 =	vor.u32 v12, v51;
	s7 =	sadd.s32 $0x1, s5  }
0x1af: {  	v55 =	vor.u32 v13, v51;
	s8 =	sshll.u32 s7, $0x10;
	v33 =	vmul.f32 v34, v33  }
0x1b0: {  	v56 =	vor.u32 v14, v53;
	s8 =	sshra.s32 s8, $0x1F;
	v35 =	vmul.f32 v35, v36  }
0x1b1: {  	v57 =	vor.u32 v15, v53;
	s8 =	sand.u32 $0x3, s8;
	[tilespmem:v50+s29+$0x0] =	vst.idx.msk $0xffff, v33  }
0x1b2: {  	s8 =	sadd.s32 s8, s7;
	[tilespmem:v52+s29+$0x0] =	vst.idx.msk $0xffff, v35  }
0x1b3: {  	s8 =	sshll.u32 s8, $0x10;
	v35 =	vld.idx.msk [tilespmem:v54+s19+$0x0], $0xffff  }
0x1b4: {  	s7 =	sshra.s32 s7, $0x1F;
	s8 =	sshra.s32 s8, $0x12;
	v34 =	vld.idx.msk [tilespmem:v55+s19+$0x0], $0xffff  }
0x1b5: {  	s7 =	sadd.s32 s8, s7;
	v36 =	vld.idx.msk [tilespmem:v56+s19+$0x0], $0xffff  }
0x1b6: {  	s7 =	sshll.u32 s7, $0x7;
	v33 =	vld.idx.msk [tilespmem:v57+s19+$0x0], $0xffff  }
0x1b7: {  	v28 =	vbroadcast v28, $0xF;
	v58 =	vor.u32 s7, v16  }
0x1b8: {  	v59 =	vor.u32 s7, v17  }
0x1b9: {  	v27 =	vbroadcast v27, $0xF;
	v60 =	vor.u32 v18, v28;
	s7 =	sadd.s32 $0x2, s5  }
0x1ba: {  	v28 =	vor.u32 v19, v28;
	s8 =	sshll.u32 s7, $0x10;
	v35 =	vmul.f32 v36, v35  }
0x1bb: {  	v61 =	vor.u32 v20, v27;
	s8 =	sshra.s32 s8, $0x1F;
	v33 =	vmul.f32 v33, v34  }
0x1bc: {  	v27 =	vor.u32 v21, v27;
	s8 =	sand.u32 $0x3, s8;
	[tilespmem:v58+s29+$0x0] =	vst.idx.msk $0xffff, v35  }
0x1bd: {  	s8 =	sadd.s32 s8, s7;
	[tilespmem:v59+s29+$0x0] =	vst.idx.msk $0xffff, v33  }
0x1be: {  	s8 =	sshll.u32 s8, $0x10;
	v33 =	vld.idx.msk [tilespmem:v60+s19+$0x0], $0xffff  }
0x1bf: {  	s7 =	sshra.s32 s7, $0x1F;
	s8 =	sshra.s32 s8, $0x12;
	v28 =	vld.idx.msk [tilespmem:v28+s19+$0x0], $0xffff  }
0x1c0: {  	s7 =	sadd.s32 s8, s7;
	v34 =	vld.idx.msk [tilespmem:v61+s19+$0x0], $0xffff  }
0x1c1: {  	s7 =	sshll.u32 s7, $0x7;
	v27 =	vld.idx.msk [tilespmem:v27+s19+$0x0], $0xffff  }
0x1c2: {  	v62 =	vor.u32 s7, v22  }
0x1c3: {  	v63 =	vor.u32 s7, v23  }
.Ltmp5:
0x1c4: {  	_ = 	snop;
	(pc) =	sbr.rel .LBB2_4-.Ltmp5, $4  }
0x1c5: {  	v33 =	vmul.f32 v34, v33  }
0x1c6: {  	v27 =	vmul.f32 v27, v28  }
0x1c7: {  	[tilespmem:v62+s29+$0x0] =	vst.idx.msk $0xffff, v33  }
0x1c8: {  	[tilespmem:v63+s29+$0x0] =	vst.idx.msk $0xffff, v27  }
.LBB2_6:
0x1c9: {  	_ =	sfence.sel $0x180000  }
0x1ca: {  	[bflag:$0x0] =	sbarrier.arrive $0xFFFF  }
0x1cb: {  	_ =	strace $0x90000047  }
0x1cc: {  	s0 =	stileid.u32;
	[bflag:$0x2] =	sbarrier.arrive $0xFFFF  }
0x1cd: {  	p0 =	sne.s32 s0, $0x0;
	s0 =	rddreg [dreg:$0x5]  }
0x1ce: {  	s0 =	sadd.s32 @!p0 $0x100000, s0  }
0x1cf: {  	[sflag:s0] =	ssyncadd.tile.s32 @!p0 $0x1;
	_ =	shalt  }
.Lfunc_end2:
_tile_overlayer_lowered:
.L_overlay_start_2:
0x1d0: {  	(tag) =	ssettag $0x2  }
0x1d1: {  	s0 =	rddreg [dreg:$0x0];
	s2 =	stileid.u32  }
0x1d2: {  	s1 =	rddreg [dreg:$0x1];
	p0 =	sne.s32 s2, $0x0  }
0x1d3: {  	s3 =	rddreg [dreg:$0x2];
	[bflag:$0x3] =	sbarrier.arrive $0xFFFF;
	s2 =	simm.s32 @!p0 $0x1C03  }
0x1d4: {  	[timem:s3], [sflag:s2] =	dma.local @!p0 [hbm:s0], s1  }
0x1d5: {  	s0 =	simm.s32 @!p0 $0x3  }
0x1d6: {  	_ =	swait.ge @!p0 [sflag:s0], s1  }
0x1d7: {  	s1 =	ssub.s32 @!p0 $0x0, s1;
	[sflag:s0] =	ssyncset.done @!p0 $0x0  }
0x1d8: {  	[sflag:s0] =	ssyncadd.s32 @!p0 s1  }
0x1d9: {  	[bflag:$0x3] =	sbarrier.arrive $0xFFFF  }
0x1da: {  	_ =	shalt  }

</sc_bundles>
